<compile_context>
chip_gen: v7x
topology: tpu7x:2x2x1
jax: 0.10.2.dev20260603
libtpu: 0.0.44.dev20260713+nightly
codegen_flags: <defaults>
</compile_context>

<pallas_src>
import functools

import jax
import jax.numpy as jnp
from jax import lax
from jax._src import config as _config
from jax.experimental import pallas as pl
from jax.experimental.pallas import tpu as pltpu
from jax.experimental.pallas import tpu_sc as plsc

N = 10000
D = 128
E = 320000

NC = 2
NS = 16
L = 16

NPAD = 10240
B = 128
NB = 160
CH = 16
NCH = NB // CH
EPT = NB * B
EPAD = EPT * NS
EPW = EPAD // (NC * NS)
RPT = NPAD // NS


def _deg_body(src_hbm, dst_hbm, out_hbm, src_v, dst_v, dout_v, din_v):
    c = lax.axis_index("c")
    s = lax.axis_index("s")
    wid = s * jnp.int32(NC) + c
    pltpu.sync_copy(src_hbm.at[wid], src_v)
    pltpu.sync_copy(dst_hbm.at[wid], dst_v)

    zero = jnp.zeros((L,), jnp.float32)

    @pl.loop(0, NPAD // L)
    def _zero(r):
        off = r * jnp.int32(L)
        dout_v[pl.ds(off, L)] = zero
        din_v[pl.ds(off, L)] = zero

    ones = jnp.ones((L,), jnp.float32)

    @pl.loop(0, EPW // L)
    def _hist(i):
        off = i * jnp.int32(L)
        si = src_v[pl.ds(off, L)]
        di = dst_v[pl.ds(off, L)]
        plsc.addupdate_scatter(dout_v, [si], ones)
        plsc.addupdate_scatter(din_v, [di], ones)

    pltpu.sync_copy(dout_v, out_hbm.at[wid, 0])
    pltpu.sync_copy(din_v, out_hbm.at[wid, 1])



_BR2 = 2048


def _scale_body(deg_ref, feat_ref, hx_ref, u_ref, nd_ref):
    deg = jnp.sum(deg_ref[...], axis=0)
    od = deg[0]
    ig = deg[1]
    ns = lax.rsqrt(jnp.where(od > 0, od, 1.0))
    nd = lax.rsqrt(jnp.where(ig > 0, ig, 1.0))
    u_ref[0] = feat_ref[...] * ns[:, None]
    u_ref[1] = hx_ref[...] * ns[:, None]
    nd_ref[:, 0] = nd


def _scale(deg_parts, feat_pad, hx_pad):
    return pl.pallas_call(
        _scale_body,
        grid=(NPAD // _BR2,),
        in_specs=[
            pl.BlockSpec((NC * NS, 2, _BR2), lambda g: (0, 0, g)),
            pl.BlockSpec((_BR2, D), lambda g: (g, 0)),
            pl.BlockSpec((_BR2, D), lambda g: (g, 0)),
        ],
        out_specs=[
            pl.BlockSpec((2, _BR2, D), lambda g: (0, g, 0)),
            pl.BlockSpec((_BR2, 1), lambda g: (g, 0)),
        ],
        out_shape=[
            jax.ShapeDtypeStruct((2, NPAD, D), jnp.float32),
            jax.ShapeDtypeStruct((NPAD, 1), jnp.float32),
        ],
    )(deg_parts, feat_pad, hx_pad)



def _agg_body(u_hbm, src_hbm, dst_hbm, zeros_hbm, out_hbm,
              acc, src_v, dst_v, rows, sg0, sg1, ss0, ss1):
    c = lax.axis_index("c")
    s = lax.axis_index("s")
    row0 = s * jnp.int32(RPT)
    table = u_hbm.at[c]
    pltpu.sync_copy(zeros_hbm.at[pl.ds(row0, RPT)],
                    acc.at[pl.ds(row0, RPT)])
    plsc.subcore_barrier()

    sg = (sg0, sg1)
    ss = (ss0, ss1)

    @pl.loop(0, NCH)
    def _chunk(ch):
        b0 = ch * jnp.int32(CH)
        pltpu.sync_copy(src_hbm.at[s, pl.ds(b0, CH)], src_v)
        pltpu.sync_copy(dst_hbm.at[s, pl.ds(b0, CH)], dst_v)
        gathers = {}
        scatters = {}
        for j in range(CH):
            b = j % 2
            if j >= 2:
                scatters[j - 2].wait()
            gathers[j] = pltpu.async_copy(
                table.at[src_v.at[j]], rows.at[b], sg[b])
            if j >= 1:
                pb = (j - 1) % 2
                gathers[j - 1].wait()
                scatters[j - 1] = pltpu.async_copy(
                    rows.at[pb], acc.at[dst_v.at[j - 1]], ss[pb], add=True)
        lb = (CH - 1) % 2
        gathers[CH - 1].wait()
        scatters[CH - 1] = pltpu.async_copy(
            rows.at[lb], acc.at[dst_v.at[CH - 1]], ss[lb], add=True)
        scatters[CH - 2].wait()
        scatters[CH - 1].wait()

    plsc.subcore_barrier()
    pltpu.sync_copy(acc.at[pl.ds(row0, RPT)],
                    out_hbm.at[c, pl.ds(row0, RPT)])



_BR4 = 2000


def _gru_body(agg_ref, nd_ref, hx_ref, wi_ref, bi_ref, wh_ref, bh_ref, out_ref):
    nd = nd_ref[...]
    af = agg_ref[0] * nd
    ah = agg_ref[1] * nd
    i = jnp.dot(af, wi_ref[...], preferred_element_type=jnp.float32) + bi_ref[...]
    h = jnp.dot(ah, wh_ref[...], preferred_element_type=jnp.float32) + bh_ref[...]
    i_r, i_z, i_n = jnp.split(i, 3, axis=-1)
    h_r, h_z, h_n = jnp.split(h, 3, axis=-1)
    r = jax.nn.sigmoid(i_r + h_r)
    z = jax.nn.sigmoid(i_z + h_z)
    n = jnp.tanh(i_n + r * h_n)
    out_ref[...] = (1.0 - z) * n + z * hx_ref[...]


def _gru(agg, norm_dst, hx, W_i, b_i, W_h, b_h):
    return pl.pallas_call(
        _gru_body,
        grid=(N // _BR4,),
        in_specs=[
            pl.BlockSpec((NC, _BR4, D), lambda g: (0, g, 0)),
            pl.BlockSpec((_BR4, 1), lambda g: (g, 0)),
            pl.BlockSpec((_BR4, D), lambda g: (g, 0)),
            pl.BlockSpec((D, 3 * D), lambda g: (0, 0)),
            pl.BlockSpec((1, 3 * D), lambda g: (0, 0)),
            pl.BlockSpec((D, 3 * D), lambda g: (0, 0)),
            pl.BlockSpec((1, 3 * D), lambda g: (0, 0)),
        ],
        out_specs=pl.BlockSpec((_BR4, D), lambda g: (g, 0)),
        out_shape=jax.ShapeDtypeStruct((N, D), jnp.float32),
    )(agg, norm_dst, hx, W_i, b_i, W_h, b_h)



@functools.cache
def _sc_kernels():
    mesh = plsc.VectorSubcoreMesh(
        core_axis_name="c", subcore_axis_name="s",
        num_cores=NC, num_subcores=NS)
    params = pltpu.CompilerParams(needs_layout_passes=False)
    deg_kernel = pl.kernel(
        _deg_body,
        out_type=jax.ShapeDtypeStruct((NC * NS, 2, NPAD), jnp.float32),
        mesh=mesh,
        compiler_params=params,
        scratch_types=[
            pltpu.VMEM((EPW,), jnp.int32),
            pltpu.VMEM((EPW,), jnp.int32),
            pltpu.VMEM((NPAD,), jnp.float32),
            pltpu.VMEM((NPAD,), jnp.float32),
        ],
    )
    agg_kernel = pl.kernel(
        _agg_body,
        out_type=jax.ShapeDtypeStruct((NC, NPAD, D), jnp.float32),
        mesh=mesh,
        compiler_params=params,
        scratch_types=[
            pltpu.VMEM_SHARED((NPAD, D), jnp.float32),
            pltpu.VMEM((CH, B), jnp.int32),
            pltpu.VMEM((CH, B), jnp.int32),
            pltpu.VMEM((2, B, D), jnp.float32),
            pltpu.SemaphoreType.DMA,
            pltpu.SemaphoreType.DMA,
            pltpu.SemaphoreType.DMA,
            pltpu.SemaphoreType.DMA,
        ],
    )
    return deg_kernel, agg_kernel



def kernel(feat, hx, edge_index, W_i, b_i, W_h, b_h):
    with _config.enable_x64(False):
        out = _kernel_impl(feat, hx, edge_index, W_i, b_i, W_h, b_h)
    out_dtype = jnp.result_type(jnp.promote_types(W_i.dtype, feat.dtype))
    return out.astype(out_dtype)


def _kernel_impl(feat, hx, edge_index, W_i, b_i, W_h, b_h):
    feat = feat.astype(jnp.float32)
    hx = hx.astype(jnp.float32)
    W_i = W_i.astype(jnp.float32)
    b_i = b_i.astype(jnp.float32)
    W_h = W_h.astype(jnp.float32)
    b_h = b_h.astype(jnp.float32)
    ei = edge_index.astype(jnp.int32)
    pad = EPAD - E
    src = jnp.concatenate([ei[0], jnp.full((pad,), N, jnp.int32)])
    dst = jnp.concatenate([ei[1], jnp.full((pad,), N, jnp.int32)])
    src2 = src.reshape(NC * NS, EPW)
    dst2 = dst.reshape(NC * NS, EPW)
    src3 = src.reshape(NS, NB, B)
    dst3 = dst.reshape(NS, NB, B)

    feat_pad = jnp.pad(feat, ((0, NPAD - N), (0, 0)))
    hx_pad = jnp.pad(hx, ((0, NPAD - N), (0, 0)))
    zeros = jnp.zeros((NPAD, D), jnp.float32)

    deg_kernel, agg_kernel = _sc_kernels()
    deg_parts = deg_kernel(src2, dst2)
    u, norm_dst = _scale(deg_parts, feat_pad, hx_pad)
    agg = agg_kernel(u, src3, dst3, zeros)
    return _gru(agg, norm_dst, hx, W_i, b_i.reshape(1, 3 * D),
                W_h, b_h.reshape(1, 3 * D))

# --- scband reference (transcript-rebuilt; emitter-appended) ---
"""Pipeline reference for scband-gcgrucell-29764123361454 (READ-ONLY COPY).

The authoritative reference and input builder live on the scoring server;
editing this copy changes nothing except your own understanding.
"""

import jax, jax.numpy as jnp
import numpy as np
jax.config.update("jax_enable_x64", True)

N = 10000
E = 320000
D = 128
H = 128


def setup_inputs(seed: int = 0) -> dict:
    key = jax.random.key(seed)
    ks = jax.random.split(key, 8)
    feat = jax.random.normal(ks[0], (N, D), dtype=jnp.float32)
    hx = jax.random.normal(ks[1], (N, H), dtype=jnp.float32)
    edge_index = jax.random.randint(ks[2], (2, E), 0, N, dtype=jnp.int64)
    W_i = jax.random.normal(ks[3], (D, 3 * H), dtype=jnp.float32) * (1.0 / np.sqrt(D))
    b_i = jnp.zeros((3 * H,), dtype=jnp.float32)
    W_h = jax.random.normal(ks[4], (H, 3 * H), dtype=jnp.float32) * (1.0 / np.sqrt(H))
    b_h = jnp.zeros((3 * H,), dtype=jnp.float32)
    return {"feat": feat, "hx": hx, "edge_index": edge_index,
            "W_i": W_i, "b_i": b_i, "W_h": W_h, "b_h": b_h}


def _gcn_conv(x, W, b, src, dst, n_nodes):
    # DGL GraphConv with norm='both': D_src^{-1/2} A D_dst^{-1/2} X W + b
    ones = jnp.ones((src.shape[0],), dtype=x.dtype)
    out_deg = jnp.zeros((n_nodes,), dtype=x.dtype).at[src].add(ones)
    in_deg = jnp.zeros((n_nodes,), dtype=x.dtype).at[dst].add(ones)
    norm_src = jnp.where(out_deg > 0, out_deg, 1.0) ** -0.5
    norm_dst = jnp.where(in_deg > 0, in_deg, 1.0) ** -0.5
    xs = x * norm_src[:, None]
    m = xs[src]                                   # gather over edges
    agg = jnp.zeros((n_nodes, x.shape[1]), dtype=x.dtype).at[dst].add(m)  # scatter-add
    agg = agg * norm_dst[:, None]
    return agg @ W + b


def reference(feat, hx, edge_index, W_i, b_i, W_h, b_h):
    src = edge_index[0]
    dst = edge_index[1]
    n_nodes = feat.shape[0]
    i = _gcn_conv(feat, W_i, b_i, src, dst, n_nodes)
    h = _gcn_conv(hx, W_h, b_h, src, dst, n_nodes)
    i_r, i_z, i_n = jnp.split(i, 3, axis=-1)
    h_r, h_z, h_n = jnp.split(h, 3, axis=-1)
    r = jax.nn.sigmoid(i_r + h_r)
    z = jax.nn.sigmoid(i_z + h_z)
    n = jnp.tanh(i_n + r * h_n)
    h_new = (1 - z) * n + z * hx
    return h_new

if __name__ == "__main__":
    import jax
    _d = setup_inputs()
    print(jax.jit(kernel)(*tuple(_d.values())))

</pallas_src>

<mosaic_0001>
#map = affine_map<(d0, d1) -> (0, 0)>
#map1 = affine_map<(d0, d1) -> (0, 0, 0)>
module attributes {stable_mosaic.version = 14 : i64} {
  func.func @_deg_body(%arg0: i32, %arg1: i32, %arg2: memref<32x10240xi32, #tpu.memory_space<hbm>>, %arg3: memref<32x10240xi32, #tpu.memory_space<hbm>>, %arg4: memref<32x2x10240xf32, #tpu.memory_space<hbm>>, %arg5: memref<10240xi32, #tpu.memory_space<vmem>>, %arg6: memref<10240xi32, #tpu.memory_space<vmem>>, %arg7: memref<10240xf32, #tpu.memory_space<vmem>>, %arg8: memref<10240xf32, #tpu.memory_space<vmem>>) attributes {dimension_semantics = [#tpu.dimension_semantics<core_parallel>, #tpu.dimension_semantics<subcore_parallel>], iteration_bounds = array<i64: 2, 16>, scalar_prefetch = 0 : i64, scratch_operands = 4 : i64, tpu.core_type = #tpu.core_type<sc_vector_subcore>, window_params = [{transform_indices = #map}, {transform_indices = #map}, {transform_indices = #map1}]} {
    %mul3A = arith.constant 2 : i32
    %mul3A_0 = arith.muli %arg1, %mul3A : i32
    %add3A = arith.addi %mul3A_0, %arg0 : i32
    "tpu.region"() ({
      %run_scoped3A_14 = tpu.sem_alloc : memref<!tpu.dma_semaphore, #tpu.memory_space<semaphore_mem>>
      %dma_start3A = arith.constant 0 : i32
      %dma_start3A_15 = tpu.memref_slice %arg2[%add3A, %dma_start3A] : memref<32x10240xi32, #tpu.memory_space<hbm>> -> memref<1x10240xi32, #tpu.memory_space<hbm>>
      %dma_start3A_16 = tpu.memref_squeeze %dma_start3A_15 : memref<1x10240xi32, #tpu.memory_space<hbm>> -> memref<10240xi32, #tpu.memory_space<hbm>>
      %dma_start3A_17 = arith.constant 0 : i32
      %dma_start3A_18 = tpu.memref_slice %arg2[%add3A, %dma_start3A_17] : memref<32x10240xi32, #tpu.memory_space<hbm>> -> memref<1x10240xi32, #tpu.memory_space<hbm>>
      %dma_start3A_19 = tpu.memref_squeeze %dma_start3A_18 : memref<1x10240xi32, #tpu.memory_space<hbm>> -> memref<10240xi32, #tpu.memory_space<hbm>>
      tpu.enqueue_dma source(%dma_start3A_19 : memref<10240xi32, #tpu.memory_space<hbm>>) target(%arg5 : memref<10240xi32, #tpu.memory_space<vmem>>) target_semaphore(%run_scoped3A_14 : memref<!tpu.dma_semaphore, #tpu.memory_space<semaphore_mem>>)
      %dma_wait3A = arith.constant 0 : i32
      %dma_wait3A_20 = tpu.memref_slice %arg2[%add3A, %dma_wait3A] : memref<32x10240xi32, #tpu.memory_space<hbm>> -> memref<1x10240xi32, #tpu.memory_space<hbm>>
      %dma_wait3A_21 = tpu.memref_squeeze %dma_wait3A_20 : memref<1x10240xi32, #tpu.memory_space<hbm>> -> memref<10240xi32, #tpu.memory_space<hbm>>
      %dma_wait3A_22 = arith.constant 0 : i32
      %dma_wait3A_23 = tpu.memref_slice %arg2[%add3A, %dma_wait3A_22] : memref<32x10240xi32, #tpu.memory_space<hbm>> -> memref<1x10240xi32, #tpu.memory_space<hbm>>
      %dma_wait3A_24 = tpu.memref_squeeze %dma_wait3A_23 : memref<1x10240xi32, #tpu.memory_space<hbm>> -> memref<10240xi32, #tpu.memory_space<hbm>>
      tpu.wait_dma2 semaphore(%run_scoped3A_14 : memref<!tpu.dma_semaphore, #tpu.memory_space<semaphore_mem>>) src(%dma_wait3A_24 : memref<10240xi32, #tpu.memory_space<hbm>>) dst(%arg5 : memref<10240xi32, #tpu.memory_space<vmem>>)
      tpu.yield
    }) : () -> ()
    "tpu.region"() ({
      %run_scoped3A_14 = tpu.sem_alloc : memref<!tpu.dma_semaphore, #tpu.memory_space<semaphore_mem>>
      %dma_start3A = arith.constant 0 : i32
      %dma_start3A_15 = tpu.memref_slice %arg3[%add3A, %dma_start3A] : memref<32x10240xi32, #tpu.memory_space<hbm>> -> memref<1x10240xi32, #tpu.memory_space<hbm>>
      %dma_start3A_16 = tpu.memref_squeeze %dma_start3A_15 : memref<1x10240xi32, #tpu.memory_space<hbm>> -> memref<10240xi32, #tpu.memory_space<hbm>>
      %dma_start3A_17 = arith.constant 0 : i32
      %dma_start3A_18 = tpu.memref_slice %arg3[%add3A, %dma_start3A_17] : memref<32x10240xi32, #tpu.memory_space<hbm>> -> memref<1x10240xi32, #tpu.memory_space<hbm>>
      %dma_start3A_19 = tpu.memref_squeeze %dma_start3A_18 : memref<1x10240xi32, #tpu.memory_space<hbm>> -> memref<10240xi32, #tpu.memory_space<hbm>>
      tpu.enqueue_dma source(%dma_start3A_19 : memref<10240xi32, #tpu.memory_space<hbm>>) target(%arg6 : memref<10240xi32, #tpu.memory_space<vmem>>) target_semaphore(%run_scoped3A_14 : memref<!tpu.dma_semaphore, #tpu.memory_space<semaphore_mem>>)
      %dma_wait3A = arith.constant 0 : i32
      %dma_wait3A_20 = tpu.memref_slice %arg3[%add3A, %dma_wait3A] : memref<32x10240xi32, #tpu.memory_space<hbm>> -> memref<1x10240xi32, #tpu.memory_space<hbm>>
      %dma_wait3A_21 = tpu.memref_squeeze %dma_wait3A_20 : memref<1x10240xi32, #tpu.memory_space<hbm>> -> memref<10240xi32, #tpu.memory_space<hbm>>
      %dma_wait3A_22 = arith.constant 0 : i32
      %dma_wait3A_23 = tpu.memref_slice %arg3[%add3A, %dma_wait3A_22] : memref<32x10240xi32, #tpu.memory_space<hbm>> -> memref<1x10240xi32, #tpu.memory_space<hbm>>
      %dma_wait3A_24 = tpu.memref_squeeze %dma_wait3A_23 : memref<1x10240xi32, #tpu.memory_space<hbm>> -> memref<10240xi32, #tpu.memory_space<hbm>>
      tpu.wait_dma2 semaphore(%run_scoped3A_14 : memref<!tpu.dma_semaphore, #tpu.memory_space<semaphore_mem>>) src(%dma_wait3A_24 : memref<10240xi32, #tpu.memory_space<hbm>>) dst(%arg6 : memref<10240xi32, #tpu.memory_space<vmem>>)
      tpu.yield
    }) : () -> ()
    %broadcast_in_dim3A = arith.constant 0.000000e+00 : f32
    %broadcast_in_dim3A_1 = vector.broadcast %broadcast_in_dim3A : f32 to vector<16xf32>
    %scan3A = arith.constant 0 : i32
    %scan3A_2 = arith.constant 640 : i32
    %scan3A_3 = arith.addi %scan3A, %scan3A_2 : i32
    %scan3A_4 = arith.constant 1 : i32
    scf.for %scan3A_14 = %scan3A to %scan3A_3 step %scan3A_4  : i32 {
      %mul3A_15 = arith.constant 1 : i32
      %mul3A_16 = arith.muli %scan3A_14, %mul3A_15 : i32
      %add3A_17 = arith.constant 0 : i32
      %add3A_18 = arith.addi %add3A_17, %mul3A_16 : i32
      %mul3A_19 = arith.constant 16 : i32
      %mul3A_20 = arith.muli %add3A_18, %mul3A_19 : i32
      %swap3A = arith.index_cast %mul3A_20 : i32 to index
      %swap3A_21 = tpu.vector_load %arg7[%swap3A] {strides = array<i32>} : memref<10240xf32, #tpu.memory_space<vmem>>, vector<16xf32>,
      tpu.vector_store %arg7[%swap3A], %broadcast_in_dim3A_1 {strides = array<i32>} : memref<10240xf32, #tpu.memory_space<vmem>>, vector<16xf32>,
      %swap3A_22 = arith.index_cast %mul3A_20 : i32 to index
      %swap3A_23 = tpu.vector_load %arg8[%swap3A_22] {strides = array<i32>} : memref<10240xf32, #tpu.memory_space<vmem>>, vector<16xf32>,
      tpu.vector_store %arg8[%swap3A_22], %broadcast_in_dim3A_1 {strides = array<i32>} : memref<10240xf32, #tpu.memory_space<vmem>>, vector<16xf32>,
    }
    %scan3A_5 = arith.constant 640 : i32
    %broadcast_in_dim3A_6 = arith.constant 1.000000e+00 : f32
    %broadcast_in_dim3A_7 = vector.broadcast %broadcast_in_dim3A_6 : f32 to vector<16xf32>
    %scan3A_8 = arith.constant 0 : i32
    %scan3A_9 = arith.constant 640 : i32
    %scan3A_10 = arith.addi %scan3A_8, %scan3A_9 : i32
    %scan3A_11 = arith.constant 1 : i32
    scf.for %scan3A_14 = %scan3A_8 to %scan3A_10 step %scan3A_11  : i32 {
      %mul3A_15 = arith.constant 1 : i32
      %mul3A_16 = arith.muli %scan3A_14, %mul3A_15 : i32
      %add3A_17 = arith.constant 0 : i32
      %add3A_18 = arith.addi %add3A_17, %mul3A_16 : i32
      %mul3A_19 = arith.constant 16 : i32
      %mul3A_20 = arith.muli %add3A_18, %mul3A_19 : i32
      %get3A = arith.index_cast %mul3A_20 : i32 to index
      %get3A_21 = tpu.vector_load %arg5[%get3A] {strides = array<i32>} : memref<10240xi32, #tpu.memory_space<vmem>>, vector<16xi32>,
      %get3A_22 = arith.index_cast %mul3A_20 : i32 to index
      %get3A_23 = tpu.vector_load %arg6[%get3A_22] {strides = array<i32>} : memref<10240xi32, #tpu.memory_space<vmem>>, vector<16xi32>,
      tpu.vector_store_idx %arg7[%get3A_21], %broadcast_in_dim3A_7 {add = true} : memref<10240xf32, #tpu.memory_space<vmem>>[vector<16xi32>], vector<16xf32>,
      tpu.vector_store_idx %arg8[%get3A_23], %broadcast_in_dim3A_7 {add = true} : memref<10240xf32, #tpu.memory_space<vmem>>[vector<16xi32>], vector<16xf32>,
    }
    %scan3A_12 = arith.constant 640 : i32
    %run_scoped3A = arith.constant 0 : i32
    "tpu.region"() ({
      %run_scoped3A_14 = tpu.sem_alloc : memref<!tpu.dma_semaphore, #tpu.memory_space<semaphore_mem>>
      %dma_start3A = arith.constant 0 : i32
      %dma_start3A_15 = tpu.memref_slice %arg4[%add3A, %run_scoped3A, %dma_start3A] : memref<32x2x10240xf32, #tpu.memory_space<hbm>> -> memref<1x1x10240xf32, #tpu.memory_space<hbm>>
      %dma_start3A_16 = tpu.memref_squeeze %dma_start3A_15 : memref<1x1x10240xf32, #tpu.memory_space<hbm>> -> memref<10240xf32, #tpu.memory_space<hbm>>
      %dma_start3A_17 = arith.constant 0 : i32
      %dma_start3A_18 = tpu.memref_slice %arg4[%add3A, %run_scoped3A, %dma_start3A_17] : memref<32x2x10240xf32, #tpu.memory_space<hbm>> -> memref<1x1x10240xf32, #tpu.memory_space<hbm>>
      %dma_start3A_19 = tpu.memref_squeeze %dma_start3A_18 : memref<1x1x10240xf32, #tpu.memory_space<hbm>> -> memref<10240xf32, #tpu.memory_space<hbm>>
      tpu.enqueue_dma source(%arg7 : memref<10240xf32, #tpu.memory_space<vmem>>) target(%dma_start3A_19 : memref<10240xf32, #tpu.memory_space<hbm>>) target_semaphore(%run_scoped3A_14 : memref<!tpu.dma_semaphore, #tpu.memory_space<semaphore_mem>>)
      %dma_wait3A = arith.constant 0 : i32
      %dma_wait3A_20 = tpu.memref_slice %arg4[%add3A, %run_scoped3A, %dma_wait3A] : memref<32x2x10240xf32, #tpu.memory_space<hbm>> -> memref<1x1x10240xf32, #tpu.memory_space<hbm>>
      %dma_wait3A_21 = tpu.memref_squeeze %dma_wait3A_20 : memref<1x1x10240xf32, #tpu.memory_space<hbm>> -> memref<10240xf32, #tpu.memory_space<hbm>>
      %dma_wait3A_22 = arith.constant 0 : i32
      %dma_wait3A_23 = tpu.memref_slice %arg4[%add3A, %run_scoped3A, %dma_wait3A_22] : memref<32x2x10240xf32, #tpu.memory_space<hbm>> -> memref<1x1x10240xf32, #tpu.memory_space<hbm>>
      %dma_wait3A_24 = tpu.memref_squeeze %dma_wait3A_23 : memref<1x1x10240xf32, #tpu.memory_space<hbm>> -> memref<10240xf32, #tpu.memory_space<hbm>>
      tpu.wait_dma2 semaphore(%run_scoped3A_14 : memref<!tpu.dma_semaphore, #tpu.memory_space<semaphore_mem>>) src(%arg7 : memref<10240xf32, #tpu.memory_space<vmem>>) dst(%dma_wait3A_24 : memref<10240xf32, #tpu.memory_space<hbm>>)
      tpu.yield
    }) : () -> ()
    %run_scoped3A_13 = arith.constant 1 : i32
    "tpu.region"() ({
      %run_scoped3A_14 = tpu.sem_alloc : memref<!tpu.dma_semaphore, #tpu.memory_space<semaphore_mem>>
      %dma_start3A = arith.constant 0 : i32
      %dma_start3A_15 = tpu.memref_slice %arg4[%add3A, %run_scoped3A_13, %dma_start3A] : memref<32x2x10240xf32, #tpu.memory_space<hbm>> -> memref<1x1x10240xf32, #tpu.memory_space<hbm>>
      %dma_start3A_16 = tpu.memref_squeeze %dma_start3A_15 : memref<1x1x10240xf32, #tpu.memory_space<hbm>> -> memref<10240xf32, #tpu.memory_space<hbm>>
      %dma_start3A_17 = arith.constant 0 : i32
      %dma_start3A_18 = tpu.memref_slice %arg4[%add3A, %run_scoped3A_13, %dma_start3A_17] : memref<32x2x10240xf32, #tpu.memory_space<hbm>> -> memref<1x1x10240xf32, #tpu.memory_space<hbm>>
      %dma_start3A_19 = tpu.memref_squeeze %dma_start3A_18 : memref<1x1x10240xf32, #tpu.memory_space<hbm>> -> memref<10240xf32, #tpu.memory_space<hbm>>
      tpu.enqueue_dma source(%arg8 : memref<10240xf32, #tpu.memory_space<vmem>>) target(%dma_start3A_19 : memref<10240xf32, #tpu.memory_space<hbm>>) target_semaphore(%run_scoped3A_14 : memref<!tpu.dma_semaphore, #tpu.memory_space<semaphore_mem>>)
      %dma_wait3A = arith.constant 0 : i32
      %dma_wait3A_20 = tpu.memref_slice %arg4[%add3A, %run_scoped3A_13, %dma_wait3A] : memref<32x2x10240xf32, #tpu.memory_space<hbm>> -> memref<1x1x10240xf32, #tpu.memory_space<hbm>>
      %dma_wait3A_21 = tpu.memref_squeeze %dma_wait3A_20 : memref<1x1x10240xf32, #tpu.memory_space<hbm>> -> memref<10240xf32, #tpu.memory_space<hbm>>
      %dma_wait3A_22 = arith.constant 0 : i32
      %dma_wait3A_23 = tpu.memref_slice %arg4[%add3A, %run_scoped3A_13, %dma_wait3A_22] : memref<32x2x10240xf32, #tpu.memory_space<hbm>> -> memref<1x1x10240xf32, #tpu.memory_space<hbm>>
      %dma_wait3A_24 = tpu.memref_squeeze %dma_wait3A_23 : memref<1x1x10240xf32, #tpu.memory_space<hbm>> -> memref<10240xf32, #tpu.memory_space<hbm>>
      tpu.wait_dma2 semaphore(%run_scoped3A_14 : memref<!tpu.dma_semaphore, #tpu.memory_space<semaphore_mem>>) src(%arg8 : memref<10240xf32, #tpu.memory_space<vmem>>) dst(%dma_wait3A_24 : memref<10240xf32, #tpu.memory_space<hbm>>)
      tpu.yield
    }) : () -> ()
    return
  }
}

#map = affine_map<(d0, d1) -> (0, 0, 0)>
#map1 = affine_map<(d0, d1) -> (0, 0)>
module attributes {stable_mosaic.version = 14 : i64} {
  func.func @_agg_body(%arg0: i32, %arg1: i32, %arg2: memref<2x10240x128xf32, #tpu.memory_space<hbm>>, %arg3: memref<16x160x128xi32, #tpu.memory_space<hbm>>, %arg4: memref<16x160x128xi32, #tpu.memory_space<hbm>>, %arg5: memref<10240x128xf32, #tpu.memory_space<hbm>>, %arg6: memref<2x10240x128xf32, #tpu.memory_space<hbm>>, %arg7: memref<10240x128xf32, #tpu.memory_space<vmem_shared>>, %arg8: memref<16x128xi32, #tpu.memory_space<vmem>>, %arg9: memref<16x128xi32, #tpu.memory_space<vmem>>, %arg10: memref<2x128x128xf32, #tpu.memory_space<vmem>>, %arg11: memref<!tpu.dma_semaphore, #tpu.memory_space<semaphore_mem>>, %arg12: memref<!tpu.dma_semaphore, #tpu.memory_space<semaphore_mem>>, %arg13: memref<!tpu.dma_semaphore, #tpu.memory_space<semaphore_mem>>, %arg14: memref<!tpu.dma_semaphore, #tpu.memory_space<semaphore_mem>>) attributes {dimension_semantics = [#tpu.dimension_semantics<core_parallel>, #tpu.dimension_semantics<subcore_parallel>], iteration_bounds = array<i64: 2, 16>, scalar_prefetch = 0 : i64, scratch_operands = 8 : i64, tpu.core_type = #tpu.core_type<sc_vector_subcore>, window_params = [{transform_indices = #map}, {transform_indices = #map}, {transform_indices = #map}, {transform_indices = #map1}, {transform_indices = #map}]} {
    %mul3A = arith.constant 640 : i32
    %mul3A_0 = arith.muli %arg1, %mul3A : i32
    "tpu.region"() ({
      %run_scoped3A = tpu.sem_alloc : memref<!tpu.dma_semaphore, #tpu.memory_space<semaphore_mem>>
      %dma_start3A = arith.constant 0 : i32
      %dma_start3A_6 = tpu.memref_slice %arg7[%mul3A_0, %dma_start3A] : memref<10240x128xf32, #tpu.memory_space<vmem_shared>> -> memref<640x128xf32, #tpu.memory_space<vmem_shared>>
      %dma_start3A_7 = arith.constant 0 : i32
      %dma_start3A_8 = tpu.memref_slice %arg5[%mul3A_0, %dma_start3A_7] : memref<10240x128xf32, #tpu.memory_space<hbm>> -> memref<640x128xf32, #tpu.memory_space<hbm>>
      tpu.enqueue_dma source(%dma_start3A_8 : memref<640x128xf32, #tpu.memory_space<hbm>>) target(%dma_start3A_6 : memref<640x128xf32, #tpu.memory_space<vmem_shared>>) target_semaphore(%run_scoped3A : memref<!tpu.dma_semaphore, #tpu.memory_space<semaphore_mem>>)
      %dma_wait3A = arith.constant 0 : i32
      %dma_wait3A_9 = tpu.memref_slice %arg7[%mul3A_0, %dma_wait3A] : memref<10240x128xf32, #tpu.memory_space<vmem_shared>> -> memref<640x128xf32, #tpu.memory_space<vmem_shared>>
      %dma_wait3A_10 = arith.constant 0 : i32
      %dma_wait3A_11 = tpu.memref_slice %arg5[%mul3A_0, %dma_wait3A_10] : memref<10240x128xf32, #tpu.memory_space<hbm>> -> memref<640x128xf32, #tpu.memory_space<hbm>>
      tpu.wait_dma2 semaphore(%run_scoped3A : memref<!tpu.dma_semaphore, #tpu.memory_space<semaphore_mem>>) src(%dma_wait3A_11 : memref<640x128xf32, #tpu.memory_space<hbm>>) dst(%dma_wait3A_9 : memref<640x128xf32, #tpu.memory_space<vmem_shared>>)
      tpu.yield
    }) : () -> ()
    %barrier3A = arith.constant 0 : index
    tpu.barrier barrier_id(%barrier3A)
    %scan3A = arith.constant 0 : i32
    %scan3A_1 = arith.constant 10 : i32
    %scan3A_2 = arith.addi %scan3A, %scan3A_1 : i32
    %scan3A_3 = arith.constant 1 : i32
    scf.for %scan3A_6 = %scan3A to %scan3A_2 step %scan3A_3  : i32 {
      %mul3A_7 = arith.constant 1 : i32
      %mul3A_8 = arith.muli %scan3A_6, %mul3A_7 : i32
      %add3A = arith.constant 0 : i32
      %add3A_9 = arith.addi %add3A, %mul3A_8 : i32
      %mul3A_10 = arith.constant 16 : i32
      %mul3A_11 = arith.muli %add3A_9, %mul3A_10 : i32
      "tpu.region"() ({
        %run_scoped3A = tpu.sem_alloc : memref<!tpu.dma_semaphore, #tpu.memory_space<semaphore_mem>>
        %dma_start3A_906 = arith.constant 0 : i32
        %dma_start3A_907 = tpu.memref_slice %arg3[%arg1, %mul3A_11, %dma_start3A_906] : memref<16x160x128xi32, #tpu.memory_space<hbm>> -> memref<1x16x128xi32, #tpu.memory_space<hbm>>
        %dma_start3A_908 = tpu.memref_squeeze %dma_start3A_907 : memref<1x16x128xi32, #tpu.memory_space<hbm>> -> memref<16x128xi32, #tpu.memory_space<hbm>>
        %dma_start3A_909 = arith.constant 0 : i32
        %dma_start3A_910 = tpu.memref_slice %arg3[%arg1, %mul3A_11, %dma_start3A_909] : memref<16x160x128xi32, #tpu.memory_space<hbm>> -> memref<1x16x128xi32, #tpu.memory_space<hbm>>
        %dma_start3A_911 = tpu.memref_squeeze %dma_start3A_910 : memref<1x16x128xi32, #tpu.memory_space<hbm>> -> memref<16x128xi32, #tpu.memory_space<hbm>>
        tpu.enqueue_dma source(%dma_start3A_911 : memref<16x128xi32, #tpu.memory_space<hbm>>) target(%arg8 : memref<16x128xi32, #tpu.memory_space<vmem>>) target_semaphore(%run_scoped3A : memref<!tpu.dma_semaphore, #tpu.memory_space<semaphore_mem>>)
        %dma_wait3A_912 = arith.constant 0 : i32
        %dma_wait3A_913 = tpu.memref_slice %arg3[%arg1, %mul3A_11, %dma_wait3A_912] : memref<16x160x128xi32, #tpu.memory_space<hbm>> -> memref<1x16x128xi32, #tpu.memory_space<hbm>>
        %dma_wait3A_914 = tpu.memref_squeeze %dma_wait3A_913 : memref<1x16x128xi32, #tpu.memory_space<hbm>> -> memref<16x128xi32, #tpu.memory_space<hbm>>
        %dma_wait3A_915 = arith.constant 0 : i32
        %dma_wait3A_916 = tpu.memref_slice %arg3[%arg1, %mul3A_11, %dma_wait3A_915] : memref<16x160x128xi32, #tpu.memory_space<hbm>> -> memref<1x16x128xi32, #tpu.memory_space<hbm>>
        %dma_wait3A_917 = tpu.memref_squeeze %dma_wait3A_916 : memref<1x16x128xi32, #tpu.memory_space<hbm>> -> memref<16x128xi32, #tpu.memory_space<hbm>>
        tpu.wait_dma2 semaphore(%run_scoped3A : memref<!tpu.dma_semaphore, #tpu.memory_space<semaphore_mem>>) src(%dma_wait3A_917 : memref<16x128xi32, #tpu.memory_space<hbm>>) dst(%arg8 : memref<16x128xi32, #tpu.memory_space<vmem>>)
        tpu.yield
      }) : () -> ()
      "tpu.region"() ({
        %run_scoped3A = tpu.sem_alloc : memref<!tpu.dma_semaphore, #tpu.memory_space<semaphore_mem>>
        %dma_start3A_906 = arith.constant 0 : i32
        %dma_start3A_907 = tpu.memref_slice %arg4[%arg1, %mul3A_11, %dma_start3A_906] : memref<16x160x128xi32, #tpu.memory_space<hbm>> -> memref<1x16x128xi32, #tpu.memory_space<hbm>>
        %dma_start3A_908 = tpu.memref_squeeze %dma_start3A_907 : memref<1x16x128xi32, #tpu.memory_space<hbm>> -> memref<16x128xi32, #tpu.memory_space<hbm>>
        %dma_start3A_909 = arith.constant 0 : i32
        %dma_start3A_910 = tpu.memref_slice %arg4[%arg1, %mul3A_11, %dma_start3A_909] : memref<16x160x128xi32, #tpu.memory_space<hbm>> -> memref<1x16x128xi32, #tpu.memory_space<hbm>>
        %dma_start3A_911 = tpu.memref_squeeze %dma_start3A_910 : memref<1x16x128xi32, #tpu.memory_space<hbm>> -> memref<16x128xi32, #tpu.memory_space<hbm>>
        tpu.enqueue_dma source(%dma_start3A_911 : memref<16x128xi32, #tpu.memory_space<hbm>>) target(%arg9 : memref<16x128xi32, #tpu.memory_space<vmem>>) target_semaphore(%run_scoped3A : memref<!tpu.dma_semaphore, #tpu.memory_space<semaphore_mem>>)
        %dma_wait3A_912 = arith.constant 0 : i32
        %dma_wait3A_913 = tpu.memref_slice %arg4[%arg1, %mul3A_11, %dma_wait3A_912] : memref<16x160x128xi32, #tpu.memory_space<hbm>> -> memref<1x16x128xi32, #tpu.memory_space<hbm>>
        %dma_wait3A_914 = tpu.memref_squeeze %dma_wait3A_913 : memref<1x16x128xi32, #tpu.memory_space<hbm>> -> memref<16x128xi32, #tpu.memory_space<hbm>>
        %dma_wait3A_915 = arith.constant 0 : i32
        %dma_wait3A_916 = tpu.memref_slice %arg4[%arg1, %mul3A_11, %dma_wait3A_915] : memref<16x160x128xi32, #tpu.memory_space<hbm>> -> memref<1x16x128xi32, #tpu.memory_space<hbm>>
        %dma_wait3A_917 = tpu.memref_squeeze %dma_wait3A_916 : memref<1x16x128xi32, #tpu.memory_space<hbm>> -> memref<16x128xi32, #tpu.memory_space<hbm>>
        tpu.wait_dma2 semaphore(%run_scoped3A : memref<!tpu.dma_semaphore, #tpu.memory_space<semaphore_mem>>) src(%dma_wait3A_917 : memref<16x128xi32, #tpu.memory_space<hbm>>) dst(%arg9 : memref<16x128xi32, #tpu.memory_space<vmem>>)
        tpu.yield
      }) : () -> ()
      %dma_start3A = arith.constant 0 : i32
      %dma_start3A_12 = arith.constant 0 : i32
      %dma_start3A_13 = arith.constant 0 : i32
      %dma_start3A_14 = arith.constant 0 : i32
      %dma_start3A_15 = tpu.memref_slice %arg10[%dma_start3A_12, %dma_start3A_13, %dma_start3A_14] : memref<2x128x128xf32, #tpu.memory_space<vmem>> -> memref<1x128x128xf32, #tpu.memory_space<vmem>>
      %dma_start3A_16 = tpu.memref_squeeze %dma_start3A_15 : memref<1x128x128xf32, #tpu.memory_space<vmem>> -> memref<128x128xf32, #tpu.memory_space<vmem>>
      %dma_start3A_17 = arith.constant 0 : i32
      %dma_start3A_18 = tpu.memref_slice %arg8[%dma_start3A, %dma_start3A_17] : memref<16x128xi32, #tpu.memory_space<vmem>> -> memref<1x128xi32, #tpu.memory_space<vmem>>
      %dma_start3A_19 = tpu.memref_squeeze %dma_start3A_18 : memref<1x128xi32, #tpu.memory_space<vmem>> -> memref<128xi32, #tpu.memory_space<vmem>>
      %dma_start3A_20 = arith.constant 0 : i32
      %dma_start3A_21 = arith.constant 0 : i32
      %dma_start3A_22 = tpu.memref_slice %arg2[%arg0, %dma_start3A_20, %dma_start3A_21] : memref<2x10240x128xf32, #tpu.memory_space<hbm>> -> memref<1x10240x128xf32, #tpu.memory_space<hbm>>
      %dma_start3A_23 = tpu.memref_squeeze %dma_start3A_22 : memref<1x10240x128xf32, #tpu.memory_space<hbm>> -> memref<10240x128xf32, #tpu.memory_space<hbm>>
      %dma_start3A_24 = arith.constant 0 : i32
      %dma_start3A_25 = arith.constant 0 : i32
      %dma_start3A_26 = tpu.memref_slice %dma_start3A_23[%dma_start3A_24, %dma_start3A_25] : memref<10240x128xf32, #tpu.memory_space<hbm>> -> memref<10240x128xf32, #tpu.memory_space<hbm>>
      tpu.enqueue_indirect_dma source(%dma_start3A_26 : memref<10240x128xf32, #tpu.memory_space<hbm>>) target(%dma_start3A_16 : memref<128x128xf32, #tpu.memory_space<vmem>>) offsets(%dma_start3A_19 : memref<128xi32, #tpu.memory_space<vmem>>) semaphore(%arg11 : memref<!tpu.dma_semaphore, #tpu.memory_space<semaphore_mem>>)
      %dma_start3A_27 = arith.constant 1 : i32
      %dma_start3A_28 = arith.constant 1 : i32
      %dma_start3A_29 = arith.constant 0 : i32
      %dma_start3A_30 = arith.constant 0 : i32
      %dma_start3A_31 = tpu.memref_slice %arg10[%dma_start3A_28, %dma_start3A_29, %dma_start3A_30] : memref<2x128x128xf32, #tpu.memory_space<vmem>> -> memref<1x128x128xf32, #tpu.memory_space<vmem>>
      %dma_start3A_32 = tpu.memref_squeeze %dma_start3A_31 : memref<1x128x128xf32, #tpu.memory_space<vmem>> -> memref<128x128xf32, #tpu.memory_space<vmem>>
      %dma_start3A_33 = arith.constant 0 : i32
      %dma_start3A_34 = tpu.memref_slice %arg8[%dma_start3A_27, %dma_start3A_33] : memref<16x128xi32, #tpu.memory_space<vmem>> -> memref<1x128xi32, #tpu.memory_space<vmem>>
      %dma_start3A_35 = tpu.memref_squeeze %dma_start3A_34 : memref<1x128xi32, #tpu.memory_space<vmem>> -> memref<128xi32, #tpu.memory_space<vmem>>
      %dma_start3A_36 = arith.constant 0 : i32
      %dma_start3A_37 = arith.constant 0 : i32
      %dma_start3A_38 = tpu.memref_slice %arg2[%arg0, %dma_start3A_36, %dma_start3A_37] : memref<2x10240x128xf32, #tpu.memory_space<hbm>> -> memref<1x10240x128xf32, #tpu.memory_space<hbm>>
      %dma_start3A_39 = tpu.memref_squeeze %dma_start3A_38 : memref<1x10240x128xf32, #tpu.memory_space<hbm>> -> memref<10240x128xf32, #tpu.memory_space<hbm>>
      %dma_start3A_40 = arith.constant 0 : i32
      %dma_start3A_41 = arith.constant 0 : i32
      %dma_start3A_42 = tpu.memref_slice %dma_start3A_39[%dma_start3A_40, %dma_start3A_41] : memref<10240x128xf32, #tpu.memory_space<hbm>> -> memref<10240x128xf32, #tpu.memory_space<hbm>>
      tpu.enqueue_indirect_dma source(%dma_start3A_42 : memref<10240x128xf32, #tpu.memory_space<hbm>>) target(%dma_start3A_32 : memref<128x128xf32, #tpu.memory_space<vmem>>) offsets(%dma_start3A_35 : memref<128xi32, #tpu.memory_space<vmem>>) semaphore(%arg12 : memref<!tpu.dma_semaphore, #tpu.memory_space<semaphore_mem>>)
      %dma_wait3A = arith.constant 0 : i32
      %dma_wait3A_43 = arith.constant 0 : i32
      %dma_wait3A_44 = arith.constant 0 : i32
      %dma_wait3A_45 = arith.constant 0 : i32
      %dma_wait3A_46 = tpu.memref_slice %arg10[%dma_wait3A_43, %dma_wait3A_44, %dma_wait3A_45] : memref<2x128x128xf32, #tpu.memory_space<vmem>> -> memref<1x128x128xf32, #tpu.memory_space<vmem>>
      %dma_wait3A_47 = tpu.memref_squeeze %dma_wait3A_46 : memref<1x128x128xf32, #tpu.memory_space<vmem>> -> memref<128x128xf32, #tpu.memory_space<vmem>>
      %dma_wait3A_48 = arith.constant 0 : i32
      %dma_wait3A_49 = tpu.memref_slice %arg8[%dma_wait3A, %dma_wait3A_48] : memref<16x128xi32, #tpu.memory_space<vmem>> -> memref<1x128xi32, #tpu.memory_space<vmem>>
      %dma_wait3A_50 = tpu.memref_squeeze %dma_wait3A_49 : memref<1x128xi32, #tpu.memory_space<vmem>> -> memref<128xi32, #tpu.memory_space<vmem>>
      %dma_wait3A_51 = arith.constant 0 : i32
      %dma_wait3A_52 = arith.constant 0 : i32
      %dma_wait3A_53 = tpu.memref_slice %arg2[%arg0, %dma_wait3A_51, %dma_wait3A_52] : memref<2x10240x128xf32, #tpu.memory_space<hbm>> -> memref<1x10240x128xf32, #tpu.memory_space<hbm>>
      %dma_wait3A_54 = tpu.memref_squeeze %dma_wait3A_53 : memref<1x10240x128xf32, #tpu.memory_space<hbm>> -> memref<10240x128xf32, #tpu.memory_space<hbm>>
      %dma_wait3A_55 = arith.constant 0 : i32
      %dma_wait3A_56 = arith.constant 0 : i32
      %dma_wait3A_57 = tpu.memref_slice %dma_wait3A_54[%dma_wait3A_55, %dma_wait3A_56] : memref<10240x128xf32, #tpu.memory_space<hbm>> -> memref<10240x128xf32, #tpu.memory_space<hbm>>
      tpu.wait_indirect_dma semaphore(%arg11 : memref<!tpu.dma_semaphore, #tpu.memory_space<semaphore_mem>>) src(%dma_wait3A_57 : memref<10240x128xf32, #tpu.memory_space<hbm>>) dst(%dma_wait3A_47 : memref<128x128xf32, #tpu.memory_space<vmem>>)
      %dma_start3A_58 = arith.constant 0 : i32
      %dma_start3A_59 = arith.constant 0 : i32
      %dma_start3A_60 = arith.constant 0 : i32
      %dma_start3A_61 = arith.constant 0 : i32
      %dma_start3A_62 = tpu.memref_slice %arg10[%dma_start3A_58, %dma_start3A_60, %dma_start3A_61] : memref<2x128x128xf32, #tpu.memory_space<vmem>> -> memref<1x128x128xf32, #tpu.memory_space<vmem>>
      %dma_start3A_63 = tpu.memref_squeeze %dma_start3A_62 : memref<1x128x128xf32, #tpu.memory_space<vmem>> -> memref<128x128xf32, #tpu.memory_space<vmem>>
      %dma_start3A_64 = arith.constant 0 : i32
      %dma_start3A_65 = tpu.memref_slice %arg9[%dma_start3A_59, %dma_start3A_64] : memref<16x128xi32, #tpu.memory_space<vmem>> -> memref<1x128xi32, #tpu.memory_space<vmem>>
      %dma_start3A_66 = tpu.memref_squeeze %dma_start3A_65 : memref<1x128xi32, #tpu.memory_space<vmem>> -> memref<128xi32, #tpu.memory_space<vmem>>
      %dma_start3A_67 = arith.constant 0 : i32
      %dma_start3A_68 = arith.constant 0 : i32
      %dma_start3A_69 = tpu.memref_slice %arg7[%dma_start3A_67, %dma_start3A_68] : memref<10240x128xf32, #tpu.memory_space<vmem_shared>> -> memref<10240x128xf32, #tpu.memory_space<vmem_shared>>
      tpu.enqueue_indirect_dma source(%dma_start3A_63 : memref<128x128xf32, #tpu.memory_space<vmem>>) target(%dma_start3A_69 : memref<10240x128xf32, #tpu.memory_space<vmem_shared>>) offsets(%dma_start3A_66 : memref<128xi32, #tpu.memory_space<vmem>>) semaphore(%arg13 : memref<!tpu.dma_semaphore, #tpu.memory_space<semaphore_mem>>) {add = true}
      %dma_wait3A_70 = arith.constant 0 : i32
      %dma_wait3A_71 = arith.constant 0 : i32
      %dma_wait3A_72 = arith.constant 0 : i32
      %dma_wait3A_73 = arith.constant 0 : i32
      %dma_wait3A_74 = tpu.memref_slice %arg10[%dma_wait3A_70, %dma_wait3A_72, %dma_wait3A_73] : memref<2x128x128xf32, #tpu.memory_space<vmem>> -> memref<1x128x128xf32, #tpu.memory_space<vmem>>
      %dma_wait3A_75 = tpu.memref_squeeze %dma_wait3A_74 : memref<1x128x128xf32, #tpu.memory_space<vmem>> -> memref<128x128xf32, #tpu.memory_space<vmem>>
      %dma_wait3A_76 = arith.constant 0 : i32
      %dma_wait3A_77 = tpu.memref_slice %arg9[%dma_wait3A_71, %dma_wait3A_76] : memref<16x128xi32, #tpu.memory_space<vmem>> -> memref<1x128xi32, #tpu.memory_space<vmem>>
      %dma_wait3A_78 = tpu.memref_squeeze %dma_wait3A_77 : memref<1x128xi32, #tpu.memory_space<vmem>> -> memref<128xi32, #tpu.memory_space<vmem>>
      %dma_wait3A_79 = arith.constant 0 : i32
      %dma_wait3A_80 = arith.constant 0 : i32
      %dma_wait3A_81 = tpu.memref_slice %arg7[%dma_wait3A_79, %dma_wait3A_80] : memref<10240x128xf32, #tpu.memory_space<vmem_shared>> -> memref<10240x128xf32, #tpu.memory_space<vmem_shared>>
      tpu.wait_indirect_dma semaphore(%arg13 : memref<!tpu.dma_semaphore, #tpu.memory_space<semaphore_mem>>) src(%dma_wait3A_75 : memref<128x128xf32, #tpu.memory_space<vmem>>) dst(%dma_wait3A_81 : memref<10240x128xf32, #tpu.memory_space<vmem_shared>>)
      %dma_start3A_82 = arith.constant 2 : i32
      %dma_start3A_83 = arith.constant 0 : i32
      %dma_start3A_84 = arith.constant 0 : i32
      %dma_start3A_85 = arith.constant 0 : i32
      %dma_start3A_86 = tpu.memref_slice %arg10[%dma_start3A_83, %dma_start3A_84, %dma_start3A_85] : memref<2x128x128xf32, #tpu.memory_space<vmem>> -> memref<1x128x128xf32, #tpu.memory_space<vmem>>
      %dma_start3A_87 = tpu.memref_squeeze %dma_start3A_86 : memref<1x128x128xf32, #tpu.memory_space<vmem>> -> memref<128x128xf32, #tpu.memory_space<vmem>>
      %dma_start3A_88 = arith.constant 0 : i32
      %dma_start3A_89 = tpu.memref_slice %arg8[%dma_start3A_82, %dma_start3A_88] : memref<16x128xi32, #tpu.memory_space<vmem>> -> memref<1x128xi32, #tpu.memory_space<vmem>>
      %dma_start3A_90 = tpu.memref_squeeze %dma_start3A_89 : memref<1x128xi32, #tpu.memory_space<vmem>> -> memref<128xi32, #tpu.memory_space<vmem>>
      %dma_start3A_91 = arith.constant 0 : i32
      %dma_start3A_92 = arith.constant 0 : i32
      %dma_start3A_93 = tpu.memref_slice %arg2[%arg0, %dma_start3A_91, %dma_start3A_92] : memref<2x10240x128xf32, #tpu.memory_space<hbm>> -> memref<1x10240x128xf32, #tpu.memory_space<hbm>>
      %dma_start3A_94 = tpu.memref_squeeze %dma_start3A_93 : memref<1x10240x128xf32, #tpu.memory_space<hbm>> -> memref<10240x128xf32, #tpu.memory_space<hbm>>
      %dma_start3A_95 = arith.constant 0 : i32
      %dma_start3A_96 = arith.constant 0 : i32
      %dma_start3A_97 = tpu.memref_slice %dma_start3A_94[%dma_start3A_95, %dma_start3A_96] : memref<10240x128xf32, #tpu.memory_space<hbm>> -> memref<10240x128xf32, #tpu.memory_space<hbm>>
      tpu.enqueue_indirect_dma source(%dma_start3A_97 : memref<10240x128xf32, #tpu.memory_space<hbm>>) target(%dma_start3A_87 : memref<128x128xf32, #tpu.memory_space<vmem>>) offsets(%dma_start3A_90 : memref<128xi32, #tpu.memory_space<vmem>>) semaphore(%arg11 : memref<!tpu.dma_semaphore, #tpu.memory_space<semaphore_mem>>)
      %dma_wait3A_98 = arith.constant 1 : i32
      %dma_wait3A_99 = arith.constant 1 : i32
      %dma_wait3A_100 = arith.constant 0 : i32
      %dma_wait3A_101 = arith.constant 0 : i32
      %dma_wait3A_102 = tpu.memref_slice %arg10[%dma_wait3A_99, %dma_wait3A_100, %dma_wait3A_101] : memref<2x128x128xf32, #tpu.memory_space<vmem>> -> memref<1x128x128xf32, #tpu.memory_space<vmem>>
      %dma_wait3A_103 = tpu.memref_squeeze %dma_wait3A_102 : memref<1x128x128xf32, #tpu.memory_space<vmem>> -> memref<128x128xf32, #tpu.memory_space<vmem>>
      %dma_wait3A_104 = arith.constant 0 : i32
      %dma_wait3A_105 = tpu.memref_slice %arg8[%dma_wait3A_98, %dma_wait3A_104] : memref<16x128xi32, #tpu.memory_space<vmem>> -> memref<1x128xi32, #tpu.memory_space<vmem>>
      %dma_wait3A_106 = tpu.memref_squeeze %dma_wait3A_105 : memref<1x128xi32, #tpu.memory_space<vmem>> -> memref<128xi32, #tpu.memory_space<vmem>>
      %dma_wait3A_107 = arith.constant 0 : i32
      %dma_wait3A_108 = arith.constant 0 : i32
      %dma_wait3A_109 = tpu.memref_slice %arg2[%arg0, %dma_wait3A_107, %dma_wait3A_108] : memref<2x10240x128xf32, #tpu.memory_space<hbm>> -> memref<1x10240x128xf32, #tpu.memory_space<hbm>>
      %dma_wait3A_110 = tpu.memref_squeeze %dma_wait3A_109 : memref<1x10240x128xf32, #tpu.memory_space<hbm>> -> memref<10240x128xf32, #tpu.memory_space<hbm>>
      %dma_wait3A_111 = arith.constant 0 : i32
      %dma_wait3A_112 = arith.constant 0 : i32
      %dma_wait3A_113 = tpu.memref_slice %dma_wait3A_110[%dma_wait3A_111, %dma_wait3A_112] : memref<10240x128xf32, #tpu.memory_space<hbm>> -> memref<10240x128xf32, #tpu.memory_space<hbm>>
      tpu.wait_indirect_dma semaphore(%arg12 : memref<!tpu.dma_semaphore, #tpu.memory_space<semaphore_mem>>) src(%dma_wait3A_113 : memref<10240x128xf32, #tpu.memory_space<hbm>>) dst(%dma_wait3A_103 : memref<128x128xf32, #tpu.memory_space<vmem>>)
      %dma_start3A_114 = arith.constant 1 : i32
      %dma_start3A_115 = arith.constant 1 : i32
      %dma_start3A_116 = arith.constant 0 : i32
      %dma_start3A_117 = arith.constant 0 : i32
      %dma_start3A_118 = tpu.memref_slice %arg10[%dma_start3A_114, %dma_start3A_116, %dma_start3A_117] : memref<2x128x128xf32, #tpu.memory_space<vmem>> -> memref<1x128x128xf32, #tpu.memory_space<vmem>>
      %dma_start3A_119 = tpu.memref_squeeze %dma_start3A_118 : memref<1x128x128xf32, #tpu.memory_space<vmem>> -> memref<128x128xf32, #tpu.memory_space<vmem>>
      %dma_start3A_120 = arith.constant 0 : i32
      %dma_start3A_121 = tpu.memref_slice %arg9[%dma_start3A_115, %dma_start3A_120] : memref<16x128xi32, #tpu.memory_space<vmem>> -> memref<1x128xi32, #tpu.memory_space<vmem>>
      %dma_start3A_122 = tpu.memref_squeeze %dma_start3A_121 : memref<1x128xi32, #tpu.memory_space<vmem>> -> memref<128xi32, #tpu.memory_space<vmem>>
      %dma_start3A_123 = arith.constant 0 : i32
      %dma_start3A_124 = arith.constant 0 : i32
      %dma_start3A_125 = tpu.memref_slice %arg7[%dma_start3A_123, %dma_start3A_124] : memref<10240x128xf32, #tpu.memory_space<vmem_shared>> -> memref<10240x128xf32, #tpu.memory_space<vmem_shared>>
      tpu.enqueue_indirect_dma source(%dma_start3A_119 : memref<128x128xf32, #tpu.memory_space<vmem>>) target(%dma_start3A_125 : memref<10240x128xf32, #tpu.memory_space<vmem_shared>>) offsets(%dma_start3A_122 : memref<128xi32, #tpu.memory_space<vmem>>) semaphore(%arg14 : memref<!tpu.dma_semaphore, #tpu.memory_space<semaphore_mem>>) {add = true}
      %dma_wait3A_126 = arith.constant 1 : i32
      %dma_wait3A_127 = arith.constant 1 : i32
      %dma_wait3A_128 = arith.constant 0 : i32
      %dma_wait3A_129 = arith.constant 0 : i32
      %dma_wait3A_130 = tpu.memref_slice %arg10[%dma_wait3A_126, %dma_wait3A_128, %dma_wait3A_129] : memref<2x128x128xf32, #tpu.memory_space<vmem>> -> memref<1x128x128xf32, #tpu.memory_space<vmem>>
      %dma_wait3A_131 = tpu.memref_squeeze %dma_wait3A_130 : memref<1x128x128xf32, #tpu.memory_space<vmem>> -> memref<128x128xf32, #tpu.memory_space<vmem>>
      %dma_wait3A_132 = arith.constant 0 : i32
      %dma_wait3A_133 = tpu.memref_slice %arg9[%dma_wait3A_127, %dma_wait3A_132] : memref<16x128xi32, #tpu.memory_space<vmem>> -> memref<1x128xi32, #tpu.memory_space<vmem>>
      %dma_wait3A_134 = tpu.memref_squeeze %dma_wait3A_133 : memref<1x128xi32, #tpu.memory_space<vmem>> -> memref<128xi32, #tpu.memory_space<vmem>>
      %dma_wait3A_135 = arith.constant 0 : i32
      %dma_wait3A_136 = arith.constant 0 : i32
      %dma_wait3A_137 = tpu.memref_slice %arg7[%dma_wait3A_135, %dma_wait3A_136] : memref<10240x128xf32, #tpu.memory_space<vmem_shared>> -> memref<10240x128xf32, #tpu.memory_space<vmem_shared>>
      tpu.wait_indirect_dma semaphore(%arg14 : memref<!tpu.dma_semaphore, #tpu.memory_space<semaphore_mem>>) src(%dma_wait3A_131 : memref<128x128xf32, #tpu.memory_space<vmem>>) dst(%dma_wait3A_137 : memref<10240x128xf32, #tpu.memory_space<vmem_shared>>)
      %dma_start3A_138 = arith.constant 3 : i32
      %dma_start3A_139 = arith.constant 1 : i32
      %dma_start3A_140 = arith.constant 0 : i32
      %dma_start3A_141 = arith.constant 0 : i32
      %dma_start3A_142 = tpu.memref_slice %arg10[%dma_start3A_139, %dma_start3A_140, %dma_start3A_141] : memref<2x128x128xf32, #tpu.memory_space<vmem>> -> memref<1x128x128xf32, #tpu.memory_space<vmem>>
      %dma_start3A_143 = tpu.memref_squeeze %dma_start3A_142 : memref<1x128x128xf32, #tpu.memory_space<vmem>> -> memref<128x128xf32, #tpu.memory_space<vmem>>
      %dma_start3A_144 = arith.constant 0 : i32
      %dma_start3A_145 = tpu.memref_slice %arg8[%dma_start3A_138, %dma_start3A_144] : memref<16x128xi32, #tpu.memory_space<vmem>> -> memref<1x128xi32, #tpu.memory_space<vmem>>
      %dma_start3A_146 = tpu.memref_squeeze %dma_start3A_145 : memref<1x128xi32, #tpu.memory_space<vmem>> -> memref<128xi32, #tpu.memory_space<vmem>>
      %dma_start3A_147 = arith.constant 0 : i32
      %dma_start3A_148 = arith.constant 0 : i32
      %dma_start3A_149 = tpu.memref_slice %arg2[%arg0, %dma_start3A_147, %dma_start3A_148] : memref<2x10240x128xf32, #tpu.memory_space<hbm>> -> memref<1x10240x128xf32, #tpu.memory_space<hbm>>
      %dma_start3A_150 = tpu.memref_squeeze %dma_start3A_149 : memref<1x10240x128xf32, #tpu.memory_space<hbm>> -> memref<10240x128xf32, #tpu.memory_space<hbm>>
      %dma_start3A_151 = arith.constant 0 : i32
      %dma_start3A_152 = arith.constant 0 : i32
      %dma_start3A_153 = tpu.memref_slice %dma_start3A_150[%dma_start3A_151, %dma_start3A_152] : memref<10240x128xf32, #tpu.memory_space<hbm>> -> memref<10240x128xf32, #tpu.memory_space<hbm>>
      tpu.enqueue_indirect_dma source(%dma_start3A_153 : memref<10240x128xf32, #tpu.memory_space<hbm>>) target(%dma_start3A_143 : memref<128x128xf32, #tpu.memory_space<vmem>>) offsets(%dma_start3A_146 : memref<128xi32, #tpu.memory_space<vmem>>) semaphore(%arg12 : memref<!tpu.dma_semaphore, #tpu.memory_space<semaphore_mem>>)
      %dma_wait3A_154 = arith.constant 2 : i32
      %dma_wait3A_155 = arith.constant 0 : i32
      %dma_wait3A_156 = arith.constant 0 : i32
      %dma_wait3A_157 = arith.constant 0 : i32
      %dma_wait3A_158 = tpu.memref_slice %arg10[%dma_wait3A_155, %dma_wait3A_156, %dma_wait3A_157] : memref<2x128x128xf32, #tpu.memory_space<vmem>> -> memref<1x128x128xf32, #tpu.memory_space<vmem>>
      %dma_wait3A_159 = tpu.memref_squeeze %dma_wait3A_158 : memref<1x128x128xf32, #tpu.memory_space<vmem>> -> memref<128x128xf32, #tpu.memory_space<vmem>>
      %dma_wait3A_160 = arith.constant 0 : i32
      %dma_wait3A_161 = tpu.memref_slice %arg8[%dma_wait3A_154, %dma_wait3A_160] : memref<16x128xi32, #tpu.memory_space<vmem>> -> memref<1x128xi32, #tpu.memory_space<vmem>>
      %dma_wait3A_162 = tpu.memref_squeeze %dma_wait3A_161 : memref<1x128xi32, #tpu.memory_space<vmem>> -> memref<128xi32, #tpu.memory_space<vmem>>
      %dma_wait3A_163 = arith.constant 0 : i32
      %dma_wait3A_164 = arith.constant 0 : i32
      %dma_wait3A_165 = tpu.memref_slice %arg2[%arg0, %dma_wait3A_163, %dma_wait3A_164] : memref<2x10240x128xf32, #tpu.memory_space<hbm>> -> memref<1x10240x128xf32, #tpu.memory_space<hbm>>
      %dma_wait3A_166 = tpu.memref_squeeze %dma_wait3A_165 : memref<1x10240x128xf32, #tpu.memory_space<hbm>> -> memref<10240x128xf32, #tpu.memory_space<hbm>>
      %dma_wait3A_167 = arith.constant 0 : i32
      %dma_wait3A_168 = arith.constant 0 : i32
      %dma_wait3A_169 = tpu.memref_slice %dma_wait3A_166[%dma_wait3A_167, %dma_wait3A_168] : memref<10240x128xf32, #tpu.memory_space<hbm>> -> memref<10240x128xf32, #tpu.memory_space<hbm>>
      tpu.wait_indirect_dma semaphore(%arg11 : memref<!tpu.dma_semaphore, #tpu.memory_space<semaphore_mem>>) src(%dma_wait3A_169 : memref<10240x128xf32, #tpu.memory_space<hbm>>) dst(%dma_wait3A_159 : memref<128x128xf32, #tpu.memory_space<vmem>>)
      %dma_start3A_170 = arith.constant 0 : i32
      %dma_start3A_171 = arith.constant 2 : i32
      %dma_start3A_172 = arith.constant 0 : i32
      %dma_start3A_173 = arith.constant 0 : i32
      %dma_start3A_174 = tpu.memref_slice %arg10[%dma_start3A_170, %dma_start3A_172, %dma_start3A_173] : memref<2x128x128xf32, #tpu.memory_space<vmem>> -> memref<1x128x128xf32, #tpu.memory_space<vmem>>
      %dma_start3A_175 = tpu.memref_squeeze %dma_start3A_174 : memref<1x128x128xf32, #tpu.memory_space<vmem>> -> memref<128x128xf32, #tpu.memory_space<vmem>>
      %dma_start3A_176 = arith.constant 0 : i32
      %dma_start3A_177 = tpu.memref_slice %arg9[%dma_start3A_171, %dma_start3A_176] : memref<16x128xi32, #tpu.memory_space<vmem>> -> memref<1x128xi32, #tpu.memory_space<vmem>>
      %dma_start3A_178 = tpu.memref_squeeze %dma_start3A_177 : memref<1x128xi32, #tpu.memory_space<vmem>> -> memref<128xi32, #tpu.memory_space<vmem>>
      %dma_start3A_179 = arith.constant 0 : i32
      %dma_start3A_180 = arith.constant 0 : i32
      %dma_start3A_181 = tpu.memref_slice %arg7[%dma_start3A_179, %dma_start3A_180] : memref<10240x128xf32, #tpu.memory_space<vmem_shared>> -> memref<10240x128xf32, #tpu.memory_space<vmem_shared>>
      tpu.enqueue_indirect_dma source(%dma_start3A_175 : memref<128x128xf32, #tpu.memory_space<vmem>>) target(%dma_start3A_181 : memref<10240x128xf32, #tpu.memory_space<vmem_shared>>) offsets(%dma_start3A_178 : memref<128xi32, #tpu.memory_space<vmem>>) semaphore(%arg13 : memref<!tpu.dma_semaphore, #tpu.memory_space<semaphore_mem>>) {add = true}
      %dma_wait3A_182 = arith.constant 0 : i32
      %dma_wait3A_183 = arith.constant 2 : i32
      %dma_wait3A_184 = arith.constant 0 : i32
      %dma_wait3A_185 = arith.constant 0 : i32
      %dma_wait3A_186 = tpu.memref_slice %arg10[%dma_wait3A_182, %dma_wait3A_184, %dma_wait3A_185] : memref<2x128x128xf32, #tpu.memory_space<vmem>> -> memref<1x128x128xf32, #tpu.memory_space<vmem>>
      %dma_wait3A_187 = tpu.memref_squeeze %dma_wait3A_186 : memref<1x128x128xf32, #tpu.memory_space<vmem>> -> memref<128x128xf32, #tpu.memory_space<vmem>>
      %dma_wait3A_188 = arith.constant 0 : i32
      %dma_wait3A_189 = tpu.memref_slice %arg9[%dma_wait3A_183, %dma_wait3A_188] : memref<16x128xi32, #tpu.memory_space<vmem>> -> memref<1x128xi32, #tpu.memory_space<vmem>>
      %dma_wait3A_190 = tpu.memref_squeeze %dma_wait3A_189 : memref<1x128xi32, #tpu.memory_space<vmem>> -> memref<128xi32, #tpu.memory_space<vmem>>
      %dma_wait3A_191 = arith.constant 0 : i32
      %dma_wait3A_192 = arith.constant 0 : i32
      %dma_wait3A_193 = tpu.memref_slice %arg7[%dma_wait3A_191, %dma_wait3A_192] : memref<10240x128xf32, #tpu.memory_space<vmem_shared>> -> memref<10240x128xf32, #tpu.memory_space<vmem_shared>>
      tpu.wait_indirect_dma semaphore(%arg13 : memref<!tpu.dma_semaphore, #tpu.memory_space<semaphore_mem>>) src(%dma_wait3A_187 : memref<128x128xf32, #tpu.memory_space<vmem>>) dst(%dma_wait3A_193 : memref<10240x128xf32, #tpu.memory_space<vmem_shared>>)
      %dma_start3A_194 = arith.constant 4 : i32
      %dma_start3A_195 = arith.constant 0 : i32
      %dma_start3A_196 = arith.constant 0 : i32
      %dma_start3A_197 = arith.constant 0 : i32
      %dma_start3A_198 = tpu.memref_slice %arg10[%dma_start3A_195, %dma_start3A_196, %dma_start3A_197] : memref<2x128x128xf32, #tpu.memory_space<vmem>> -> memref<1x128x128xf32, #tpu.memory_space<vmem>>
      %dma_start3A_199 = tpu.memref_squeeze %dma_start3A_198 : memref<1x128x128xf32, #tpu.memory_space<vmem>> -> memref<128x128xf32, #tpu.memory_space<vmem>>
      %dma_start3A_200 = arith.constant 0 : i32
      %dma_start3A_201 = tpu.memref_slice %arg8[%dma_start3A_194, %dma_start3A_200] : memref<16x128xi32, #tpu.memory_space<vmem>> -> memref<1x128xi32, #tpu.memory_space<vmem>>
      %dma_start3A_202 = tpu.memref_squeeze %dma_start3A_201 : memref<1x128xi32, #tpu.memory_space<vmem>> -> memref<128xi32, #tpu.memory_space<vmem>>
      %dma_start3A_203 = arith.constant 0 : i32
      %dma_start3A_204 = arith.constant 0 : i32
      %dma_start3A_205 = tpu.memref_slice %arg2[%arg0, %dma_start3A_203, %dma_start3A_204] : memref<2x10240x128xf32, #tpu.memory_space<hbm>> -> memref<1x10240x128xf32, #tpu.memory_space<hbm>>
      %dma_start3A_206 = tpu.memref_squeeze %dma_start3A_205 : memref<1x10240x128xf32, #tpu.memory_space<hbm>> -> memref<10240x128xf32, #tpu.memory_space<hbm>>
      %dma_start3A_207 = arith.constant 0 : i32
      %dma_start3A_208 = arith.constant 0 : i32
      %dma_start3A_209 = tpu.memref_slice %dma_start3A_206[%dma_start3A_207, %dma_start3A_208] : memref<10240x128xf32, #tpu.memory_space<hbm>> -> memref<10240x128xf32, #tpu.memory_space<hbm>>
      tpu.enqueue_indirect_dma source(%dma_start3A_209 : memref<10240x128xf32, #tpu.memory_space<hbm>>) target(%dma_start3A_199 : memref<128x128xf32, #tpu.memory_space<vmem>>) offsets(%dma_start3A_202 : memref<128xi32, #tpu.memory_space<vmem>>) semaphore(%arg11 : memref<!tpu.dma_semaphore, #tpu.memory_space<semaphore_mem>>)
      %dma_wait3A_210 = arith.constant 3 : i32
      %dma_wait3A_211 = arith.constant 1 : i32
      %dma_wait3A_212 = arith.constant 0 : i32
      %dma_wait3A_213 = arith.constant 0 : i32
      %dma_wait3A_214 = tpu.memref_slice %arg10[%dma_wait3A_211, %dma_wait3A_212, %dma_wait3A_213] : memref<2x128x128xf32, #tpu.memory_space<vmem>> -> memref<1x128x128xf32, #tpu.memory_space<vmem>>
      %dma_wait3A_215 = tpu.memref_squeeze %dma_wait3A_214 : memref<1x128x128xf32, #tpu.memory_space<vmem>> -> memref<128x128xf32, #tpu.memory_space<vmem>>
      %dma_wait3A_216 = arith.constant 0 : i32
      %dma_wait3A_217 = tpu.memref_slice %arg8[%dma_wait3A_210, %dma_wait3A_216] : memref<16x128xi32, #tpu.memory_space<vmem>> -> memref<1x128xi32, #tpu.memory_space<vmem>>
      %dma_wait3A_218 = tpu.memref_squeeze %dma_wait3A_217 : memref<1x128xi32, #tpu.memory_space<vmem>> -> memref<128xi32, #tpu.memory_space<vmem>>
      %dma_wait3A_219 = arith.constant 0 : i32
      %dma_wait3A_220 = arith.constant 0 : i32
      %dma_wait3A_221 = tpu.memref_slice %arg2[%arg0, %dma_wait3A_219, %dma_wait3A_220] : memref<2x10240x128xf32, #tpu.memory_space<hbm>> -> memref<1x10240x128xf32, #tpu.memory_space<hbm>>
      %dma_wait3A_222 = tpu.memref_squeeze %dma_wait3A_221 : memref<1x10240x128xf32, #tpu.memory_space<hbm>> -> memref<10240x128xf32, #tpu.memory_space<hbm>>
      %dma_wait3A_223 = arith.constant 0 : i32
      %dma_wait3A_224 = arith.constant 0 : i32
      %dma_wait3A_225 = tpu.memref_slice %dma_wait3A_222[%dma_wait3A_223, %dma_wait3A_224] : memref<10240x128xf32, #tpu.memory_space<hbm>> -> memref<10240x128xf32, #tpu.memory_space<hbm>>
      tpu.wait_indirect_dma semaphore(%arg12 : memref<!tpu.dma_semaphore, #tpu.memory_space<semaphore_mem>>) src(%dma_wait3A_225 : memref<10240x128xf32, #tpu.memory_space<hbm>>) dst(%dma_wait3A_215 : memref<128x128xf32, #tpu.memory_space<vmem>>)
      %dma_start3A_226 = arith.constant 1 : i32
      %dma_start3A_227 = arith.constant 3 : i32
      %dma_start3A_228 = arith.constant 0 : i32
      %dma_start3A_229 = arith.constant 0 : i32
      %dma_start3A_230 = tpu.memref_slice %arg10[%dma_start3A_226, %dma_start3A_228, %dma_start3A_229] : memref<2x128x128xf32, #tpu.memory_space<vmem>> -> memref<1x128x128xf32, #tpu.memory_space<vmem>>
      %dma_start3A_231 = tpu.memref_squeeze %dma_start3A_230 : memref<1x128x128xf32, #tpu.memory_space<vmem>> -> memref<128x128xf32, #tpu.memory_space<vmem>>
      %dma_start3A_232 = arith.constant 0 : i32
      %dma_start3A_233 = tpu.memref_slice %arg9[%dma_start3A_227, %dma_start3A_232] : memref<16x128xi32, #tpu.memory_space<vmem>> -> memref<1x128xi32, #tpu.memory_space<vmem>>
      %dma_start3A_234 = tpu.memref_squeeze %dma_start3A_233 : memref<1x128xi32, #tpu.memory_space<vmem>> -> memref<128xi32, #tpu.memory_space<vmem>>
      %dma_start3A_235 = arith.constant 0 : i32
      %dma_start3A_236 = arith.constant 0 : i32
      %dma_start3A_237 = tpu.memref_slice %arg7[%dma_start3A_235, %dma_start3A_236] : memref<10240x128xf32, #tpu.memory_space<vmem_shared>> -> memref<10240x128xf32, #tpu.memory_space<vmem_shared>>
      tpu.enqueue_indirect_dma source(%dma_start3A_231 : memref<128x128xf32, #tpu.memory_space<vmem>>) target(%dma_start3A_237 : memref<10240x128xf32, #tpu.memory_space<vmem_shared>>) offsets(%dma_start3A_234 : memref<128xi32, #tpu.memory_space<vmem>>) semaphore(%arg14 : memref<!tpu.dma_semaphore, #tpu.memory_space<semaphore_mem>>) {add = true}
      %dma_wait3A_238 = arith.constant 1 : i32
      %dma_wait3A_239 = arith.constant 3 : i32
      %dma_wait3A_240 = arith.constant 0 : i32
      %dma_wait3A_241 = arith.constant 0 : i32
      %dma_wait3A_242 = tpu.memref_slice %arg10[%dma_wait3A_238, %dma_wait3A_240, %dma_wait3A_241] : memref<2x128x128xf32, #tpu.memory_space<vmem>> -> memref<1x128x128xf32, #tpu.memory_space<vmem>>
      %dma_wait3A_243 = tpu.memref_squeeze %dma_wait3A_242 : memref<1x128x128xf32, #tpu.memory_space<vmem>> -> memref<128x128xf32, #tpu.memory_space<vmem>>
      %dma_wait3A_244 = arith.constant 0 : i32
      %dma_wait3A_245 = tpu.memref_slice %arg9[%dma_wait3A_239, %dma_wait3A_244] : memref<16x128xi32, #tpu.memory_space<vmem>> -> memref<1x128xi32, #tpu.memory_space<vmem>>
      %dma_wait3A_246 = tpu.memref_squeeze %dma_wait3A_245 : memref<1x128xi32, #tpu.memory_space<vmem>> -> memref<128xi32, #tpu.memory_space<vmem>>
      %dma_wait3A_247 = arith.constant 0 : i32
      %dma_wait3A_248 = arith.constant 0 : i32
      %dma_wait3A_249 = tpu.memref_slice %arg7[%dma_wait3A_247, %dma_wait3A_248] : memref<10240x128xf32, #tpu.memory_space<vmem_shared>> -> memref<10240x128xf32, #tpu.memory_space<vmem_shared>>
      tpu.wait_indirect_dma semaphore(%arg14 : memref<!tpu.dma_semaphore, #tpu.memory_space<semaphore_mem>>) src(%dma_wait3A_243 : memref<128x128xf32, #tpu.memory_space<vmem>>) dst(%dma_wait3A_249 : memref<10240x128xf32, #tpu.memory_space<vmem_shared>>)
      %dma_start3A_250 = arith.constant 5 : i32
      %dma_start3A_251 = arith.constant 1 : i32
      %dma_start3A_252 = arith.constant 0 : i32
      %dma_start3A_253 = arith.constant 0 : i32
      %dma_start3A_254 = tpu.memref_slice %arg10[%dma_start3A_251, %dma_start3A_252, %dma_start3A_253] : memref<2x128x128xf32, #tpu.memory_space<vmem>> -> memref<1x128x128xf32, #tpu.memory_space<vmem>>
      %dma_start3A_255 = tpu.memref_squeeze %dma_start3A_254 : memref<1x128x128xf32, #tpu.memory_space<vmem>> -> memref<128x128xf32, #tpu.memory_space<vmem>>
      %dma_start3A_256 = arith.constant 0 : i32
      %dma_start3A_257 = tpu.memref_slice %arg8[%dma_start3A_250, %dma_start3A_256] : memref<16x128xi32, #tpu.memory_space<vmem>> -> memref<1x128xi32, #tpu.memory_space<vmem>>
      %dma_start3A_258 = tpu.memref_squeeze %dma_start3A_257 : memref<1x128xi32, #tpu.memory_space<vmem>> -> memref<128xi32, #tpu.memory_space<vmem>>
      %dma_start3A_259 = arith.constant 0 : i32
      %dma_start3A_260 = arith.constant 0 : i32
      %dma_start3A_261 = tpu.memref_slice %arg2[%arg0, %dma_start3A_259, %dma_start3A_260] : memref<2x10240x128xf32, #tpu.memory_space<hbm>> -> memref<1x10240x128xf32, #tpu.memory_space<hbm>>
      %dma_start3A_262 = tpu.memref_squeeze %dma_start3A_261 : memref<1x10240x128xf32, #tpu.memory_space<hbm>> -> memref<10240x128xf32, #tpu.memory_space<hbm>>
      %dma_start3A_263 = arith.constant 0 : i32
      %dma_start3A_264 = arith.constant 0 : i32
      %dma_start3A_265 = tpu.memref_slice %dma_start3A_262[%dma_start3A_263, %dma_start3A_264] : memref<10240x128xf32, #tpu.memory_space<hbm>> -> memref<10240x128xf32, #tpu.memory_space<hbm>>
      tpu.enqueue_indirect_dma source(%dma_start3A_265 : memref<10240x128xf32, #tpu.memory_space<hbm>>) target(%dma_start3A_255 : memref<128x128xf32, #tpu.memory_space<vmem>>) offsets(%dma_start3A_258 : memref<128xi32, #tpu.memory_space<vmem>>) semaphore(%arg12 : memref<!tpu.dma_semaphore, #tpu.memory_space<semaphore_mem>>)
      %dma_wait3A_266 = arith.constant 4 : i32
      %dma_wait3A_267 = arith.constant 0 : i32
      %dma_wait3A_268 = arith.constant 0 : i32
      %dma_wait3A_269 = arith.constant 0 : i32
      %dma_wait3A_270 = tpu.memref_slice %arg10[%dma_wait3A_267, %dma_wait3A_268, %dma_wait3A_269] : memref<2x128x128xf32, #tpu.memory_space<vmem>> -> memref<1x128x128xf32, #tpu.memory_space<vmem>>
      %dma_wait3A_271 = tpu.memref_squeeze %dma_wait3A_270 : memref<1x128x128xf32, #tpu.memory_space<vmem>> -> memref<128x128xf32, #tpu.memory_space<vmem>>
      %dma_wait3A_272 = arith.constant 0 : i32
      %dma_wait3A_273 = tpu.memref_slice %arg8[%dma_wait3A_266, %dma_wait3A_272] : memref<16x128xi32, #tpu.memory_space<vmem>> -> memref<1x128xi32, #tpu.memory_space<vmem>>
      %dma_wait3A_274 = tpu.memref_squeeze %dma_wait3A_273 : memref<1x128xi32, #tpu.memory_space<vmem>> -> memref<128xi32, #tpu.memory_space<vmem>>
      %dma_wait3A_275 = arith.constant 0 : i32
      %dma_wait3A_276 = arith.constant 0 : i32
      %dma_wait3A_277 = tpu.memref_slice %arg2[%arg0, %dma_wait3A_275, %dma_wait3A_276] : memref<2x10240x128xf32, #tpu.memory_space<hbm>> -> memref<1x10240x128xf32, #tpu.memory_space<hbm>>
      %dma_wait3A_278 = tpu.memref_squeeze %dma_wait3A_277 : memref<1x10240x128xf32, #tpu.memory_space<hbm>> -> memref<10240x128xf32, #tpu.memory_space<hbm>>
      %dma_wait3A_279 = arith.constant 0 : i32
      %dma_wait3A_280 = arith.constant 0 : i32
      %dma_wait3A_281 = tpu.memref_slice %dma_wait3A_278[%dma_wait3A_279, %dma_wait3A_280] : memref<10240x128xf32, #tpu.memory_space<hbm>> -> memref<10240x128xf32, #tpu.memory_space<hbm>>
      tpu.wait_indirect_dma semaphore(%arg11 : memref<!tpu.dma_semaphore, #tpu.memory_space<semaphore_mem>>) src(%dma_wait3A_281 : memref<10240x128xf32, #tpu.memory_space<hbm>>) dst(%dma_wait3A_271 : memref<128x128xf32, #tpu.memory_space<vmem>>)
      %dma_start3A_282 = arith.constant 0 : i32
      %dma_start3A_283 = arith.constant 4 : i32
      %dma_start3A_284 = arith.constant 0 : i32
      %dma_start3A_285 = arith.constant 0 : i32
      %dma_start3A_286 = tpu.memref_slice %arg10[%dma_start3A_282, %dma_start3A_284, %dma_start3A_285] : memref<2x128x128xf32, #tpu.memory_space<vmem>> -> memref<1x128x128xf32, #tpu.memory_space<vmem>>
      %dma_start3A_287 = tpu.memref_squeeze %dma_start3A_286 : memref<1x128x128xf32, #tpu.memory_space<vmem>> -> memref<128x128xf32, #tpu.memory_space<vmem>>
      %dma_start3A_288 = arith.constant 0 : i32
      %dma_start3A_289 = tpu.memref_slice %arg9[%dma_start3A_283, %dma_start3A_288] : memref<16x128xi32, #tpu.memory_space<vmem>> -> memref<1x128xi32, #tpu.memory_space<vmem>>
      %dma_start3A_290 = tpu.memref_squeeze %dma_start3A_289 : memref<1x128xi32, #tpu.memory_space<vmem>> -> memref<128xi32, #tpu.memory_space<vmem>>
      %dma_start3A_291 = arith.constant 0 : i32
      %dma_start3A_292 = arith.constant 0 : i32
      %dma_start3A_293 = tpu.memref_slice %arg7[%dma_start3A_291, %dma_start3A_292] : memref<10240x128xf32, #tpu.memory_space<vmem_shared>> -> memref<10240x128xf32, #tpu.memory_space<vmem_shared>>
      tpu.enqueue_indirect_dma source(%dma_start3A_287 : memref<128x128xf32, #tpu.memory_space<vmem>>) target(%dma_start3A_293 : memref<10240x128xf32, #tpu.memory_space<vmem_shared>>) offsets(%dma_start3A_290 : memref<128xi32, #tpu.memory_space<vmem>>) semaphore(%arg13 : memref<!tpu.dma_semaphore, #tpu.memory_space<semaphore_mem>>) {add = true}
      %dma_wait3A_294 = arith.constant 0 : i32
      %dma_wait3A_295 = arith.constant 4 : i32
      %dma_wait3A_296 = arith.constant 0 : i32
      %dma_wait3A_297 = arith.constant 0 : i32
      %dma_wait3A_298 = tpu.memref_slice %arg10[%dma_wait3A_294, %dma_wait3A_296, %dma_wait3A_297] : memref<2x128x128xf32, #tpu.memory_space<vmem>> -> memref<1x128x128xf32, #tpu.memory_space<vmem>>
      %dma_wait3A_299 = tpu.memref_squeeze %dma_wait3A_298 : memref<1x128x128xf32, #tpu.memory_space<vmem>> -> memref<128x128xf32, #tpu.memory_space<vmem>>
      %dma_wait3A_300 = arith.constant 0 : i32
      %dma_wait3A_301 = tpu.memref_slice %arg9[%dma_wait3A_295, %dma_wait3A_300] : memref<16x128xi32, #tpu.memory_space<vmem>> -> memref<1x128xi32, #tpu.memory_space<vmem>>
      %dma_wait3A_302 = tpu.memref_squeeze %dma_wait3A_301 : memref<1x128xi32, #tpu.memory_space<vmem>> -> memref<128xi32, #tpu.memory_space<vmem>>
      %dma_wait3A_303 = arith.constant 0 : i32
      %dma_wait3A_304 = arith.constant 0 : i32
      %dma_wait3A_305 = tpu.memref_slice %arg7[%dma_wait3A_303, %dma_wait3A_304] : memref<10240x128xf32, #tpu.memory_space<vmem_shared>> -> memref<10240x128xf32, #tpu.memory_space<vmem_shared>>
      tpu.wait_indirect_dma semaphore(%arg13 : memref<!tpu.dma_semaphore, #tpu.memory_space<semaphore_mem>>) src(%dma_wait3A_299 : memref<128x128xf32, #tpu.memory_space<vmem>>) dst(%dma_wait3A_305 : memref<10240x128xf32, #tpu.memory_space<vmem_shared>>)
      %dma_start3A_306 = arith.constant 6 : i32
      %dma_start3A_307 = arith.constant 0 : i32
      %dma_start3A_308 = arith.constant 0 : i32
      %dma_start3A_309 = arith.constant 0 : i32
      %dma_start3A_310 = tpu.memref_slice %arg10[%dma_start3A_307, %dma_start3A_308, %dma_start3A_309] : memref<2x128x128xf32, #tpu.memory_space<vmem>> -> memref<1x128x128xf32, #tpu.memory_space<vmem>>
      %dma_start3A_311 = tpu.memref_squeeze %dma_start3A_310 : memref<1x128x128xf32, #tpu.memory_space<vmem>> -> memref<128x128xf32, #tpu.memory_space<vmem>>
      %dma_start3A_312 = arith.constant 0 : i32
      %dma_start3A_313 = tpu.memref_slice %arg8[%dma_start3A_306, %dma_start3A_312] : memref<16x128xi32, #tpu.memory_space<vmem>> -> memref<1x128xi32, #tpu.memory_space<vmem>>
      %dma_start3A_314 = tpu.memref_squeeze %dma_start3A_313 : memref<1x128xi32, #tpu.memory_space<vmem>> -> memref<128xi32, #tpu.memory_space<vmem>>
      %dma_start3A_315 = arith.constant 0 : i32
      %dma_start3A_316 = arith.constant 0 : i32
      %dma_start3A_317 = tpu.memref_slice %arg2[%arg0, %dma_start3A_315, %dma_start3A_316] : memref<2x10240x128xf32, #tpu.memory_space<hbm>> -> memref<1x10240x128xf32, #tpu.memory_space<hbm>>
      %dma_start3A_318 = tpu.memref_squeeze %dma_start3A_317 : memref<1x10240x128xf32, #tpu.memory_space<hbm>> -> memref<10240x128xf32, #tpu.memory_space<hbm>>
      %dma_start3A_319 = arith.constant 0 : i32
      %dma_start3A_320 = arith.constant 0 : i32
      %dma_start3A_321 = tpu.memref_slice %dma_start3A_318[%dma_start3A_319, %dma_start3A_320] : memref<10240x128xf32, #tpu.memory_space<hbm>> -> memref<10240x128xf32, #tpu.memory_space<hbm>>
      tpu.enqueue_indirect_dma source(%dma_start3A_321 : memref<10240x128xf32, #tpu.memory_space<hbm>>) target(%dma_start3A_311 : memref<128x128xf32, #tpu.memory_space<vmem>>) offsets(%dma_start3A_314 : memref<128xi32, #tpu.memory_space<vmem>>) semaphore(%arg11 : memref<!tpu.dma_semaphore, #tpu.memory_space<semaphore_mem>>)
      %dma_wait3A_322 = arith.constant 5 : i32
      %dma_wait3A_323 = arith.constant 1 : i32
      %dma_wait3A_324 = arith.constant 0 : i32
      %dma_wait3A_325 = arith.constant 0 : i32
      %dma_wait3A_326 = tpu.memref_slice %arg10[%dma_wait3A_323, %dma_wait3A_324, %dma_wait3A_325] : memref<2x128x128xf32, #tpu.memory_space<vmem>> -> memref<1x128x128xf32, #tpu.memory_space<vmem>>
      %dma_wait3A_327 = tpu.memref_squeeze %dma_wait3A_326 : memref<1x128x128xf32, #tpu.memory_space<vmem>> -> memref<128x128xf32, #tpu.memory_space<vmem>>
      %dma_wait3A_328 = arith.constant 0 : i32
      %dma_wait3A_329 = tpu.memref_slice %arg8[%dma_wait3A_322, %dma_wait3A_328] : memref<16x128xi32, #tpu.memory_space<vmem>> -> memref<1x128xi32, #tpu.memory_space<vmem>>
      %dma_wait3A_330 = tpu.memref_squeeze %dma_wait3A_329 : memref<1x128xi32, #tpu.memory_space<vmem>> -> memref<128xi32, #tpu.memory_space<vmem>>
      %dma_wait3A_331 = arith.constant 0 : i32
      %dma_wait3A_332 = arith.constant 0 : i32
      %dma_wait3A_333 = tpu.memref_slice %arg2[%arg0, %dma_wait3A_331, %dma_wait3A_332] : memref<2x10240x128xf32, #tpu.memory_space<hbm>> -> memref<1x10240x128xf32, #tpu.memory_space<hbm>>
      %dma_wait3A_334 = tpu.memref_squeeze %dma_wait3A_333 : memref<1x10240x128xf32, #tpu.memory_space<hbm>> -> memref<10240x128xf32, #tpu.memory_space<hbm>>
      %dma_wait3A_335 = arith.constant 0 : i32
      %dma_wait3A_336 = arith.constant 0 : i32
      %dma_wait3A_337 = tpu.memref_slice %dma_wait3A_334[%dma_wait3A_335, %dma_wait3A_336] : memref<10240x128xf32, #tpu.memory_space<hbm>> -> memref<10240x128xf32, #tpu.memory_space<hbm>>
      tpu.wait_indirect_dma semaphore(%arg12 : memref<!tpu.dma_semaphore, #tpu.memory_space<semaphore_mem>>) src(%dma_wait3A_337 : memref<10240x128xf32, #tpu.memory_space<hbm>>) dst(%dma_wait3A_327 : memref<128x128xf32, #tpu.memory_space<vmem>>)
      %dma_start3A_338 = arith.constant 1 : i32
      %dma_start3A_339 = arith.constant 5 : i32
      %dma_start3A_340 = arith.constant 0 : i32
      %dma_start3A_341 = arith.constant 0 : i32
      %dma_start3A_342 = tpu.memref_slice %arg10[%dma_start3A_338, %dma_start3A_340, %dma_start3A_341] : memref<2x128x128xf32, #tpu.memory_space<vmem>> -> memref<1x128x128xf32, #tpu.memory_space<vmem>>
      %dma_start3A_343 = tpu.memref_squeeze %dma_start3A_342 : memref<1x128x128xf32, #tpu.memory_space<vmem>> -> memref<128x128xf32, #tpu.memory_space<vmem>>
      %dma_start3A_344 = arith.constant 0 : i32
      %dma_start3A_345 = tpu.memref_slice %arg9[%dma_start3A_339, %dma_start3A_344] : memref<16x128xi32, #tpu.memory_space<vmem>> -> memref<1x128xi32, #tpu.memory_space<vmem>>
      %dma_start3A_346 = tpu.memref_squeeze %dma_start3A_345 : memref<1x128xi32, #tpu.memory_space<vmem>> -> memref<128xi32, #tpu.memory_space<vmem>>
      %dma_start3A_347 = arith.constant 0 : i32
      %dma_start3A_348 = arith.constant 0 : i32
      %dma_start3A_349 = tpu.memref_slice %arg7[%dma_start3A_347, %dma_start3A_348] : memref<10240x128xf32, #tpu.memory_space<vmem_shared>> -> memref<10240x128xf32, #tpu.memory_space<vmem_shared>>
      tpu.enqueue_indirect_dma source(%dma_start3A_343 : memref<128x128xf32, #tpu.memory_space<vmem>>) target(%dma_start3A_349 : memref<10240x128xf32, #tpu.memory_space<vmem_shared>>) offsets(%dma_start3A_346 : memref<128xi32, #tpu.memory_space<vmem>>) semaphore(%arg14 : memref<!tpu.dma_semaphore, #tpu.memory_space<semaphore_mem>>) {add = true}
      %dma_wait3A_350 = arith.constant 1 : i32
      %dma_wait3A_351 = arith.constant 5 : i32
      %dma_wait3A_352 = arith.constant 0 : i32
      %dma_wait3A_353 = arith.constant 0 : i32
      %dma_wait3A_354 = tpu.memref_slice %arg10[%dma_wait3A_350, %dma_wait3A_352, %dma_wait3A_353] : memref<2x128x128xf32, #tpu.memory_space<vmem>> -> memref<1x128x128xf32, #tpu.memory_space<vmem>>
      %dma_wait3A_355 = tpu.memref_squeeze %dma_wait3A_354 : memref<1x128x128xf32, #tpu.memory_space<vmem>> -> memref<128x128xf32, #tpu.memory_space<vmem>>
      %dma_wait3A_356 = arith.constant 0 : i32
      %dma_wait3A_357 = tpu.memref_slice %arg9[%dma_wait3A_351, %dma_wait3A_356] : memref<16x128xi32, #tpu.memory_space<vmem>> -> memref<1x128xi32, #tpu.memory_space<vmem>>
      %dma_wait3A_358 = tpu.memref_squeeze %dma_wait3A_357 : memref<1x128xi32, #tpu.memory_space<vmem>> -> memref<128xi32, #tpu.memory_space<vmem>>
      %dma_wait3A_359 = arith.constant 0 : i32
      %dma_wait3A_360 = arith.constant 0 : i32
      %dma_wait3A_361 = tpu.memref_slice %arg7[%dma_wait3A_359, %dma_wait3A_360] : memref<10240x128xf32, #tpu.memory_space<vmem_shared>> -> memref<10240x128xf32, #tpu.memory_space<vmem_shared>>
      tpu.wait_indirect_dma semaphore(%arg14 : memref<!tpu.dma_semaphore, #tpu.memory_space<semaphore_mem>>) src(%dma_wait3A_355 : memref<128x128xf32, #tpu.memory_space<vmem>>) dst(%dma_wait3A_361 : memref<10240x128xf32, #tpu.memory_space<vmem_shared>>)
      %dma_start3A_362 = arith.constant 7 : i32
      %dma_start3A_363 = arith.constant 1 : i32
      %dma_start3A_364 = arith.constant 0 : i32
      %dma_start3A_365 = arith.constant 0 : i32
      %dma_start3A_366 = tpu.memref_slice %arg10[%dma_start3A_363, %dma_start3A_364, %dma_start3A_365] : memref<2x128x128xf32, #tpu.memory_space<vmem>> -> memref<1x128x128xf32, #tpu.memory_space<vmem>>
      %dma_start3A_367 = tpu.memref_squeeze %dma_start3A_366 : memref<1x128x128xf32, #tpu.memory_space<vmem>> -> memref<128x128xf32, #tpu.memory_space<vmem>>
      %dma_start3A_368 = arith.constant 0 : i32
      %dma_start3A_369 = tpu.memref_slice %arg8[%dma_start3A_362, %dma_start3A_368] : memref<16x128xi32, #tpu.memory_space<vmem>> -> memref<1x128xi32, #tpu.memory_space<vmem>>
      %dma_start3A_370 = tpu.memref_squeeze %dma_start3A_369 : memref<1x128xi32, #tpu.memory_space<vmem>> -> memref<128xi32, #tpu.memory_space<vmem>>
      %dma_start3A_371 = arith.constant 0 : i32
      %dma_start3A_372 = arith.constant 0 : i32
      %dma_start3A_373 = tpu.memref_slice %arg2[%arg0, %dma_start3A_371, %dma_start3A_372] : memref<2x10240x128xf32, #tpu.memory_space<hbm>> -> memref<1x10240x128xf32, #tpu.memory_space<hbm>>
      %dma_start3A_374 = tpu.memref_squeeze %dma_start3A_373 : memref<1x10240x128xf32, #tpu.memory_space<hbm>> -> memref<10240x128xf32, #tpu.memory_space<hbm>>
      %dma_start3A_375 = arith.constant 0 : i32
      %dma_start3A_376 = arith.constant 0 : i32
      %dma_start3A_377 = tpu.memref_slice %dma_start3A_374[%dma_start3A_375, %dma_start3A_376] : memref<10240x128xf32, #tpu.memory_space<hbm>> -> memref<10240x128xf32, #tpu.memory_space<hbm>>
      tpu.enqueue_indirect_dma source(%dma_start3A_377 : memref<10240x128xf32, #tpu.memory_space<hbm>>) target(%dma_start3A_367 : memref<128x128xf32, #tpu.memory_space<vmem>>) offsets(%dma_start3A_370 : memref<128xi32, #tpu.memory_space<vmem>>) semaphore(%arg12 : memref<!tpu.dma_semaphore, #tpu.memory_space<semaphore_mem>>)
      %dma_wait3A_378 = arith.constant 6 : i32
      %dma_wait3A_379 = arith.constant 0 : i32
      %dma_wait3A_380 = arith.constant 0 : i32
      %dma_wait3A_381 = arith.constant 0 : i32
      %dma_wait3A_382 = tpu.memref_slice %arg10[%dma_wait3A_379, %dma_wait3A_380, %dma_wait3A_381] : memref<2x128x128xf32, #tpu.memory_space<vmem>> -> memref<1x128x128xf32, #tpu.memory_space<vmem>>
      %dma_wait3A_383 = tpu.memref_squeeze %dma_wait3A_382 : memref<1x128x128xf32, #tpu.memory_space<vmem>> -> memref<128x128xf32, #tpu.memory_space<vmem>>
      %dma_wait3A_384 = arith.constant 0 : i32
      %dma_wait3A_385 = tpu.memref_slice %arg8[%dma_wait3A_378, %dma_wait3A_384] : memref<16x128xi32, #tpu.memory_space<vmem>> -> memref<1x128xi32, #tpu.memory_space<vmem>>
      %dma_wait3A_386 = tpu.memref_squeeze %dma_wait3A_385 : memref<1x128xi32, #tpu.memory_space<vmem>> -> memref<128xi32, #tpu.memory_space<vmem>>
      %dma_wait3A_387 = arith.constant 0 : i32
      %dma_wait3A_388 = arith.constant 0 : i32
      %dma_wait3A_389 = tpu.memref_slice %arg2[%arg0, %dma_wait3A_387, %dma_wait3A_388] : memref<2x10240x128xf32, #tpu.memory_space<hbm>> -> memref<1x10240x128xf32, #tpu.memory_space<hbm>>
      %dma_wait3A_390 = tpu.memref_squeeze %dma_wait3A_389 : memref<1x10240x128xf32, #tpu.memory_space<hbm>> -> memref<10240x128xf32, #tpu.memory_space<hbm>>
      %dma_wait3A_391 = arith.constant 0 : i32
      %dma_wait3A_392 = arith.constant 0 : i32
      %dma_wait3A_393 = tpu.memref_slice %dma_wait3A_390[%dma_wait3A_391, %dma_wait3A_392] : memref<10240x128xf32, #tpu.memory_space<hbm>> -> memref<10240x128xf32, #tpu.memory_space<hbm>>
      tpu.wait_indirect_dma semaphore(%arg11 : memref<!tpu.dma_semaphore, #tpu.memory_space<semaphore_mem>>) src(%dma_wait3A_393 : memref<10240x128xf32, #tpu.memory_space<hbm>>) dst(%dma_wait3A_383 : memref<128x128xf32, #tpu.memory_space<vmem>>)
      %dma_start3A_394 = arith.constant 0 : i32
      %dma_start3A_395 = arith.constant 6 : i32
      %dma_start3A_396 = arith.constant 0 : i32
      %dma_start3A_397 = arith.constant 0 : i32
      %dma_start3A_398 = tpu.memref_slice %arg10[%dma_start3A_394, %dma_start3A_396, %dma_start3A_397] : memref<2x128x128xf32, #tpu.memory_space<vmem>> -> memref<1x128x128xf32, #tpu.memory_space<vmem>>
      %dma_start3A_399 = tpu.memref_squeeze %dma_start3A_398 : memref<1x128x128xf32, #tpu.memory_space<vmem>> -> memref<128x128xf32, #tpu.memory_space<vmem>>
      %dma_start3A_400 = arith.constant 0 : i32
      %dma_start3A_401 = tpu.memref_slice %arg9[%dma_start3A_395, %dma_start3A_400] : memref<16x128xi32, #tpu.memory_space<vmem>> -> memref<1x128xi32, #tpu.memory_space<vmem>>
      %dma_start3A_402 = tpu.memref_squeeze %dma_start3A_401 : memref<1x128xi32, #tpu.memory_space<vmem>> -> memref<128xi32, #tpu.memory_space<vmem>>
      %dma_start3A_403 = arith.constant 0 : i32
      %dma_start3A_404 = arith.constant 0 : i32
      %dma_start3A_405 = tpu.memref_slice %arg7[%dma_start3A_403, %dma_start3A_404] : memref<10240x128xf32, #tpu.memory_space<vmem_shared>> -> memref<10240x128xf32, #tpu.memory_space<vmem_shared>>
      tpu.enqueue_indirect_dma source(%dma_start3A_399 : memref<128x128xf32, #tpu.memory_space<vmem>>) target(%dma_start3A_405 : memref<10240x128xf32, #tpu.memory_space<vmem_shared>>) offsets(%dma_start3A_402 : memref<128xi32, #tpu.memory_space<vmem>>) semaphore(%arg13 : memref<!tpu.dma_semaphore, #tpu.memory_space<semaphore_mem>>) {add = true}
      %dma_wait3A_406 = arith.constant 0 : i32
      %dma_wait3A_407 = arith.constant 6 : i32
      %dma_wait3A_408 = arith.constant 0 : i32
      %dma_wait3A_409 = arith.constant 0 : i32
      %dma_wait3A_410 = tpu.memref_slice %arg10[%dma_wait3A_406, %dma_wait3A_408, %dma_wait3A_409] : memref<2x128x128xf32, #tpu.memory_space<vmem>> -> memref<1x128x128xf32, #tpu.memory_space<vmem>>
      %dma_wait3A_411 = tpu.memref_squeeze %dma_wait3A_410 : memref<1x128x128xf32, #tpu.memory_space<vmem>> -> memref<128x128xf32, #tpu.memory_space<vmem>>
      %dma_wait3A_412 = arith.constant 0 : i32
      %dma_wait3A_413 = tpu.memref_slice %arg9[%dma_wait3A_407, %dma_wait3A_412] : memref<16x128xi32, #tpu.memory_space<vmem>> -> memref<1x128xi32, #tpu.memory_space<vmem>>
      %dma_wait3A_414 = tpu.memref_squeeze %dma_wait3A_413 : memref<1x128xi32, #tpu.memory_space<vmem>> -> memref<128xi32, #tpu.memory_space<vmem>>
      %dma_wait3A_415 = arith.constant 0 : i32
      %dma_wait3A_416 = arith.constant 0 : i32
      %dma_wait3A_417 = tpu.memref_slice %arg7[%dma_wait3A_415, %dma_wait3A_416] : memref<10240x128xf32, #tpu.memory_space<vmem_shared>> -> memref<10240x128xf32, #tpu.memory_space<vmem_shared>>
      tpu.wait_indirect_dma semaphore(%arg13 : memref<!tpu.dma_semaphore, #tpu.memory_space<semaphore_mem>>) src(%dma_wait3A_411 : memref<128x128xf32, #tpu.memory_space<vmem>>) dst(%dma_wait3A_417 : memref<10240x128xf32, #tpu.memory_space<vmem_shared>>)
      %dma_start3A_418 = arith.constant 8 : i32
      %dma_start3A_419 = arith.constant 0 : i32
      %dma_start3A_420 = arith.constant 0 : i32
      %dma_start3A_421 = arith.constant 0 : i32
      %dma_start3A_422 = tpu.memref_slice %arg10[%dma_start3A_419, %dma_start3A_420, %dma_start3A_421] : memref<2x128x128xf32, #tpu.memory_space<vmem>> -> memref<1x128x128xf32, #tpu.memory_space<vmem>>
      %dma_start3A_423 = tpu.memref_squeeze %dma_start3A_422 : memref<1x128x128xf32, #tpu.memory_space<vmem>> -> memref<128x128xf32, #tpu.memory_space<vmem>>
      %dma_start3A_424 = arith.constant 0 : i32
      %dma_start3A_425 = tpu.memref_slice %arg8[%dma_start3A_418, %dma_start3A_424] : memref<16x128xi32, #tpu.memory_space<vmem>> -> memref<1x128xi32, #tpu.memory_space<vmem>>
      %dma_start3A_426 = tpu.memref_squeeze %dma_start3A_425 : memref<1x128xi32, #tpu.memory_space<vmem>> -> memref<128xi32, #tpu.memory_space<vmem>>
      %dma_start3A_427 = arith.constant 0 : i32
      %dma_start3A_428 = arith.constant 0 : i32
      %dma_start3A_429 = tpu.memref_slice %arg2[%arg0, %dma_start3A_427, %dma_start3A_428] : memref<2x10240x128xf32, #tpu.memory_space<hbm>> -> memref<1x10240x128xf32, #tpu.memory_space<hbm>>
      %dma_start3A_430 = tpu.memref_squeeze %dma_start3A_429 : memref<1x10240x128xf32, #tpu.memory_space<hbm>> -> memref<10240x128xf32, #tpu.memory_space<hbm>>
      %dma_start3A_431 = arith.constant 0 : i32
      %dma_start3A_432 = arith.constant 0 : i32
      %dma_start3A_433 = tpu.memref_slice %dma_start3A_430[%dma_start3A_431, %dma_start3A_432] : memref<10240x128xf32, #tpu.memory_space<hbm>> -> memref<10240x128xf32, #tpu.memory_space<hbm>>
      tpu.enqueue_indirect_dma source(%dma_start3A_433 : memref<10240x128xf32, #tpu.memory_space<hbm>>) target(%dma_start3A_423 : memref<128x128xf32, #tpu.memory_space<vmem>>) offsets(%dma_start3A_426 : memref<128xi32, #tpu.memory_space<vmem>>) semaphore(%arg11 : memref<!tpu.dma_semaphore, #tpu.memory_space<semaphore_mem>>)
      %dma_wait3A_434 = arith.constant 7 : i32
      %dma_wait3A_435 = arith.constant 1 : i32
      %dma_wait3A_436 = arith.constant 0 : i32
      %dma_wait3A_437 = arith.constant 0 : i32
      %dma_wait3A_438 = tpu.memref_slice %arg10[%dma_wait3A_435, %dma_wait3A_436, %dma_wait3A_437] : memref<2x128x128xf32, #tpu.memory_space<vmem>> -> memref<1x128x128xf32, #tpu.memory_space<vmem>>
      %dma_wait3A_439 = tpu.memref_squeeze %dma_wait3A_438 : memref<1x128x128xf32, #tpu.memory_space<vmem>> -> memref<128x128xf32, #tpu.memory_space<vmem>>
      %dma_wait3A_440 = arith.constant 0 : i32
      %dma_wait3A_441 = tpu.memref_slice %arg8[%dma_wait3A_434, %dma_wait3A_440] : memref<16x128xi32, #tpu.memory_space<vmem>> -> memref<1x128xi32, #tpu.memory_space<vmem>>
      %dma_wait3A_442 = tpu.memref_squeeze %dma_wait3A_441 : memref<1x128xi32, #tpu.memory_space<vmem>> -> memref<128xi32, #tpu.memory_space<vmem>>
      %dma_wait3A_443 = arith.constant 0 : i32
      %dma_wait3A_444 = arith.constant 0 : i32
      %dma_wait3A_445 = tpu.memref_slice %arg2[%arg0, %dma_wait3A_443, %dma_wait3A_444] : memref<2x10240x128xf32, #tpu.memory_space<hbm>> -> memref<1x10240x128xf32, #tpu.memory_space<hbm>>
      %dma_wait3A_446 = tpu.memref_squeeze %dma_wait3A_445 : memref<1x10240x128xf32, #tpu.memory_space<hbm>> -> memref<10240x128xf32, #tpu.memory_space<hbm>>
      %dma_wait3A_447 = arith.constant 0 : i32
      %dma_wait3A_448 = arith.constant 0 : i32
      %dma_wait3A_449 = tpu.memref_slice %dma_wait3A_446[%dma_wait3A_447, %dma_wait3A_448] : memref<10240x128xf32, #tpu.memory_space<hbm>> -> memref<10240x128xf32, #tpu.memory_space<hbm>>
      tpu.wait_indirect_dma semaphore(%arg12 : memref<!tpu.dma_semaphore, #tpu.memory_space<semaphore_mem>>) src(%dma_wait3A_449 : memref<10240x128xf32, #tpu.memory_space<hbm>>) dst(%dma_wait3A_439 : memref<128x128xf32, #tpu.memory_space<vmem>>)
      %dma_start3A_450 = arith.constant 1 : i32
      %dma_start3A_451 = arith.constant 7 : i32
      %dma_start3A_452 = arith.constant 0 : i32
      %dma_start3A_453 = arith.constant 0 : i32
      %dma_start3A_454 = tpu.memref_slice %arg10[%dma_start3A_450, %dma_start3A_452, %dma_start3A_453] : memref<2x128x128xf32, #tpu.memory_space<vmem>> -> memref<1x128x128xf32, #tpu.memory_space<vmem>>
      %dma_start3A_455 = tpu.memref_squeeze %dma_start3A_454 : memref<1x128x128xf32, #tpu.memory_space<vmem>> -> memref<128x128xf32, #tpu.memory_space<vmem>>
      %dma_start3A_456 = arith.constant 0 : i32
      %dma_start3A_457 = tpu.memref_slice %arg9[%dma_start3A_451, %dma_start3A_456] : memref<16x128xi32, #tpu.memory_space<vmem>> -> memref<1x128xi32, #tpu.memory_space<vmem>>
      %dma_start3A_458 = tpu.memref_squeeze %dma_start3A_457 : memref<1x128xi32, #tpu.memory_space<vmem>> -> memref<128xi32, #tpu.memory_space<vmem>>
      %dma_start3A_459 = arith.constant 0 : i32
      %dma_start3A_460 = arith.constant 0 : i32
      %dma_start3A_461 = tpu.memref_slice %arg7[%dma_start3A_459, %dma_start3A_460] : memref<10240x128xf32, #tpu.memory_space<vmem_shared>> -> memref<10240x128xf32, #tpu.memory_space<vmem_shared>>
      tpu.enqueue_indirect_dma source(%dma_start3A_455 : memref<128x128xf32, #tpu.memory_space<vmem>>) target(%dma_start3A_461 : memref<10240x128xf32, #tpu.memory_space<vmem_shared>>) offsets(%dma_start3A_458 : memref<128xi32, #tpu.memory_space<vmem>>) semaphore(%arg14 : memref<!tpu.dma_semaphore, #tpu.memory_space<semaphore_mem>>) {add = true}
      %dma_wait3A_462 = arith.constant 1 : i32
      %dma_wait3A_463 = arith.constant 7 : i32
      %dma_wait3A_464 = arith.constant 0 : i32
      %dma_wait3A_465 = arith.constant 0 : i32
      %dma_wait3A_466 = tpu.memref_slice %arg10[%dma_wait3A_462, %dma_wait3A_464, %dma_wait3A_465] : memref<2x128x128xf32, #tpu.memory_space<vmem>> -> memref<1x128x128xf32, #tpu.memory_space<vmem>>
      %dma_wait3A_467 = tpu.memref_squeeze %dma_wait3A_466 : memref<1x128x128xf32, #tpu.memory_space<vmem>> -> memref<128x128xf32, #tpu.memory_space<vmem>>
      %dma_wait3A_468 = arith.constant 0 : i32
      %dma_wait3A_469 = tpu.memref_slice %arg9[%dma_wait3A_463, %dma_wait3A_468] : memref<16x128xi32, #tpu.memory_space<vmem>> -> memref<1x128xi32, #tpu.memory_space<vmem>>
      %dma_wait3A_470 = tpu.memref_squeeze %dma_wait3A_469 : memref<1x128xi32, #tpu.memory_space<vmem>> -> memref<128xi32, #tpu.memory_space<vmem>>
      %dma_wait3A_471 = arith.constant 0 : i32
      %dma_wait3A_472 = arith.constant 0 : i32
      %dma_wait3A_473 = tpu.memref_slice %arg7[%dma_wait3A_471, %dma_wait3A_472] : memref<10240x128xf32, #tpu.memory_space<vmem_shared>> -> memref<10240x128xf32, #tpu.memory_space<vmem_shared>>
      tpu.wait_indirect_dma semaphore(%arg14 : memref<!tpu.dma_semaphore, #tpu.memory_space<semaphore_mem>>) src(%dma_wait3A_467 : memref<128x128xf32, #tpu.memory_space<vmem>>) dst(%dma_wait3A_473 : memref<10240x128xf32, #tpu.memory_space<vmem_shared>>)
      %dma_start3A_474 = arith.constant 9 : i32
      %dma_start3A_475 = arith.constant 1 : i32
      %dma_start3A_476 = arith.constant 0 : i32
      %dma_start3A_477 = arith.constant 0 : i32
      %dma_start3A_478 = tpu.memref_slice %arg10[%dma_start3A_475, %dma_start3A_476, %dma_start3A_477] : memref<2x128x128xf32, #tpu.memory_space<vmem>> -> memref<1x128x128xf32, #tpu.memory_space<vmem>>
      %dma_start3A_479 = tpu.memref_squeeze %dma_start3A_478 : memref<1x128x128xf32, #tpu.memory_space<vmem>> -> memref<128x128xf32, #tpu.memory_space<vmem>>
      %dma_start3A_480 = arith.constant 0 : i32
      %dma_start3A_481 = tpu.memref_slice %arg8[%dma_start3A_474, %dma_start3A_480] : memref<16x128xi32, #tpu.memory_space<vmem>> -> memref<1x128xi32, #tpu.memory_space<vmem>>
      %dma_start3A_482 = tpu.memref_squeeze %dma_start3A_481 : memref<1x128xi32, #tpu.memory_space<vmem>> -> memref<128xi32, #tpu.memory_space<vmem>>
      %dma_start3A_483 = arith.constant 0 : i32
      %dma_start3A_484 = arith.constant 0 : i32
      %dma_start3A_485 = tpu.memref_slice %arg2[%arg0, %dma_start3A_483, %dma_start3A_484] : memref<2x10240x128xf32, #tpu.memory_space<hbm>> -> memref<1x10240x128xf32, #tpu.memory_space<hbm>>
      %dma_start3A_486 = tpu.memref_squeeze %dma_start3A_485 : memref<1x10240x128xf32, #tpu.memory_space<hbm>> -> memref<10240x128xf32, #tpu.memory_space<hbm>>
      %dma_start3A_487 = arith.constant 0 : i32
      %dma_start3A_488 = arith.constant 0 : i32
      %dma_start3A_489 = tpu.memref_slice %dma_start3A_486[%dma_start3A_487, %dma_start3A_488] : memref<10240x128xf32, #tpu.memory_space<hbm>> -> memref<10240x128xf32, #tpu.memory_space<hbm>>
      tpu.enqueue_indirect_dma source(%dma_start3A_489 : memref<10240x128xf32, #tpu.memory_space<hbm>>) target(%dma_start3A_479 : memref<128x128xf32, #tpu.memory_space<vmem>>) offsets(%dma_start3A_482 : memref<128xi32, #tpu.memory_space<vmem>>) semaphore(%arg12 : memref<!tpu.dma_semaphore, #tpu.memory_space<semaphore_mem>>)
      %dma_wait3A_490 = arith.constant 8 : i32
      %dma_wait3A_491 = arith.constant 0 : i32
      %dma_wait3A_492 = arith.constant 0 : i32
      %dma_wait3A_493 = arith.constant 0 : i32
      %dma_wait3A_494 = tpu.memref_slice %arg10[%dma_wait3A_491, %dma_wait3A_492, %dma_wait3A_493] : memref<2x128x128xf32, #tpu.memory_space<vmem>> -> memref<1x128x128xf32, #tpu.memory_space<vmem>>
      %dma_wait3A_495 = tpu.memref_squeeze %dma_wait3A_494 : memref<1x128x128xf32, #tpu.memory_space<vmem>> -> memref<128x128xf32, #tpu.memory_space<vmem>>
      %dma_wait3A_496 = arith.constant 0 : i32
      %dma_wait3A_497 = tpu.memref_slice %arg8[%dma_wait3A_490, %dma_wait3A_496] : memref<16x128xi32, #tpu.memory_space<vmem>> -> memref<1x128xi32, #tpu.memory_space<vmem>>
      %dma_wait3A_498 = tpu.memref_squeeze %dma_wait3A_497 : memref<1x128xi32, #tpu.memory_space<vmem>> -> memref<128xi32, #tpu.memory_space<vmem>>
      %dma_wait3A_499 = arith.constant 0 : i32
      %dma_wait3A_500 = arith.constant 0 : i32
      %dma_wait3A_501 = tpu.memref_slice %arg2[%arg0, %dma_wait3A_499, %dma_wait3A_500] : memref<2x10240x128xf32, #tpu.memory_space<hbm>> -> memref<1x10240x128xf32, #tpu.memory_space<hbm>>
      %dma_wait3A_502 = tpu.memref_squeeze %dma_wait3A_501 : memref<1x10240x128xf32, #tpu.memory_space<hbm>> -> memref<10240x128xf32, #tpu.memory_space<hbm>>
      %dma_wait3A_503 = arith.constant 0 : i32
      %dma_wait3A_504 = arith.constant 0 : i32
      %dma_wait3A_505 = tpu.memref_slice %dma_wait3A_502[%dma_wait3A_503, %dma_wait3A_504] : memref<10240x128xf32, #tpu.memory_space<hbm>> -> memref<10240x128xf32, #tpu.memory_space<hbm>>
      tpu.wait_indirect_dma semaphore(%arg11 : memref<!tpu.dma_semaphore, #tpu.memory_space<semaphore_mem>>) src(%dma_wait3A_505 : memref<10240x128xf32, #tpu.memory_space<hbm>>) dst(%dma_wait3A_495 : memref<128x128xf32, #tpu.memory_space<vmem>>)
      %dma_start3A_506 = arith.constant 0 : i32
      %dma_start3A_507 = arith.constant 8 : i32
      %dma_start3A_508 = arith.constant 0 : i32
      %dma_start3A_509 = arith.constant 0 : i32
      %dma_start3A_510 = tpu.memref_slice %arg10[%dma_start3A_506, %dma_start3A_508, %dma_start3A_509] : memref<2x128x128xf32, #tpu.memory_space<vmem>> -> memref<1x128x128xf32, #tpu.memory_space<vmem>>
      %dma_start3A_511 = tpu.memref_squeeze %dma_start3A_510 : memref<1x128x128xf32, #tpu.memory_space<vmem>> -> memref<128x128xf32, #tpu.memory_space<vmem>>
      %dma_start3A_512 = arith.constant 0 : i32
      %dma_start3A_513 = tpu.memref_slice %arg9[%dma_start3A_507, %dma_start3A_512] : memref<16x128xi32, #tpu.memory_space<vmem>> -> memref<1x128xi32, #tpu.memory_space<vmem>>
      %dma_start3A_514 = tpu.memref_squeeze %dma_start3A_513 : memref<1x128xi32, #tpu.memory_space<vmem>> -> memref<128xi32, #tpu.memory_space<vmem>>
      %dma_start3A_515 = arith.constant 0 : i32
      %dma_start3A_516 = arith.constant 0 : i32
      %dma_start3A_517 = tpu.memref_slice %arg7[%dma_start3A_515, %dma_start3A_516] : memref<10240x128xf32, #tpu.memory_space<vmem_shared>> -> memref<10240x128xf32, #tpu.memory_space<vmem_shared>>
      tpu.enqueue_indirect_dma source(%dma_start3A_511 : memref<128x128xf32, #tpu.memory_space<vmem>>) target(%dma_start3A_517 : memref<10240x128xf32, #tpu.memory_space<vmem_shared>>) offsets(%dma_start3A_514 : memref<128xi32, #tpu.memory_space<vmem>>) semaphore(%arg13 : memref<!tpu.dma_semaphore, #tpu.memory_space<semaphore_mem>>) {add = true}
      %dma_wait3A_518 = arith.constant 0 : i32
      %dma_wait3A_519 = arith.constant 8 : i32
      %dma_wait3A_520 = arith.constant 0 : i32
      %dma_wait3A_521 = arith.constant 0 : i32
      %dma_wait3A_522 = tpu.memref_slice %arg10[%dma_wait3A_518, %dma_wait3A_520, %dma_wait3A_521] : memref<2x128x128xf32, #tpu.memory_space<vmem>> -> memref<1x128x128xf32, #tpu.memory_space<vmem>>
      %dma_wait3A_523 = tpu.memref_squeeze %dma_wait3A_522 : memref<1x128x128xf32, #tpu.memory_space<vmem>> -> memref<128x128xf32, #tpu.memory_space<vmem>>
      %dma_wait3A_524 = arith.constant 0 : i32
      %dma_wait3A_525 = tpu.memref_slice %arg9[%dma_wait3A_519, %dma_wait3A_524] : memref<16x128xi32, #tpu.memory_space<vmem>> -> memref<1x128xi32, #tpu.memory_space<vmem>>
      %dma_wait3A_526 = tpu.memref_squeeze %dma_wait3A_525 : memref<1x128xi32, #tpu.memory_space<vmem>> -> memref<128xi32, #tpu.memory_space<vmem>>
      %dma_wait3A_527 = arith.constant 0 : i32
      %dma_wait3A_528 = arith.constant 0 : i32
      %dma_wait3A_529 = tpu.memref_slice %arg7[%dma_wait3A_527, %dma_wait3A_528] : memref<10240x128xf32, #tpu.memory_space<vmem_shared>> -> memref<10240x128xf32, #tpu.memory_space<vmem_shared>>
      tpu.wait_indirect_dma semaphore(%arg13 : memref<!tpu.dma_semaphore, #tpu.memory_space<semaphore_mem>>) src(%dma_wait3A_523 : memref<128x128xf32, #tpu.memory_space<vmem>>) dst(%dma_wait3A_529 : memref<10240x128xf32, #tpu.memory_space<vmem_shared>>)
      %dma_start3A_530 = arith.constant 10 : i32
      %dma_start3A_531 = arith.constant 0 : i32
      %dma_start3A_532 = arith.constant 0 : i32
      %dma_start3A_533 = arith.constant 0 : i32
      %dma_start3A_534 = tpu.memref_slice %arg10[%dma_start3A_531, %dma_start3A_532, %dma_start3A_533] : memref<2x128x128xf32, #tpu.memory_space<vmem>> -> memref<1x128x128xf32, #tpu.memory_space<vmem>>
      %dma_start3A_535 = tpu.memref_squeeze %dma_start3A_534 : memref<1x128x128xf32, #tpu.memory_space<vmem>> -> memref<128x128xf32, #tpu.memory_space<vmem>>
      %dma_start3A_536 = arith.constant 0 : i32
      %dma_start3A_537 = tpu.memref_slice %arg8[%dma_start3A_530, %dma_start3A_536] : memref<16x128xi32, #tpu.memory_space<vmem>> -> memref<1x128xi32, #tpu.memory_space<vmem>>
      %dma_start3A_538 = tpu.memref_squeeze %dma_start3A_537 : memref<1x128xi32, #tpu.memory_space<vmem>> -> memref<128xi32, #tpu.memory_space<vmem>>
      %dma_start3A_539 = arith.constant 0 : i32
      %dma_start3A_540 = arith.constant 0 : i32
      %dma_start3A_541 = tpu.memref_slice %arg2[%arg0, %dma_start3A_539, %dma_start3A_540] : memref<2x10240x128xf32, #tpu.memory_space<hbm>> -> memref<1x10240x128xf32, #tpu.memory_space<hbm>>
      %dma_start3A_542 = tpu.memref_squeeze %dma_start3A_541 : memref<1x10240x128xf32, #tpu.memory_space<hbm>> -> memref<10240x128xf32, #tpu.memory_space<hbm>>
      %dma_start3A_543 = arith.constant 0 : i32
      %dma_start3A_544 = arith.constant 0 : i32
      %dma_start3A_545 = tpu.memref_slice %dma_start3A_542[%dma_start3A_543, %dma_start3A_544] : memref<10240x128xf32, #tpu.memory_space<hbm>> -> memref<10240x128xf32, #tpu.memory_space<hbm>>
      tpu.enqueue_indirect_dma source(%dma_start3A_545 : memref<10240x128xf32, #tpu.memory_space<hbm>>) target(%dma_start3A_535 : memref<128x128xf32, #tpu.memory_space<vmem>>) offsets(%dma_start3A_538 : memref<128xi32, #tpu.memory_space<vmem>>) semaphore(%arg11 : memref<!tpu.dma_semaphore, #tpu.memory_space<semaphore_mem>>)
      %dma_wait3A_546 = arith.constant 9 : i32
      %dma_wait3A_547 = arith.constant 1 : i32
      %dma_wait3A_548 = arith.constant 0 : i32
      %dma_wait3A_549 = arith.constant 0 : i32
      %dma_wait3A_550 = tpu.memref_slice %arg10[%dma_wait3A_547, %dma_wait3A_548, %dma_wait3A_549] : memref<2x128x128xf32, #tpu.memory_space<vmem>> -> memref<1x128x128xf32, #tpu.memory_space<vmem>>
      %dma_wait3A_551 = tpu.memref_squeeze %dma_wait3A_550 : memref<1x128x128xf32, #tpu.memory_space<vmem>> -> memref<128x128xf32, #tpu.memory_space<vmem>>
      %dma_wait3A_552 = arith.constant 0 : i32
      %dma_wait3A_553 = tpu.memref_slice %arg8[%dma_wait3A_546, %dma_wait3A_552] : memref<16x128xi32, #tpu.memory_space<vmem>> -> memref<1x128xi32, #tpu.memory_space<vmem>>
      %dma_wait3A_554 = tpu.memref_squeeze %dma_wait3A_553 : memref<1x128xi32, #tpu.memory_space<vmem>> -> memref<128xi32, #tpu.memory_space<vmem>>
      %dma_wait3A_555 = arith.constant 0 : i32
      %dma_wait3A_556 = arith.constant 0 : i32
      %dma_wait3A_557 = tpu.memref_slice %arg2[%arg0, %dma_wait3A_555, %dma_wait3A_556] : memref<2x10240x128xf32, #tpu.memory_space<hbm>> -> memref<1x10240x128xf32, #tpu.memory_space<hbm>>
      %dma_wait3A_558 = tpu.memref_squeeze %dma_wait3A_557 : memref<1x10240x128xf32, #tpu.memory_space<hbm>> -> memref<10240x128xf32, #tpu.memory_space<hbm>>
      %dma_wait3A_559 = arith.constant 0 : i32
      %dma_wait3A_560 = arith.constant 0 : i32
      %dma_wait3A_561 = tpu.memref_slice %dma_wait3A_558[%dma_wait3A_559, %dma_wait3A_560] : memref<10240x128xf32, #tpu.memory_space<hbm>> -> memref<10240x128xf32, #tpu.memory_space<hbm>>
      tpu.wait_indirect_dma semaphore(%arg12 : memref<!tpu.dma_semaphore, #tpu.memory_space<semaphore_mem>>) src(%dma_wait3A_561 : memref<10240x128xf32, #tpu.memory_space<hbm>>) dst(%dma_wait3A_551 : memref<128x128xf32, #tpu.memory_space<vmem>>)
      %dma_start3A_562 = arith.constant 1 : i32
      %dma_start3A_563 = arith.constant 9 : i32
      %dma_start3A_564 = arith.constant 0 : i32
      %dma_start3A_565 = arith.constant 0 : i32
      %dma_start3A_566 = tpu.memref_slice %arg10[%dma_start3A_562, %dma_start3A_564, %dma_start3A_565] : memref<2x128x128xf32, #tpu.memory_space<vmem>> -> memref<1x128x128xf32, #tpu.memory_space<vmem>>
      %dma_start3A_567 = tpu.memref_squeeze %dma_start3A_566 : memref<1x128x128xf32, #tpu.memory_space<vmem>> -> memref<128x128xf32, #tpu.memory_space<vmem>>
      %dma_start3A_568 = arith.constant 0 : i32
      %dma_start3A_569 = tpu.memref_slice %arg9[%dma_start3A_563, %dma_start3A_568] : memref<16x128xi32, #tpu.memory_space<vmem>> -> memref<1x128xi32, #tpu.memory_space<vmem>>
      %dma_start3A_570 = tpu.memref_squeeze %dma_start3A_569 : memref<1x128xi32, #tpu.memory_space<vmem>> -> memref<128xi32, #tpu.memory_space<vmem>>
      %dma_start3A_571 = arith.constant 0 : i32
      %dma_start3A_572 = arith.constant 0 : i32
      %dma_start3A_573 = tpu.memref_slice %arg7[%dma_start3A_571, %dma_start3A_572] : memref<10240x128xf32, #tpu.memory_space<vmem_shared>> -> memref<10240x128xf32, #tpu.memory_space<vmem_shared>>
      tpu.enqueue_indirect_dma source(%dma_start3A_567 : memref<128x128xf32, #tpu.memory_space<vmem>>) target(%dma_start3A_573 : memref<10240x128xf32, #tpu.memory_space<vmem_shared>>) offsets(%dma_start3A_570 : memref<128xi32, #tpu.memory_space<vmem>>) semaphore(%arg14 : memref<!tpu.dma_semaphore, #tpu.memory_space<semaphore_mem>>) {add = true}
      %dma_wait3A_574 = arith.constant 1 : i32
      %dma_wait3A_575 = arith.constant 9 : i32
      %dma_wait3A_576 = arith.constant 0 : i32
      %dma_wait3A_577 = arith.constant 0 : i32
      %dma_wait3A_578 = tpu.memref_slice %arg10[%dma_wait3A_574, %dma_wait3A_576, %dma_wait3A_577] : memref<2x128x128xf32, #tpu.memory_space<vmem>> -> memref<1x128x128xf32, #tpu.memory_space<vmem>>
      %dma_wait3A_579 = tpu.memref_squeeze %dma_wait3A_578 : memref<1x128x128xf32, #tpu.memory_space<vmem>> -> memref<128x128xf32, #tpu.memory_space<vmem>>
      %dma_wait3A_580 = arith.constant 0 : i32
      %dma_wait3A_581 = tpu.memref_slice %arg9[%dma_wait3A_575, %dma_wait3A_580] : memref<16x128xi32, #tpu.memory_space<vmem>> -> memref<1x128xi32, #tpu.memory_space<vmem>>
      %dma_wait3A_582 = tpu.memref_squeeze %dma_wait3A_581 : memref<1x128xi32, #tpu.memory_space<vmem>> -> memref<128xi32, #tpu.memory_space<vmem>>
      %dma_wait3A_583 = arith.constant 0 : i32
      %dma_wait3A_584 = arith.constant 0 : i32
      %dma_wait3A_585 = tpu.memref_slice %arg7[%dma_wait3A_583, %dma_wait3A_584] : memref<10240x128xf32, #tpu.memory_space<vmem_shared>> -> memref<10240x128xf32, #tpu.memory_space<vmem_shared>>
      tpu.wait_indirect_dma semaphore(%arg14 : memref<!tpu.dma_semaphore, #tpu.memory_space<semaphore_mem>>) src(%dma_wait3A_579 : memref<128x128xf32, #tpu.memory_space<vmem>>) dst(%dma_wait3A_585 : memref<10240x128xf32, #tpu.memory_space<vmem_shared>>)
      %dma_start3A_586 = arith.constant 11 : i32
      %dma_start3A_587 = arith.constant 1 : i32
      %dma_start3A_588 = arith.constant 0 : i32
      %dma_start3A_589 = arith.constant 0 : i32
      %dma_start3A_590 = tpu.memref_slice %arg10[%dma_start3A_587, %dma_start3A_588, %dma_start3A_589] : memref<2x128x128xf32, #tpu.memory_space<vmem>> -> memref<1x128x128xf32, #tpu.memory_space<vmem>>
      %dma_start3A_591 = tpu.memref_squeeze %dma_start3A_590 : memref<1x128x128xf32, #tpu.memory_space<vmem>> -> memref<128x128xf32, #tpu.memory_space<vmem>>
      %dma_start3A_592 = arith.constant 0 : i32
      %dma_start3A_593 = tpu.memref_slice %arg8[%dma_start3A_586, %dma_start3A_592] : memref<16x128xi32, #tpu.memory_space<vmem>> -> memref<1x128xi32, #tpu.memory_space<vmem>>
      %dma_start3A_594 = tpu.memref_squeeze %dma_start3A_593 : memref<1x128xi32, #tpu.memory_space<vmem>> -> memref<128xi32, #tpu.memory_space<vmem>>
      %dma_start3A_595 = arith.constant 0 : i32
      %dma_start3A_596 = arith.constant 0 : i32
      %dma_start3A_597 = tpu.memref_slice %arg2[%arg0, %dma_start3A_595, %dma_start3A_596] : memref<2x10240x128xf32, #tpu.memory_space<hbm>> -> memref<1x10240x128xf32, #tpu.memory_space<hbm>>
      %dma_start3A_598 = tpu.memref_squeeze %dma_start3A_597 : memref<1x10240x128xf32, #tpu.memory_space<hbm>> -> memref<10240x128xf32, #tpu.memory_space<hbm>>
      %dma_start3A_599 = arith.constant 0 : i32
      %dma_start3A_600 = arith.constant 0 : i32
      %dma_start3A_601 = tpu.memref_slice %dma_start3A_598[%dma_start3A_599, %dma_start3A_600] : memref<10240x128xf32, #tpu.memory_space<hbm>> -> memref<10240x128xf32, #tpu.memory_space<hbm>>
      tpu.enqueue_indirect_dma source(%dma_start3A_601 : memref<10240x128xf32, #tpu.memory_space<hbm>>) target(%dma_start3A_591 : memref<128x128xf32, #tpu.memory_space<vmem>>) offsets(%dma_start3A_594 : memref<128xi32, #tpu.memory_space<vmem>>) semaphore(%arg12 : memref<!tpu.dma_semaphore, #tpu.memory_space<semaphore_mem>>)
      %dma_wait3A_602 = arith.constant 10 : i32
      %dma_wait3A_603 = arith.constant 0 : i32
      %dma_wait3A_604 = arith.constant 0 : i32
      %dma_wait3A_605 = arith.constant 0 : i32
      %dma_wait3A_606 = tpu.memref_slice %arg10[%dma_wait3A_603, %dma_wait3A_604, %dma_wait3A_605] : memref<2x128x128xf32, #tpu.memory_space<vmem>> -> memref<1x128x128xf32, #tpu.memory_space<vmem>>
      %dma_wait3A_607 = tpu.memref_squeeze %dma_wait3A_606 : memref<1x128x128xf32, #tpu.memory_space<vmem>> -> memref<128x128xf32, #tpu.memory_space<vmem>>
      %dma_wait3A_608 = arith.constant 0 : i32
      %dma_wait3A_609 = tpu.memref_slice %arg8[%dma_wait3A_602, %dma_wait3A_608] : memref<16x128xi32, #tpu.memory_space<vmem>> -> memref<1x128xi32, #tpu.memory_space<vmem>>
      %dma_wait3A_610 = tpu.memref_squeeze %dma_wait3A_609 : memref<1x128xi32, #tpu.memory_space<vmem>> -> memref<128xi32, #tpu.memory_space<vmem>>
      %dma_wait3A_611 = arith.constant 0 : i32
      %dma_wait3A_612 = arith.constant 0 : i32
      %dma_wait3A_613 = tpu.memref_slice %arg2[%arg0, %dma_wait3A_611, %dma_wait3A_612] : memref<2x10240x128xf32, #tpu.memory_space<hbm>> -> memref<1x10240x128xf32, #tpu.memory_space<hbm>>
      %dma_wait3A_614 = tpu.memref_squeeze %dma_wait3A_613 : memref<1x10240x128xf32, #tpu.memory_space<hbm>> -> memref<10240x128xf32, #tpu.memory_space<hbm>>
      %dma_wait3A_615 = arith.constant 0 : i32
      %dma_wait3A_616 = arith.constant 0 : i32
      %dma_wait3A_617 = tpu.memref_slice %dma_wait3A_614[%dma_wait3A_615, %dma_wait3A_616] : memref<10240x128xf32, #tpu.memory_space<hbm>> -> memref<10240x128xf32, #tpu.memory_space<hbm>>
      tpu.wait_indirect_dma semaphore(%arg11 : memref<!tpu.dma_semaphore, #tpu.memory_space<semaphore_mem>>) src(%dma_wait3A_617 : memref<10240x128xf32, #tpu.memory_space<hbm>>) dst(%dma_wait3A_607 : memref<128x128xf32, #tpu.memory_space<vmem>>)
      %dma_start3A_618 = arith.constant 0 : i32
      %dma_start3A_619 = arith.constant 10 : i32
      %dma_start3A_620 = arith.constant 0 : i32
      %dma_start3A_621 = arith.constant 0 : i32
      %dma_start3A_622 = tpu.memref_slice %arg10[%dma_start3A_618, %dma_start3A_620, %dma_start3A_621] : memref<2x128x128xf32, #tpu.memory_space<vmem>> -> memref<1x128x128xf32, #tpu.memory_space<vmem>>
      %dma_start3A_623 = tpu.memref_squeeze %dma_start3A_622 : memref<1x128x128xf32, #tpu.memory_space<vmem>> -> memref<128x128xf32, #tpu.memory_space<vmem>>
      %dma_start3A_624 = arith.constant 0 : i32
      %dma_start3A_625 = tpu.memref_slice %arg9[%dma_start3A_619, %dma_start3A_624] : memref<16x128xi32, #tpu.memory_space<vmem>> -> memref<1x128xi32, #tpu.memory_space<vmem>>
      %dma_start3A_626 = tpu.memref_squeeze %dma_start3A_625 : memref<1x128xi32, #tpu.memory_space<vmem>> -> memref<128xi32, #tpu.memory_space<vmem>>
      %dma_start3A_627 = arith.constant 0 : i32
      %dma_start3A_628 = arith.constant 0 : i32
      %dma_start3A_629 = tpu.memref_slice %arg7[%dma_start3A_627, %dma_start3A_628] : memref<10240x128xf32, #tpu.memory_space<vmem_shared>> -> memref<10240x128xf32, #tpu.memory_space<vmem_shared>>
      tpu.enqueue_indirect_dma source(%dma_start3A_623 : memref<128x128xf32, #tpu.memory_space<vmem>>) target(%dma_start3A_629 : memref<10240x128xf32, #tpu.memory_space<vmem_shared>>) offsets(%dma_start3A_626 : memref<128xi32, #tpu.memory_space<vmem>>) semaphore(%arg13 : memref<!tpu.dma_semaphore, #tpu.memory_space<semaphore_mem>>) {add = true}
      %dma_wait3A_630 = arith.constant 0 : i32
      %dma_wait3A_631 = arith.constant 10 : i32
      %dma_wait3A_632 = arith.constant 0 : i32
      %dma_wait3A_633 = arith.constant 0 : i32
      %dma_wait3A_634 = tpu.memref_slice %arg10[%dma_wait3A_630, %dma_wait3A_632, %dma_wait3A_633] : memref<2x128x128xf32, #tpu.memory_space<vmem>> -> memref<1x128x128xf32, #tpu.memory_space<vmem>>
      %dma_wait3A_635 = tpu.memref_squeeze %dma_wait3A_634 : memref<1x128x128xf32, #tpu.memory_space<vmem>> -> memref<128x128xf32, #tpu.memory_space<vmem>>
      %dma_wait3A_636 = arith.constant 0 : i32
      %dma_wait3A_637 = tpu.memref_slice %arg9[%dma_wait3A_631, %dma_wait3A_636] : memref<16x128xi32, #tpu.memory_space<vmem>> -> memref<1x128xi32, #tpu.memory_space<vmem>>
      %dma_wait3A_638 = tpu.memref_squeeze %dma_wait3A_637 : memref<1x128xi32, #tpu.memory_space<vmem>> -> memref<128xi32, #tpu.memory_space<vmem>>
      %dma_wait3A_639 = arith.constant 0 : i32
      %dma_wait3A_640 = arith.constant 0 : i32
      %dma_wait3A_641 = tpu.memref_slice %arg7[%dma_wait3A_639, %dma_wait3A_640] : memref<10240x128xf32, #tpu.memory_space<vmem_shared>> -> memref<10240x128xf32, #tpu.memory_space<vmem_shared>>
      tpu.wait_indirect_dma semaphore(%arg13 : memref<!tpu.dma_semaphore, #tpu.memory_space<semaphore_mem>>) src(%dma_wait3A_635 : memref<128x128xf32, #tpu.memory_space<vmem>>) dst(%dma_wait3A_641 : memref<10240x128xf32, #tpu.memory_space<vmem_shared>>)
      %dma_start3A_642 = arith.constant 12 : i32
      %dma_start3A_643 = arith.constant 0 : i32
      %dma_start3A_644 = arith.constant 0 : i32
      %dma_start3A_645 = arith.constant 0 : i32
      %dma_start3A_646 = tpu.memref_slice %arg10[%dma_start3A_643, %dma_start3A_644, %dma_start3A_645] : memref<2x128x128xf32, #tpu.memory_space<vmem>> -> memref<1x128x128xf32, #tpu.memory_space<vmem>>
      %dma_start3A_647 = tpu.memref_squeeze %dma_start3A_646 : memref<1x128x128xf32, #tpu.memory_space<vmem>> -> memref<128x128xf32, #tpu.memory_space<vmem>>
      %dma_start3A_648 = arith.constant 0 : i32
      %dma_start3A_649 = tpu.memref_slice %arg8[%dma_start3A_642, %dma_start3A_648] : memref<16x128xi32, #tpu.memory_space<vmem>> -> memref<1x128xi32, #tpu.memory_space<vmem>>
      %dma_start3A_650 = tpu.memref_squeeze %dma_start3A_649 : memref<1x128xi32, #tpu.memory_space<vmem>> -> memref<128xi32, #tpu.memory_space<vmem>>
      %dma_start3A_651 = arith.constant 0 : i32
      %dma_start3A_652 = arith.constant 0 : i32
      %dma_start3A_653 = tpu.memref_slice %arg2[%arg0, %dma_start3A_651, %dma_start3A_652] : memref<2x10240x128xf32, #tpu.memory_space<hbm>> -> memref<1x10240x128xf32, #tpu.memory_space<hbm>>
      %dma_start3A_654 = tpu.memref_squeeze %dma_start3A_653 : memref<1x10240x128xf32, #tpu.memory_space<hbm>> -> memref<10240x128xf32, #tpu.memory_space<hbm>>
      %dma_start3A_655 = arith.constant 0 : i32
      %dma_start3A_656 = arith.constant 0 : i32
      %dma_start3A_657 = tpu.memref_slice %dma_start3A_654[%dma_start3A_655, %dma_start3A_656] : memref<10240x128xf32, #tpu.memory_space<hbm>> -> memref<10240x128xf32, #tpu.memory_space<hbm>>
      tpu.enqueue_indirect_dma source(%dma_start3A_657 : memref<10240x128xf32, #tpu.memory_space<hbm>>) target(%dma_start3A_647 : memref<128x128xf32, #tpu.memory_space<vmem>>) offsets(%dma_start3A_650 : memref<128xi32, #tpu.memory_space<vmem>>) semaphore(%arg11 : memref<!tpu.dma_semaphore, #tpu.memory_space<semaphore_mem>>)
      %dma_wait3A_658 = arith.constant 11 : i32
      %dma_wait3A_659 = arith.constant 1 : i32
      %dma_wait3A_660 = arith.constant 0 : i32
      %dma_wait3A_661 = arith.constant 0 : i32
      %dma_wait3A_662 = tpu.memref_slice %arg10[%dma_wait3A_659, %dma_wait3A_660, %dma_wait3A_661] : memref<2x128x128xf32, #tpu.memory_space<vmem>> -> memref<1x128x128xf32, #tpu.memory_space<vmem>>
      %dma_wait3A_663 = tpu.memref_squeeze %dma_wait3A_662 : memref<1x128x128xf32, #tpu.memory_space<vmem>> -> memref<128x128xf32, #tpu.memory_space<vmem>>
      %dma_wait3A_664 = arith.constant 0 : i32
      %dma_wait3A_665 = tpu.memref_slice %arg8[%dma_wait3A_658, %dma_wait3A_664] : memref<16x128xi32, #tpu.memory_space<vmem>> -> memref<1x128xi32, #tpu.memory_space<vmem>>
      %dma_wait3A_666 = tpu.memref_squeeze %dma_wait3A_665 : memref<1x128xi32, #tpu.memory_space<vmem>> -> memref<128xi32, #tpu.memory_space<vmem>>
      %dma_wait3A_667 = arith.constant 0 : i32
      %dma_wait3A_668 = arith.constant 0 : i32
      %dma_wait3A_669 = tpu.memref_slice %arg2[%arg0, %dma_wait3A_667, %dma_wait3A_668] : memref<2x10240x128xf32, #tpu.memory_space<hbm>> -> memref<1x10240x128xf32, #tpu.memory_space<hbm>>
      %dma_wait3A_670 = tpu.memref_squeeze %dma_wait3A_669 : memref<1x10240x128xf32, #tpu.memory_space<hbm>> -> memref<10240x128xf32, #tpu.memory_space<hbm>>
      %dma_wait3A_671 = arith.constant 0 : i32
      %dma_wait3A_672 = arith.constant 0 : i32
      %dma_wait3A_673 = tpu.memref_slice %dma_wait3A_670[%dma_wait3A_671, %dma_wait3A_672] : memref<10240x128xf32, #tpu.memory_space<hbm>> -> memref<10240x128xf32, #tpu.memory_space<hbm>>
      tpu.wait_indirect_dma semaphore(%arg12 : memref<!tpu.dma_semaphore, #tpu.memory_space<semaphore_mem>>) src(%dma_wait3A_673 : memref<10240x128xf32, #tpu.memory_space<hbm>>) dst(%dma_wait3A_663 : memref<128x128xf32, #tpu.memory_space<vmem>>)
      %dma_start3A_674 = arith.constant 1 : i32
      %dma_start3A_675 = arith.constant 11 : i32
      %dma_start3A_676 = arith.constant 0 : i32
      %dma_start3A_677 = arith.constant 0 : i32
      %dma_start3A_678 = tpu.memref_slice %arg10[%dma_start3A_674, %dma_start3A_676, %dma_start3A_677] : memref<2x128x128xf32, #tpu.memory_space<vmem>> -> memref<1x128x128xf32, #tpu.memory_space<vmem>>
      %dma_start3A_679 = tpu.memref_squeeze %dma_start3A_678 : memref<1x128x128xf32, #tpu.memory_space<vmem>> -> memref<128x128xf32, #tpu.memory_space<vmem>>
      %dma_start3A_680 = arith.constant 0 : i32
      %dma_start3A_681 = tpu.memref_slice %arg9[%dma_start3A_675, %dma_start3A_680] : memref<16x128xi32, #tpu.memory_space<vmem>> -> memref<1x128xi32, #tpu.memory_space<vmem>>
      %dma_start3A_682 = tpu.memref_squeeze %dma_start3A_681 : memref<1x128xi32, #tpu.memory_space<vmem>> -> memref<128xi32, #tpu.memory_space<vmem>>
      %dma_start3A_683 = arith.constant 0 : i32
      %dma_start3A_684 = arith.constant 0 : i32
      %dma_start3A_685 = tpu.memref_slice %arg7[%dma_start3A_683, %dma_start3A_684] : memref<10240x128xf32, #tpu.memory_space<vmem_shared>> -> memref<10240x128xf32, #tpu.memory_space<vmem_shared>>
      tpu.enqueue_indirect_dma source(%dma_start3A_679 : memref<128x128xf32, #tpu.memory_space<vmem>>) target(%dma_start3A_685 : memref<10240x128xf32, #tpu.memory_space<vmem_shared>>) offsets(%dma_start3A_682 : memref<128xi32, #tpu.memory_space<vmem>>) semaphore(%arg14 : memref<!tpu.dma_semaphore, #tpu.memory_space<semaphore_mem>>) {add = true}
      %dma_wait3A_686 = arith.constant 1 : i32
      %dma_wait3A_687 = arith.constant 11 : i32
      %dma_wait3A_688 = arith.constant 0 : i32
      %dma_wait3A_689 = arith.constant 0 : i32
      %dma_wait3A_690 = tpu.memref_slice %arg10[%dma_wait3A_686, %dma_wait3A_688, %dma_wait3A_689] : memref<2x128x128xf32, #tpu.memory_space<vmem>> -> memref<1x128x128xf32, #tpu.memory_space<vmem>>
      %dma_wait3A_691 = tpu.memref_squeeze %dma_wait3A_690 : memref<1x128x128xf32, #tpu.memory_space<vmem>> -> memref<128x128xf32, #tpu.memory_space<vmem>>
      %dma_wait3A_692 = arith.constant 0 : i32
      %dma_wait3A_693 = tpu.memref_slice %arg9[%dma_wait3A_687, %dma_wait3A_692] : memref<16x128xi32, #tpu.memory_space<vmem>> -> memref<1x128xi32, #tpu.memory_space<vmem>>
      %dma_wait3A_694 = tpu.memref_squeeze %dma_wait3A_693 : memref<1x128xi32, #tpu.memory_space<vmem>> -> memref<128xi32, #tpu.memory_space<vmem>>
      %dma_wait3A_695 = arith.constant 0 : i32
      %dma_wait3A_696 = arith.constant 0 : i32
      %dma_wait3A_697 = tpu.memref_slice %arg7[%dma_wait3A_695, %dma_wait3A_696] : memref<10240x128xf32, #tpu.memory_space<vmem_shared>> -> memref<10240x128xf32, #tpu.memory_space<vmem_shared>>
      tpu.wait_indirect_dma semaphore(%arg14 : memref<!tpu.dma_semaphore, #tpu.memory_space<semaphore_mem>>) src(%dma_wait3A_691 : memref<128x128xf32, #tpu.memory_space<vmem>>) dst(%dma_wait3A_697 : memref<10240x128xf32, #tpu.memory_space<vmem_shared>>)
      %dma_start3A_698 = arith.constant 13 : i32
      %dma_start3A_699 = arith.constant 1 : i32
      %dma_start3A_700 = arith.constant 0 : i32
      %dma_start3A_701 = arith.constant 0 : i32
      %dma_start3A_702 = tpu.memref_slice %arg10[%dma_start3A_699, %dma_start3A_700, %dma_start3A_701] : memref<2x128x128xf32, #tpu.memory_space<vmem>> -> memref<1x128x128xf32, #tpu.memory_space<vmem>>
      %dma_start3A_703 = tpu.memref_squeeze %dma_start3A_702 : memref<1x128x128xf32, #tpu.memory_space<vmem>> -> memref<128x128xf32, #tpu.memory_space<vmem>>
      %dma_start3A_704 = arith.constant 0 : i32
      %dma_start3A_705 = tpu.memref_slice %arg8[%dma_start3A_698, %dma_start3A_704] : memref<16x128xi32, #tpu.memory_space<vmem>> -> memref<1x128xi32, #tpu.memory_space<vmem>>
      %dma_start3A_706 = tpu.memref_squeeze %dma_start3A_705 : memref<1x128xi32, #tpu.memory_space<vmem>> -> memref<128xi32, #tpu.memory_space<vmem>>
      %dma_start3A_707 = arith.constant 0 : i32
      %dma_start3A_708 = arith.constant 0 : i32
      %dma_start3A_709 = tpu.memref_slice %arg2[%arg0, %dma_start3A_707, %dma_start3A_708] : memref<2x10240x128xf32, #tpu.memory_space<hbm>> -> memref<1x10240x128xf32, #tpu.memory_space<hbm>>
      %dma_start3A_710 = tpu.memref_squeeze %dma_start3A_709 : memref<1x10240x128xf32, #tpu.memory_space<hbm>> -> memref<10240x128xf32, #tpu.memory_space<hbm>>
      %dma_start3A_711 = arith.constant 0 : i32
      %dma_start3A_712 = arith.constant 0 : i32
      %dma_start3A_713 = tpu.memref_slice %dma_start3A_710[%dma_start3A_711, %dma_start3A_712] : memref<10240x128xf32, #tpu.memory_space<hbm>> -> memref<10240x128xf32, #tpu.memory_space<hbm>>
      tpu.enqueue_indirect_dma source(%dma_start3A_713 : memref<10240x128xf32, #tpu.memory_space<hbm>>) target(%dma_start3A_703 : memref<128x128xf32, #tpu.memory_space<vmem>>) offsets(%dma_start3A_706 : memref<128xi32, #tpu.memory_space<vmem>>) semaphore(%arg12 : memref<!tpu.dma_semaphore, #tpu.memory_space<semaphore_mem>>)
      %dma_wait3A_714 = arith.constant 12 : i32
      %dma_wait3A_715 = arith.constant 0 : i32
      %dma_wait3A_716 = arith.constant 0 : i32
      %dma_wait3A_717 = arith.constant 0 : i32
      %dma_wait3A_718 = tpu.memref_slice %arg10[%dma_wait3A_715, %dma_wait3A_716, %dma_wait3A_717] : memref<2x128x128xf32, #tpu.memory_space<vmem>> -> memref<1x128x128xf32, #tpu.memory_space<vmem>>
      %dma_wait3A_719 = tpu.memref_squeeze %dma_wait3A_718 : memref<1x128x128xf32, #tpu.memory_space<vmem>> -> memref<128x128xf32, #tpu.memory_space<vmem>>
      %dma_wait3A_720 = arith.constant 0 : i32
      %dma_wait3A_721 = tpu.memref_slice %arg8[%dma_wait3A_714, %dma_wait3A_720] : memref<16x128xi32, #tpu.memory_space<vmem>> -> memref<1x128xi32, #tpu.memory_space<vmem>>
      %dma_wait3A_722 = tpu.memref_squeeze %dma_wait3A_721 : memref<1x128xi32, #tpu.memory_space<vmem>> -> memref<128xi32, #tpu.memory_space<vmem>>
      %dma_wait3A_723 = arith.constant 0 : i32
      %dma_wait3A_724 = arith.constant 0 : i32
      %dma_wait3A_725 = tpu.memref_slice %arg2[%arg0, %dma_wait3A_723, %dma_wait3A_724] : memref<2x10240x128xf32, #tpu.memory_space<hbm>> -> memref<1x10240x128xf32, #tpu.memory_space<hbm>>
      %dma_wait3A_726 = tpu.memref_squeeze %dma_wait3A_725 : memref<1x10240x128xf32, #tpu.memory_space<hbm>> -> memref<10240x128xf32, #tpu.memory_space<hbm>>
      %dma_wait3A_727 = arith.constant 0 : i32
      %dma_wait3A_728 = arith.constant 0 : i32
      %dma_wait3A_729 = tpu.memref_slice %dma_wait3A_726[%dma_wait3A_727, %dma_wait3A_728] : memref<10240x128xf32, #tpu.memory_space<hbm>> -> memref<10240x128xf32, #tpu.memory_space<hbm>>
      tpu.wait_indirect_dma semaphore(%arg11 : memref<!tpu.dma_semaphore, #tpu.memory_space<semaphore_mem>>) src(%dma_wait3A_729 : memref<10240x128xf32, #tpu.memory_space<hbm>>) dst(%dma_wait3A_719 : memref<128x128xf32, #tpu.memory_space<vmem>>)
      %dma_start3A_730 = arith.constant 0 : i32
      %dma_start3A_731 = arith.constant 12 : i32
      %dma_start3A_732 = arith.constant 0 : i32
      %dma_start3A_733 = arith.constant 0 : i32
      %dma_start3A_734 = tpu.memref_slice %arg10[%dma_start3A_730, %dma_start3A_732, %dma_start3A_733] : memref<2x128x128xf32, #tpu.memory_space<vmem>> -> memref<1x128x128xf32, #tpu.memory_space<vmem>>
      %dma_start3A_735 = tpu.memref_squeeze %dma_start3A_734 : memref<1x128x128xf32, #tpu.memory_space<vmem>> -> memref<128x128xf32, #tpu.memory_space<vmem>>
      %dma_start3A_736 = arith.constant 0 : i32
      %dma_start3A_737 = tpu.memref_slice %arg9[%dma_start3A_731, %dma_start3A_736] : memref<16x128xi32, #tpu.memory_space<vmem>> -> memref<1x128xi32, #tpu.memory_space<vmem>>
      %dma_start3A_738 = tpu.memref_squeeze %dma_start3A_737 : memref<1x128xi32, #tpu.memory_space<vmem>> -> memref<128xi32, #tpu.memory_space<vmem>>
      %dma_start3A_739 = arith.constant 0 : i32
      %dma_start3A_740 = arith.constant 0 : i32
      %dma_start3A_741 = tpu.memref_slice %arg7[%dma_start3A_739, %dma_start3A_740] : memref<10240x128xf32, #tpu.memory_space<vmem_shared>> -> memref<10240x128xf32, #tpu.memory_space<vmem_shared>>
      tpu.enqueue_indirect_dma source(%dma_start3A_735 : memref<128x128xf32, #tpu.memory_space<vmem>>) target(%dma_start3A_741 : memref<10240x128xf32, #tpu.memory_space<vmem_shared>>) offsets(%dma_start3A_738 : memref<128xi32, #tpu.memory_space<vmem>>) semaphore(%arg13 : memref<!tpu.dma_semaphore, #tpu.memory_space<semaphore_mem>>) {add = true}
      %dma_wait3A_742 = arith.constant 0 : i32
      %dma_wait3A_743 = arith.constant 12 : i32
      %dma_wait3A_744 = arith.constant 0 : i32
      %dma_wait3A_745 = arith.constant 0 : i32
      %dma_wait3A_746 = tpu.memref_slice %arg10[%dma_wait3A_742, %dma_wait3A_744, %dma_wait3A_745] : memref<2x128x128xf32, #tpu.memory_space<vmem>> -> memref<1x128x128xf32, #tpu.memory_space<vmem>>
      %dma_wait3A_747 = tpu.memref_squeeze %dma_wait3A_746 : memref<1x128x128xf32, #tpu.memory_space<vmem>> -> memref<128x128xf32, #tpu.memory_space<vmem>>
      %dma_wait3A_748 = arith.constant 0 : i32
      %dma_wait3A_749 = tpu.memref_slice %arg9[%dma_wait3A_743, %dma_wait3A_748] : memref<16x128xi32, #tpu.memory_space<vmem>> -> memref<1x128xi32, #tpu.memory_space<vmem>>
      %dma_wait3A_750 = tpu.memref_squeeze %dma_wait3A_749 : memref<1x128xi32, #tpu.memory_space<vmem>> -> memref<128xi32, #tpu.memory_space<vmem>>
      %dma_wait3A_751 = arith.constant 0 : i32
      %dma_wait3A_752 = arith.constant 0 : i32
      %dma_wait3A_753 = tpu.memref_slice %arg7[%dma_wait3A_751, %dma_wait3A_752] : memref<10240x128xf32, #tpu.memory_space<vmem_shared>> -> memref<10240x128xf32, #tpu.memory_space<vmem_shared>>
      tpu.wait_indirect_dma semaphore(%arg13 : memref<!tpu.dma_semaphore, #tpu.memory_space<semaphore_mem>>) src(%dma_wait3A_747 : memref<128x128xf32, #tpu.memory_space<vmem>>) dst(%dma_wait3A_753 : memref<10240x128xf32, #tpu.memory_space<vmem_shared>>)
      %dma_start3A_754 = arith.constant 14 : i32
      %dma_start3A_755 = arith.constant 0 : i32
      %dma_start3A_756 = arith.constant 0 : i32
      %dma_start3A_757 = arith.constant 0 : i32
      %dma_start3A_758 = tpu.memref_slice %arg10[%dma_start3A_755, %dma_start3A_756, %dma_start3A_757] : memref<2x128x128xf32, #tpu.memory_space<vmem>> -> memref<1x128x128xf32, #tpu.memory_space<vmem>>
      %dma_start3A_759 = tpu.memref_squeeze %dma_start3A_758 : memref<1x128x128xf32, #tpu.memory_space<vmem>> -> memref<128x128xf32, #tpu.memory_space<vmem>>
      %dma_start3A_760 = arith.constant 0 : i32
      %dma_start3A_761 = tpu.memref_slice %arg8[%dma_start3A_754, %dma_start3A_760] : memref<16x128xi32, #tpu.memory_space<vmem>> -> memref<1x128xi32, #tpu.memory_space<vmem>>
      %dma_start3A_762 = tpu.memref_squeeze %dma_start3A_761 : memref<1x128xi32, #tpu.memory_space<vmem>> -> memref<128xi32, #tpu.memory_space<vmem>>
      %dma_start3A_763 = arith.constant 0 : i32
      %dma_start3A_764 = arith.constant 0 : i32
      %dma_start3A_765 = tpu.memref_slice %arg2[%arg0, %dma_start3A_763, %dma_start3A_764] : memref<2x10240x128xf32, #tpu.memory_space<hbm>> -> memref<1x10240x128xf32, #tpu.memory_space<hbm>>
      %dma_start3A_766 = tpu.memref_squeeze %dma_start3A_765 : memref<1x10240x128xf32, #tpu.memory_space<hbm>> -> memref<10240x128xf32, #tpu.memory_space<hbm>>
      %dma_start3A_767 = arith.constant 0 : i32
      %dma_start3A_768 = arith.constant 0 : i32
      %dma_start3A_769 = tpu.memref_slice %dma_start3A_766[%dma_start3A_767, %dma_start3A_768] : memref<10240x128xf32, #tpu.memory_space<hbm>> -> memref<10240x128xf32, #tpu.memory_space<hbm>>
      tpu.enqueue_indirect_dma source(%dma_start3A_769 : memref<10240x128xf32, #tpu.memory_space<hbm>>) target(%dma_start3A_759 : memref<128x128xf32, #tpu.memory_space<vmem>>) offsets(%dma_start3A_762 : memref<128xi32, #tpu.memory_space<vmem>>) semaphore(%arg11 : memref<!tpu.dma_semaphore, #tpu.memory_space<semaphore_mem>>)
      %dma_wait3A_770 = arith.constant 13 : i32
      %dma_wait3A_771 = arith.constant 1 : i32
      %dma_wait3A_772 = arith.constant 0 : i32
      %dma_wait3A_773 = arith.constant 0 : i32
      %dma_wait3A_774 = tpu.memref_slice %arg10[%dma_wait3A_771, %dma_wait3A_772, %dma_wait3A_773] : memref<2x128x128xf32, #tpu.memory_space<vmem>> -> memref<1x128x128xf32, #tpu.memory_space<vmem>>
      %dma_wait3A_775 = tpu.memref_squeeze %dma_wait3A_774 : memref<1x128x128xf32, #tpu.memory_space<vmem>> -> memref<128x128xf32, #tpu.memory_space<vmem>>
      %dma_wait3A_776 = arith.constant 0 : i32
      %dma_wait3A_777 = tpu.memref_slice %arg8[%dma_wait3A_770, %dma_wait3A_776] : memref<16x128xi32, #tpu.memory_space<vmem>> -> memref<1x128xi32, #tpu.memory_space<vmem>>
      %dma_wait3A_778 = tpu.memref_squeeze %dma_wait3A_777 : memref<1x128xi32, #tpu.memory_space<vmem>> -> memref<128xi32, #tpu.memory_space<vmem>>
      %dma_wait3A_779 = arith.constant 0 : i32
      %dma_wait3A_780 = arith.constant 0 : i32
      %dma_wait3A_781 = tpu.memref_slice %arg2[%arg0, %dma_wait3A_779, %dma_wait3A_780] : memref<2x10240x128xf32, #tpu.memory_space<hbm>> -> memref<1x10240x128xf32, #tpu.memory_space<hbm>>
      %dma_wait3A_782 = tpu.memref_squeeze %dma_wait3A_781 : memref<1x10240x128xf32, #tpu.memory_space<hbm>> -> memref<10240x128xf32, #tpu.memory_space<hbm>>
      %dma_wait3A_783 = arith.constant 0 : i32
      %dma_wait3A_784 = arith.constant 0 : i32
      %dma_wait3A_785 = tpu.memref_slice %dma_wait3A_782[%dma_wait3A_783, %dma_wait3A_784] : memref<10240x128xf32, #tpu.memory_space<hbm>> -> memref<10240x128xf32, #tpu.memory_space<hbm>>
      tpu.wait_indirect_dma semaphore(%arg12 : memref<!tpu.dma_semaphore, #tpu.memory_space<semaphore_mem>>) src(%dma_wait3A_785 : memref<10240x128xf32, #tpu.memory_space<hbm>>) dst(%dma_wait3A_775 : memref<128x128xf32, #tpu.memory_space<vmem>>)
      %dma_start3A_786 = arith.constant 1 : i32
      %dma_start3A_787 = arith.constant 13 : i32
      %dma_start3A_788 = arith.constant 0 : i32
      %dma_start3A_789 = arith.constant 0 : i32
      %dma_start3A_790 = tpu.memref_slice %arg10[%dma_start3A_786, %dma_start3A_788, %dma_start3A_789] : memref<2x128x128xf32, #tpu.memory_space<vmem>> -> memref<1x128x128xf32, #tpu.memory_space<vmem>>
      %dma_start3A_791 = tpu.memref_squeeze %dma_start3A_790 : memref<1x128x128xf32, #tpu.memory_space<vmem>> -> memref<128x128xf32, #tpu.memory_space<vmem>>
      %dma_start3A_792 = arith.constant 0 : i32
      %dma_start3A_793 = tpu.memref_slice %arg9[%dma_start3A_787, %dma_start3A_792] : memref<16x128xi32, #tpu.memory_space<vmem>> -> memref<1x128xi32, #tpu.memory_space<vmem>>
      %dma_start3A_794 = tpu.memref_squeeze %dma_start3A_793 : memref<1x128xi32, #tpu.memory_space<vmem>> -> memref<128xi32, #tpu.memory_space<vmem>>
      %dma_start3A_795 = arith.constant 0 : i32
      %dma_start3A_796 = arith.constant 0 : i32
      %dma_start3A_797 = tpu.memref_slice %arg7[%dma_start3A_795, %dma_start3A_796] : memref<10240x128xf32, #tpu.memory_space<vmem_shared>> -> memref<10240x128xf32, #tpu.memory_space<vmem_shared>>
      tpu.enqueue_indirect_dma source(%dma_start3A_791 : memref<128x128xf32, #tpu.memory_space<vmem>>) target(%dma_start3A_797 : memref<10240x128xf32, #tpu.memory_space<vmem_shared>>) offsets(%dma_start3A_794 : memref<128xi32, #tpu.memory_space<vmem>>) semaphore(%arg14 : memref<!tpu.dma_semaphore, #tpu.memory_space<semaphore_mem>>) {add = true}
      %dma_wait3A_798 = arith.constant 1 : i32
      %dma_wait3A_799 = arith.constant 13 : i32
      %dma_wait3A_800 = arith.constant 0 : i32
      %dma_wait3A_801 = arith.constant 0 : i32
      %dma_wait3A_802 = tpu.memref_slice %arg10[%dma_wait3A_798, %dma_wait3A_800, %dma_wait3A_801] : memref<2x128x128xf32, #tpu.memory_space<vmem>> -> memref<1x128x128xf32, #tpu.memory_space<vmem>>
      %dma_wait3A_803 = tpu.memref_squeeze %dma_wait3A_802 : memref<1x128x128xf32, #tpu.memory_space<vmem>> -> memref<128x128xf32, #tpu.memory_space<vmem>>
      %dma_wait3A_804 = arith.constant 0 : i32
      %dma_wait3A_805 = tpu.memref_slice %arg9[%dma_wait3A_799, %dma_wait3A_804] : memref<16x128xi32, #tpu.memory_space<vmem>> -> memref<1x128xi32, #tpu.memory_space<vmem>>
      %dma_wait3A_806 = tpu.memref_squeeze %dma_wait3A_805 : memref<1x128xi32, #tpu.memory_space<vmem>> -> memref<128xi32, #tpu.memory_space<vmem>>
      %dma_wait3A_807 = arith.constant 0 : i32
      %dma_wait3A_808 = arith.constant 0 : i32
      %dma_wait3A_809 = tpu.memref_slice %arg7[%dma_wait3A_807, %dma_wait3A_808] : memref<10240x128xf32, #tpu.memory_space<vmem_shared>> -> memref<10240x128xf32, #tpu.memory_space<vmem_shared>>
      tpu.wait_indirect_dma semaphore(%arg14 : memref<!tpu.dma_semaphore, #tpu.memory_space<semaphore_mem>>) src(%dma_wait3A_803 : memref<128x128xf32, #tpu.memory_space<vmem>>) dst(%dma_wait3A_809 : memref<10240x128xf32, #tpu.memory_space<vmem_shared>>)
      %dma_start3A_810 = arith.constant 15 : i32
      %dma_start3A_811 = arith.constant 1 : i32
      %dma_start3A_812 = arith.constant 0 : i32
      %dma_start3A_813 = arith.constant 0 : i32
      %dma_start3A_814 = tpu.memref_slice %arg10[%dma_start3A_811, %dma_start3A_812, %dma_start3A_813] : memref<2x128x128xf32, #tpu.memory_space<vmem>> -> memref<1x128x128xf32, #tpu.memory_space<vmem>>
      %dma_start3A_815 = tpu.memref_squeeze %dma_start3A_814 : memref<1x128x128xf32, #tpu.memory_space<vmem>> -> memref<128x128xf32, #tpu.memory_space<vmem>>
      %dma_start3A_816 = arith.constant 0 : i32
      %dma_start3A_817 = tpu.memref_slice %arg8[%dma_start3A_810, %dma_start3A_816] : memref<16x128xi32, #tpu.memory_space<vmem>> -> memref<1x128xi32, #tpu.memory_space<vmem>>
      %dma_start3A_818 = tpu.memref_squeeze %dma_start3A_817 : memref<1x128xi32, #tpu.memory_space<vmem>> -> memref<128xi32, #tpu.memory_space<vmem>>
      %dma_start3A_819 = arith.constant 0 : i32
      %dma_start3A_820 = arith.constant 0 : i32
      %dma_start3A_821 = tpu.memref_slice %arg2[%arg0, %dma_start3A_819, %dma_start3A_820] : memref<2x10240x128xf32, #tpu.memory_space<hbm>> -> memref<1x10240x128xf32, #tpu.memory_space<hbm>>
      %dma_start3A_822 = tpu.memref_squeeze %dma_start3A_821 : memref<1x10240x128xf32, #tpu.memory_space<hbm>> -> memref<10240x128xf32, #tpu.memory_space<hbm>>
      %dma_start3A_823 = arith.constant 0 : i32
      %dma_start3A_824 = arith.constant 0 : i32
      %dma_start3A_825 = tpu.memref_slice %dma_start3A_822[%dma_start3A_823, %dma_start3A_824] : memref<10240x128xf32, #tpu.memory_space<hbm>> -> memref<10240x128xf32, #tpu.memory_space<hbm>>
      tpu.enqueue_indirect_dma source(%dma_start3A_825 : memref<10240x128xf32, #tpu.memory_space<hbm>>) target(%dma_start3A_815 : memref<128x128xf32, #tpu.memory_space<vmem>>) offsets(%dma_start3A_818 : memref<128xi32, #tpu.memory_space<vmem>>) semaphore(%arg12 : memref<!tpu.dma_semaphore, #tpu.memory_space<semaphore_mem>>)
      %dma_wait3A_826 = arith.constant 14 : i32
      %dma_wait3A_827 = arith.constant 0 : i32
      %dma_wait3A_828 = arith.constant 0 : i32
      %dma_wait3A_829 = arith.constant 0 : i32
      %dma_wait3A_830 = tpu.memref_slice %arg10[%dma_wait3A_827, %dma_wait3A_828, %dma_wait3A_829] : memref<2x128x128xf32, #tpu.memory_space<vmem>> -> memref<1x128x128xf32, #tpu.memory_space<vmem>>
      %dma_wait3A_831 = tpu.memref_squeeze %dma_wait3A_830 : memref<1x128x128xf32, #tpu.memory_space<vmem>> -> memref<128x128xf32, #tpu.memory_space<vmem>>
      %dma_wait3A_832 = arith.constant 0 : i32
      %dma_wait3A_833 = tpu.memref_slice %arg8[%dma_wait3A_826, %dma_wait3A_832] : memref<16x128xi32, #tpu.memory_space<vmem>> -> memref<1x128xi32, #tpu.memory_space<vmem>>
      %dma_wait3A_834 = tpu.memref_squeeze %dma_wait3A_833 : memref<1x128xi32, #tpu.memory_space<vmem>> -> memref<128xi32, #tpu.memory_space<vmem>>
      %dma_wait3A_835 = arith.constant 0 : i32
      %dma_wait3A_836 = arith.constant 0 : i32
      %dma_wait3A_837 = tpu.memref_slice %arg2[%arg0, %dma_wait3A_835, %dma_wait3A_836] : memref<2x10240x128xf32, #tpu.memory_space<hbm>> -> memref<1x10240x128xf32, #tpu.memory_space<hbm>>
      %dma_wait3A_838 = tpu.memref_squeeze %dma_wait3A_837 : memref<1x10240x128xf32, #tpu.memory_space<hbm>> -> memref<10240x128xf32, #tpu.memory_space<hbm>>
      %dma_wait3A_839 = arith.constant 0 : i32
      %dma_wait3A_840 = arith.constant 0 : i32
      %dma_wait3A_841 = tpu.memref_slice %dma_wait3A_838[%dma_wait3A_839, %dma_wait3A_840] : memref<10240x128xf32, #tpu.memory_space<hbm>> -> memref<10240x128xf32, #tpu.memory_space<hbm>>
      tpu.wait_indirect_dma semaphore(%arg11 : memref<!tpu.dma_semaphore, #tpu.memory_space<semaphore_mem>>) src(%dma_wait3A_841 : memref<10240x128xf32, #tpu.memory_space<hbm>>) dst(%dma_wait3A_831 : memref<128x128xf32, #tpu.memory_space<vmem>>)
      %dma_start3A_842 = arith.constant 0 : i32
      %dma_start3A_843 = arith.constant 14 : i32
      %dma_start3A_844 = arith.constant 0 : i32
      %dma_start3A_845 = arith.constant 0 : i32
      %dma_start3A_846 = tpu.memref_slice %arg10[%dma_start3A_842, %dma_start3A_844, %dma_start3A_845] : memref<2x128x128xf32, #tpu.memory_space<vmem>> -> memref<1x128x128xf32, #tpu.memory_space<vmem>>
      %dma_start3A_847 = tpu.memref_squeeze %dma_start3A_846 : memref<1x128x128xf32, #tpu.memory_space<vmem>> -> memref<128x128xf32, #tpu.memory_space<vmem>>
      %dma_start3A_848 = arith.constant 0 : i32
      %dma_start3A_849 = tpu.memref_slice %arg9[%dma_start3A_843, %dma_start3A_848] : memref<16x128xi32, #tpu.memory_space<vmem>> -> memref<1x128xi32, #tpu.memory_space<vmem>>
      %dma_start3A_850 = tpu.memref_squeeze %dma_start3A_849 : memref<1x128xi32, #tpu.memory_space<vmem>> -> memref<128xi32, #tpu.memory_space<vmem>>
      %dma_start3A_851 = arith.constant 0 : i32
      %dma_start3A_852 = arith.constant 0 : i32
      %dma_start3A_853 = tpu.memref_slice %arg7[%dma_start3A_851, %dma_start3A_852] : memref<10240x128xf32, #tpu.memory_space<vmem_shared>> -> memref<10240x128xf32, #tpu.memory_space<vmem_shared>>
      tpu.enqueue_indirect_dma source(%dma_start3A_847 : memref<128x128xf32, #tpu.memory_space<vmem>>) target(%dma_start3A_853 : memref<10240x128xf32, #tpu.memory_space<vmem_shared>>) offsets(%dma_start3A_850 : memref<128xi32, #tpu.memory_space<vmem>>) semaphore(%arg13 : memref<!tpu.dma_semaphore, #tpu.memory_space<semaphore_mem>>) {add = true}
      %dma_wait3A_854 = arith.constant 15 : i32
      %dma_wait3A_855 = arith.constant 1 : i32
      %dma_wait3A_856 = arith.constant 0 : i32
      %dma_wait3A_857 = arith.constant 0 : i32
      %dma_wait3A_858 = tpu.memref_slice %arg10[%dma_wait3A_855, %dma_wait3A_856, %dma_wait3A_857] : memref<2x128x128xf32, #tpu.memory_space<vmem>> -> memref<1x128x128xf32, #tpu.memory_space<vmem>>
      %dma_wait3A_859 = tpu.memref_squeeze %dma_wait3A_858 : memref<1x128x128xf32, #tpu.memory_space<vmem>> -> memref<128x128xf32, #tpu.memory_space<vmem>>
      %dma_wait3A_860 = arith.constant 0 : i32
      %dma_wait3A_861 = tpu.memref_slice %arg8[%dma_wait3A_854, %dma_wait3A_860] : memref<16x128xi32, #tpu.memory_space<vmem>> -> memref<1x128xi32, #tpu.memory_space<vmem>>
      %dma_wait3A_862 = tpu.memref_squeeze %dma_wait3A_861 : memref<1x128xi32, #tpu.memory_space<vmem>> -> memref<128xi32, #tpu.memory_space<vmem>>
      %dma_wait3A_863 = arith.constant 0 : i32
      %dma_wait3A_864 = arith.constant 0 : i32
      %dma_wait3A_865 = tpu.memref_slice %arg2[%arg0, %dma_wait3A_863, %dma_wait3A_864] : memref<2x10240x128xf32, #tpu.memory_space<hbm>> -> memref<1x10240x128xf32, #tpu.memory_space<hbm>>
      %dma_wait3A_866 = tpu.memref_squeeze %dma_wait3A_865 : memref<1x10240x128xf32, #tpu.memory_space<hbm>> -> memref<10240x128xf32, #tpu.memory_space<hbm>>
      %dma_wait3A_867 = arith.constant 0 : i32
      %dma_wait3A_868 = arith.constant 0 : i32
      %dma_wait3A_869 = tpu.memref_slice %dma_wait3A_866[%dma_wait3A_867, %dma_wait3A_868] : memref<10240x128xf32, #tpu.memory_space<hbm>> -> memref<10240x128xf32, #tpu.memory_space<hbm>>
      tpu.wait_indirect_dma semaphore(%arg12 : memref<!tpu.dma_semaphore, #tpu.memory_space<semaphore_mem>>) src(%dma_wait3A_869 : memref<10240x128xf32, #tpu.memory_space<hbm>>) dst(%dma_wait3A_859 : memref<128x128xf32, #tpu.memory_space<vmem>>)
      %dma_start3A_870 = arith.constant 1 : i32
      %dma_start3A_871 = arith.constant 15 : i32
      %dma_start3A_872 = arith.constant 0 : i32
      %dma_start3A_873 = arith.constant 0 : i32
      %dma_start3A_874 = tpu.memref_slice %arg10[%dma_start3A_870, %dma_start3A_872, %dma_start3A_873] : memref<2x128x128xf32, #tpu.memory_space<vmem>> -> memref<1x128x128xf32, #tpu.memory_space<vmem>>
      %dma_start3A_875 = tpu.memref_squeeze %dma_start3A_874 : memref<1x128x128xf32, #tpu.memory_space<vmem>> -> memref<128x128xf32, #tpu.memory_space<vmem>>
      %dma_start3A_876 = arith.constant 0 : i32
      %dma_start3A_877 = tpu.memref_slice %arg9[%dma_start3A_871, %dma_start3A_876] : memref<16x128xi32, #tpu.memory_space<vmem>> -> memref<1x128xi32, #tpu.memory_space<vmem>>
      %dma_start3A_878 = tpu.memref_squeeze %dma_start3A_877 : memref<1x128xi32, #tpu.memory_space<vmem>> -> memref<128xi32, #tpu.memory_space<vmem>>
      %dma_start3A_879 = arith.constant 0 : i32
      %dma_start3A_880 = arith.constant 0 : i32
      %dma_start3A_881 = tpu.memref_slice %arg7[%dma_start3A_879, %dma_start3A_880] : memref<10240x128xf32, #tpu.memory_space<vmem_shared>> -> memref<10240x128xf32, #tpu.memory_space<vmem_shared>>
      tpu.enqueue_indirect_dma source(%dma_start3A_875 : memref<128x128xf32, #tpu.memory_space<vmem>>) target(%dma_start3A_881 : memref<10240x128xf32, #tpu.memory_space<vmem_shared>>) offsets(%dma_start3A_878 : memref<128xi32, #tpu.memory_space<vmem>>) semaphore(%arg14 : memref<!tpu.dma_semaphore, #tpu.memory_space<semaphore_mem>>) {add = true}
      %dma_wait3A_882 = arith.constant 0 : i32
      %dma_wait3A_883 = arith.constant 14 : i32
      %dma_wait3A_884 = arith.constant 0 : i32
      %dma_wait3A_885 = arith.constant 0 : i32
      %dma_wait3A_886 = tpu.memref_slice %arg10[%dma_wait3A_882, %dma_wait3A_884, %dma_wait3A_885] : memref<2x128x128xf32, #tpu.memory_space<vmem>> -> memref<1x128x128xf32, #tpu.memory_space<vmem>>
      %dma_wait3A_887 = tpu.memref_squeeze %dma_wait3A_886 : memref<1x128x128xf32, #tpu.memory_space<vmem>> -> memref<128x128xf32, #tpu.memory_space<vmem>>
      %dma_wait3A_888 = arith.constant 0 : i32
      %dma_wait3A_889 = tpu.memref_slice %arg9[%dma_wait3A_883, %dma_wait3A_888] : memref<16x128xi32, #tpu.memory_space<vmem>> -> memref<1x128xi32, #tpu.memory_space<vmem>>
      %dma_wait3A_890 = tpu.memref_squeeze %dma_wait3A_889 : memref<1x128xi32, #tpu.memory_space<vmem>> -> memref<128xi32, #tpu.memory_space<vmem>>
      %dma_wait3A_891 = arith.constant 0 : i32
      %dma_wait3A_892 = arith.constant 0 : i32
      %dma_wait3A_893 = tpu.memref_slice %arg7[%dma_wait3A_891, %dma_wait3A_892] : memref<10240x128xf32, #tpu.memory_space<vmem_shared>> -> memref<10240x128xf32, #tpu.memory_space<vmem_shared>>
      tpu.wait_indirect_dma semaphore(%arg13 : memref<!tpu.dma_semaphore, #tpu.memory_space<semaphore_mem>>) src(%dma_wait3A_887 : memref<128x128xf32, #tpu.memory_space<vmem>>) dst(%dma_wait3A_893 : memref<10240x128xf32, #tpu.memory_space<vmem_shared>>)
      %dma_wait3A_894 = arith.constant 1 : i32
      %dma_wait3A_895 = arith.constant 15 : i32
      %dma_wait3A_896 = arith.constant 0 : i32
      %dma_wait3A_897 = arith.constant 0 : i32
      %dma_wait3A_898 = tpu.memref_slice %arg10[%dma_wait3A_894, %dma_wait3A_896, %dma_wait3A_897] : memref<2x128x128xf32, #tpu.memory_space<vmem>> -> memref<1x128x128xf32, #tpu.memory_space<vmem>>
      %dma_wait3A_899 = tpu.memref_squeeze %dma_wait3A_898 : memref<1x128x128xf32, #tpu.memory_space<vmem>> -> memref<128x128xf32, #tpu.memory_space<vmem>>
      %dma_wait3A_900 = arith.constant 0 : i32
      %dma_wait3A_901 = tpu.memref_slice %arg9[%dma_wait3A_895, %dma_wait3A_900] : memref<16x128xi32, #tpu.memory_space<vmem>> -> memref<1x128xi32, #tpu.memory_space<vmem>>
      %dma_wait3A_902 = tpu.memref_squeeze %dma_wait3A_901 : memref<1x128xi32, #tpu.memory_space<vmem>> -> memref<128xi32, #tpu.memory_space<vmem>>
      %dma_wait3A_903 = arith.constant 0 : i32
      %dma_wait3A_904 = arith.constant 0 : i32
      %dma_wait3A_905 = tpu.memref_slice %arg7[%dma_wait3A_903, %dma_wait3A_904] : memref<10240x128xf32, #tpu.memory_space<vmem_shared>> -> memref<10240x128xf32, #tpu.memory_space<vmem_shared>>
      tpu.wait_indirect_dma semaphore(%arg14 : memref<!tpu.dma_semaphore, #tpu.memory_space<semaphore_mem>>) src(%dma_wait3A_899 : memref<128x128xf32, #tpu.memory_space<vmem>>) dst(%dma_wait3A_905 : memref<10240x128xf32, #tpu.memory_space<vmem_shared>>)
    }
    %scan3A_4 = arith.constant 10 : i32
    %barrier3A_5 = arith.constant 0 : index
    tpu.barrier barrier_id(%barrier3A_5)
    "tpu.region"() ({
      %run_scoped3A = tpu.sem_alloc : memref<!tpu.dma_semaphore, #tpu.memory_space<semaphore_mem>>
      %dma_start3A = arith.constant 0 : i32
      %dma_start3A_6 = tpu.memref_slice %arg6[%arg0, %mul3A_0, %dma_start3A] : memref<2x10240x128xf32, #tpu.memory_space<hbm>> -> memref<1x640x128xf32, #tpu.memory_space<hbm>>
      %dma_start3A_7 = tpu.memref_squeeze %dma_start3A_6 : memref<1x640x128xf32, #tpu.memory_space<hbm>> -> memref<640x128xf32, #tpu.memory_space<hbm>>
      %dma_start3A_8 = arith.constant 0 : i32
      %dma_start3A_9 = tpu.memref_slice %arg7[%mul3A_0, %dma_start3A_8] : memref<10240x128xf32, #tpu.memory_space<vmem_shared>> -> memref<640x128xf32, #tpu.memory_space<vmem_shared>>
      tpu.enqueue_dma source(%dma_start3A_9 : memref<640x128xf32, #tpu.memory_space<vmem_shared>>) target(%dma_start3A_7 : memref<640x128xf32, #tpu.memory_space<hbm>>) target_semaphore(%run_scoped3A : memref<!tpu.dma_semaphore, #tpu.memory_space<semaphore_mem>>)
      %dma_wait3A = arith.constant 0 : i32
      %dma_wait3A_10 = tpu.memref_slice %arg6[%arg0, %mul3A_0, %dma_wait3A] : memref<2x10240x128xf32, #tpu.memory_space<hbm>> -> memref<1x640x128xf32, #tpu.memory_space<hbm>>
      %dma_wait3A_11 = tpu.memref_squeeze %dma_wait3A_10 : memref<1x640x128xf32, #tpu.memory_space<hbm>> -> memref<640x128xf32, #tpu.memory_space<hbm>>
      %dma_wait3A_12 = arith.constant 0 : i32
      %dma_wait3A_13 = tpu.memref_slice %arg7[%mul3A_0, %dma_wait3A_12] : memref<10240x128xf32, #tpu.memory_space<vmem_shared>> -> memref<640x128xf32, #tpu.memory_space<vmem_shared>>
      tpu.wait_dma2 semaphore(%run_scoped3A : memref<!tpu.dma_semaphore, #tpu.memory_space<semaphore_mem>>) src(%dma_wait3A_13 : memref<640x128xf32, #tpu.memory_space<vmem_shared>>) dst(%dma_wait3A_11 : memref<640x128xf32, #tpu.memory_space<hbm>>)
      tpu.yield
    }) : () -> ()
    return
  }
}

module attributes {stable_mosaic.version = 14 : i64} {
  func.func @_scale_body(%arg0: i32, %arg1: memref<32x2x2048xf32, #tpu.memory_space<vmem>>, %arg2: memref<2048x128xf32, #tpu.memory_space<vmem>>, %arg3: memref<2048x128xf32, #tpu.memory_space<vmem>>, %arg4: memref<2x2048x128xf32, #tpu.memory_space<vmem>>, %arg5: memref<2048x1xf32, #tpu.memory_space<vmem>>) attributes {dimension_semantics = [#tpu.dimension_semantics<arbitrary>], iteration_bounds = array<i64: 5>, scalar_prefetch = 0 : i64, scratch_operands = 0 : i64, tpu.core_type = #tpu.core_type<tc>, window_params = [{transform_indices = @transform_0, window_bounds = array<i64: 32, 2, 2048>}, {transform_indices = @transform_1, window_bounds = array<i64: 2048, 128>}, {transform_indices = @transform_2, window_bounds = array<i64: 2048, 128>}, {transform_indices = @transform_3, window_bounds = array<i64: 2, 2048, 128>}, {transform_indices = @transform_4, window_bounds = array<i64: 2048, 1>}]} {
    %get3A = arith.constant 0 : index
    %get3A_0 = arith.constant 0 : index
    %get3A_1 = arith.constant 0 : index
    %get3A_2 = vector.load %arg1[%get3A, %get3A_0, %get3A_1] : memref<32x2x2048xf32, #tpu.memory_space<vmem>>, vector<32x2x2048xf32>
    %reduce_sum3A = arith.constant dense<0.000000e+00> : vector<2x2048xf32>
    %reduce_sum3A_3 = vector.multi_reduction <add>, %get3A_2, %reduce_sum3A [0] : vector<32x2x2048xf32> to vector<2x2048xf32>
    %slice3A = vector.extract_strided_slice %reduce_sum3A_3 {offsets = [0, 0], sizes = [1, 2048], strides = [1, 1]} : vector<2x2048xf32> to vector<1x2048xf32>
    %squeeze3A = vector.shape_cast %slice3A : vector<1x2048xf32> to vector<2048xf32>
    %slice3A_4 = vector.extract_strided_slice %reduce_sum3A_3 {offsets = [1, 0], sizes = [1, 2048], strides = [1, 1]} : vector<2x2048xf32> to vector<1x2048xf32>
    %squeeze3A_5 = vector.shape_cast %slice3A_4 : vector<1x2048xf32> to vector<2048xf32>
    %gt3A = arith.constant 0.000000e+00 : f32
    %gt3A_6 = vector.broadcast %gt3A : f32 to vector<2048xf32>
    %gt3A_7 = arith.cmpf ogt, %squeeze3A, %gt3A_6 : vector<2048xf32>
    %jit3A = arith.constant 1.000000e+00 : f32
    %broadcast_in_dim3A = vector.broadcast %jit3A : f32 to vector<2048xf32>
    %select_n3A = arith.select %gt3A_7, %squeeze3A, %broadcast_in_dim3A : vector<2048xi1>, vector<2048xf32>
    %rsqrt3A = math.rsqrt %select_n3A : vector<2048xf32>
    %gt3A_8 = arith.constant 0.000000e+00 : f32
    %gt3A_9 = vector.broadcast %gt3A_8 : f32 to vector<2048xf32>
    %gt3A_10 = arith.cmpf ogt, %squeeze3A_5, %gt3A_9 : vector<2048xf32>
    %jit3A_11 = arith.constant 1.000000e+00 : f32
    %broadcast_in_dim3A_12 = vector.broadcast %jit3A_11 : f32 to vector<2048xf32>
    %select_n3A_13 = arith.select %gt3A_10, %squeeze3A_5, %broadcast_in_dim3A_12 : vector<2048xi1>, vector<2048xf32>
    %rsqrt3A_14 = math.rsqrt %select_n3A_13 : vector<2048xf32>
    %get3A_15 = arith.constant 0 : index
    %get3A_16 = arith.constant 0 : index
    %get3A_17 = vector.load %arg2[%get3A_15, %get3A_16] : memref<2048x128xf32, #tpu.memory_space<vmem>>, vector<2048x128xf32>
    %broadcast_in_dim3A_18 = vector.shape_cast %rsqrt3A : vector<2048xf32> to vector<2048x1xf32>
    %mul3A = vector.broadcast %broadcast_in_dim3A_18 : vector<2048x1xf32> to vector<2048x128xf32>
    %mul3A_19 = arith.mulf %get3A_17, %mul3A : vector<2048x128xf32>
    %swap3A = arith.constant 0 : index
    %swap3A_20 = arith.constant 0 : index
    %swap3A_21 = arith.constant 0 : index
    %swap3A_22 = vector.load %arg4[%swap3A, %swap3A_20, %swap3A_21] : memref<2x2048x128xf32, #tpu.memory_space<vmem>>, vector<1x2048x128xf32>
    %swap3A_23 = vector.shape_cast %swap3A_22 : vector<1x2048x128xf32> to vector<2048x128xf32>
    %swap3A_24 = vector.shape_cast %mul3A_19 : vector<2048x128xf32> to vector<1x2048x128xf32>
    tpu.vector_store %arg4[%swap3A, %swap3A_20, %swap3A_21], %swap3A_24 {strides = array<i32>} : memref<2x2048x128xf32, #tpu.memory_space<vmem>>, vector<1x2048x128xf32>,
    %get3A_25 = arith.constant 0 : index
    %get3A_26 = arith.constant 0 : index
    %get3A_27 = vector.load %arg3[%get3A_25, %get3A_26] : memref<2048x128xf32, #tpu.memory_space<vmem>>, vector<2048x128xf32>
    %broadcast_in_dim3A_28 = vector.shape_cast %rsqrt3A : vector<2048xf32> to vector<2048x1xf32>
    %mul3A_29 = vector.broadcast %broadcast_in_dim3A_28 : vector<2048x1xf32> to vector<2048x128xf32>
    %mul3A_30 = arith.mulf %get3A_27, %mul3A_29 : vector<2048x128xf32>
    %swap3A_31 = arith.constant 1 : index
    %swap3A_32 = arith.constant 0 : index
    %swap3A_33 = arith.constant 0 : index
    %swap3A_34 = vector.load %arg4[%swap3A_31, %swap3A_32, %swap3A_33] : memref<2x2048x128xf32, #tpu.memory_space<vmem>>, vector<1x2048x128xf32>
    %swap3A_35 = vector.shape_cast %swap3A_34 : vector<1x2048x128xf32> to vector<2048x128xf32>
    %swap3A_36 = vector.shape_cast %mul3A_30 : vector<2048x128xf32> to vector<1x2048x128xf32>
    tpu.vector_store %arg4[%swap3A_31, %swap3A_32, %swap3A_33], %swap3A_36 {strides = array<i32>} : memref<2x2048x128xf32, #tpu.memory_space<vmem>>, vector<1x2048x128xf32>,
    %swap3A_37 = arith.constant 0 : index
    %swap3A_38 = arith.constant 0 : index
    %swap3A_39 = vector.load %arg5[%swap3A_37, %swap3A_38] : memref<2048x1xf32, #tpu.memory_space<vmem>>, vector<2048x1xf32>
    %swap3A_40 = vector.shape_cast %swap3A_39 : vector<2048x1xf32> to vector<2048xf32>
    %swap3A_41 = vector.shape_cast %rsqrt3A_14 : vector<2048xf32> to vector<2048x1xf32>
    tpu.vector_store %arg5[%swap3A_37, %swap3A_38], %swap3A_41 {strides = array<i32>} : memref<2048x1xf32, #tpu.memory_space<vmem>>, vector<2048x1xf32>,
    return
  }
  func.func @transform_0(%arg0: i32) -> (i32, i32, i32) {
    %c0_i32 = arith.constant 0 : i32
    %c0_i32_0 = arith.constant 0 : i32
    %c0_i32_1 = arith.constant 0 : i32
    return %c0_i32, %c0_i32_0, %arg0 : i32, i32, i32
  }
  func.func @transform_1(%arg0: i32) -> (i32, i32) {
    %c0_i32 = arith.constant 0 : i32
    %c0_i32_0 = arith.constant 0 : i32
    return %arg0, %c0_i32 : i32, i32
  }
  func.func @transform_2(%arg0: i32) -> (i32, i32) {
    %c0_i32 = arith.constant 0 : i32
    %c0_i32_0 = arith.constant 0 : i32
    return %arg0, %c0_i32 : i32, i32
  }
  func.func @transform_3(%arg0: i32) -> (i32, i32, i32) {
    %c0_i32 = arith.constant 0 : i32
    %c0_i32_0 = arith.constant 0 : i32
    %c0_i32_1 = arith.constant 0 : i32
    return %c0_i32, %arg0, %c0_i32_0 : i32, i32, i32
  }
  func.func @transform_4(%arg0: i32) -> (i32, i32) {
    %c0_i32 = arith.constant 0 : i32
    %c0_i32_0 = arith.constant 0 : i32
    return %arg0, %c0_i32 : i32, i32
  }
}

module attributes {stable_mosaic.version = 14 : i64} {
  func.func @_gru_body(%arg0: i32, %arg1: memref<2x2000x128xf32, #tpu.memory_space<vmem>>, %arg2: memref<2000x1xf32, #tpu.memory_space<vmem>>, %arg3: memref<2000x128xf32, #tpu.memory_space<vmem>>, %arg4: memref<128x384xf32, #tpu.memory_space<vmem>>, %arg5: memref<1x384xf32, #tpu.memory_space<vmem>>, %arg6: memref<128x384xf32, #tpu.memory_space<vmem>>, %arg7: memref<1x384xf32, #tpu.memory_space<vmem>>, %arg8: memref<2000x128xf32, #tpu.memory_space<vmem>>) attributes {dimension_semantics = [#tpu.dimension_semantics<arbitrary>], iteration_bounds = array<i64: 5>, scalar_prefetch = 0 : i64, scratch_operands = 0 : i64, tpu.core_type = #tpu.core_type<tc>, window_params = [{transform_indices = @transform_0, window_bounds = array<i64: 2, 2000, 128>}, {transform_indices = @transform_1, window_bounds = array<i64: 2000, 1>}, {transform_indices = @transform_2, window_bounds = array<i64: 2000, 128>}, {pipeline_mode = #tpu.pipeline_mode<synchronous>, transform_indices = @transform_3, window_bounds = array<i64: 128, 384>}, {pipeline_mode = #tpu.pipeline_mode<synchronous>, transform_indices = @transform_4, window_bounds = array<i64: 1, 384>}, {pipeline_mode = #tpu.pipeline_mode<synchronous>, transform_indices = @transform_5, window_bounds = array<i64: 128, 384>}, {pipeline_mode = #tpu.pipeline_mode<synchronous>, transform_indices = @transform_6, window_bounds = array<i64: 1, 384>}, {transform_indices = @transform_7, window_bounds = array<i64: 2000, 128>}]} {
    %get3A = arith.constant 0 : index
    %get3A_0 = arith.constant 0 : index
    %get3A_1 = vector.load %arg2[%get3A, %get3A_0] : memref<2000x1xf32, #tpu.memory_space<vmem>>, vector<2000x1xf32>
    %get3A_2 = arith.constant 0 : index
    %get3A_3 = arith.constant 0 : index
    %get3A_4 = arith.constant 0 : index
    %get3A_5 = vector.load %arg1[%get3A_2, %get3A_3, %get3A_4] : memref<2x2000x128xf32, #tpu.memory_space<vmem>>, vector<1x2000x128xf32>
    %get3A_6 = vector.shape_cast %get3A_5 : vector<1x2000x128xf32> to vector<2000x128xf32>
    %mul3A = vector.broadcast %get3A_1 : vector<2000x1xf32> to vector<2000x128xf32>
    %mul3A_7 = arith.mulf %get3A_6, %mul3A : vector<2000x128xf32>
    %get3A_8 = arith.constant 1 : index
    %get3A_9 = arith.constant 0 : index
    %get3A_10 = arith.constant 0 : index
    %get3A_11 = vector.load %arg1[%get3A_8, %get3A_9, %get3A_10] : memref<2x2000x128xf32, #tpu.memory_space<vmem>>, vector<1x2000x128xf32>
    %get3A_12 = vector.shape_cast %get3A_11 : vector<1x2000x128xf32> to vector<2000x128xf32>
    %mul3A_13 = vector.broadcast %get3A_1 : vector<2000x1xf32> to vector<2000x128xf32>
    %mul3A_14 = arith.mulf %get3A_12, %mul3A_13 : vector<2000x128xf32>
    %get3A_15 = arith.constant 0 : index
    %get3A_16 = arith.constant 0 : index
    %get3A_17 = vector.load %arg4[%get3A_15, %get3A_16] : memref<128x384xf32, #tpu.memory_space<vmem>>, vector<128x384xf32>
    %dot_general3A = arith.constant dense<0.000000e+00> : vector<2000x384xf32>
    %dot_general3A_18 = tpu.matmul %mul3A_7, %get3A_17, %dot_general3A {dimension_numbers = #tpu.dot_dimension_numbers<[1], [0], [0], [1], [0, 0, 1, 1], [], []>, transpose_lhs_hint = false} : vector<2000x128xf32>, vector<128x384xf32>, vector<2000x384xf32> -> vector<2000x384xf32>
    %get3A_19 = arith.constant 0 : index
    %get3A_20 = arith.constant 0 : index
    %get3A_21 = vector.load %arg5[%get3A_19, %get3A_20] : memref<1x384xf32, #tpu.memory_space<vmem>>, vector<1x384xf32>
    %add3A = vector.broadcast %get3A_21 : vector<1x384xf32> to vector<2000x384xf32>
    %add3A_22 = arith.addf %dot_general3A_18, %add3A : vector<2000x384xf32>
    %get3A_23 = arith.constant 0 : index
    %get3A_24 = arith.constant 0 : index
    %get3A_25 = vector.load %arg6[%get3A_23, %get3A_24] : memref<128x384xf32, #tpu.memory_space<vmem>>, vector<128x384xf32>
    %dot_general3A_26 = arith.constant dense<0.000000e+00> : vector<2000x384xf32>
    %dot_general3A_27 = tpu.matmul %mul3A_14, %get3A_25, %dot_general3A_26 {dimension_numbers = #tpu.dot_dimension_numbers<[1], [0], [0], [1], [0, 0, 1, 1], [], []>, transpose_lhs_hint = false} : vector<2000x128xf32>, vector<128x384xf32>, vector<2000x384xf32> -> vector<2000x384xf32>
    %get3A_28 = arith.constant 0 : index
    %get3A_29 = arith.constant 0 : index
    %get3A_30 = vector.load %arg7[%get3A_28, %get3A_29] : memref<1x384xf32, #tpu.memory_space<vmem>>, vector<1x384xf32>
    %add3A_31 = vector.broadcast %get3A_30 : vector<1x384xf32> to vector<2000x384xf32>
    %add3A_32 = arith.addf %dot_general3A_27, %add3A_31 : vector<2000x384xf32>
    %split3A = vector.extract_strided_slice %add3A_22 {offsets = [0, 0], sizes = [2000, 128], strides = [1, 1]} : vector<2000x384xf32> to vector<2000x128xf32>
    %split3A_33 = vector.extract_strided_slice %add3A_22 {offsets = [0, 128], sizes = [2000, 128], strides = [1, 1]} : vector<2000x384xf32> to vector<2000x128xf32>
    %split3A_34 = vector.extract_strided_slice %add3A_22 {offsets = [0, 256], sizes = [2000, 128], strides = [1, 1]} : vector<2000x384xf32> to vector<2000x128xf32>
    %split3A_35 = vector.extract_strided_slice %add3A_32 {offsets = [0, 0], sizes = [2000, 128], strides = [1, 1]} : vector<2000x384xf32> to vector<2000x128xf32>
    %split3A_36 = vector.extract_strided_slice %add3A_32 {offsets = [0, 128], sizes = [2000, 128], strides = [1, 1]} : vector<2000x384xf32> to vector<2000x128xf32>
    %split3A_37 = vector.extract_strided_slice %add3A_32 {offsets = [0, 256], sizes = [2000, 128], strides = [1, 1]} : vector<2000x384xf32> to vector<2000x128xf32>
    %add3A_38 = arith.addf %split3A, %split3A_35 : vector<2000x128xf32>
    %logistic3A = arith.negf %add3A_38 : vector<2000x128xf32>
    %logistic3A_39 = math.exp %logistic3A : vector<2000x128xf32>
    %logistic3A_40 = arith.constant 1.000000e+00 : f32
    %logistic3A_41 = vector.broadcast %logistic3A_40 : f32 to vector<2000x128xf32>
    %logistic3A_42 = arith.addf %logistic3A_41, %logistic3A_39 : vector<2000x128xf32>
    %logistic3A_43 = arith.divf %logistic3A_41, %logistic3A_42 : vector<2000x128xf32>
    %add3A_44 = arith.addf %split3A_33, %split3A_36 : vector<2000x128xf32>
    %logistic3A_45 = arith.negf %add3A_44 : vector<2000x128xf32>
    %logistic3A_46 = math.exp %logistic3A_45 : vector<2000x128xf32>
    %logistic3A_47 = arith.constant 1.000000e+00 : f32
    %logistic3A_48 = vector.broadcast %logistic3A_47 : f32 to vector<2000x128xf32>
    %logistic3A_49 = arith.addf %logistic3A_48, %logistic3A_46 : vector<2000x128xf32>
    %logistic3A_50 = arith.divf %logistic3A_48, %logistic3A_49 : vector<2000x128xf32>
    %mul3A_51 = arith.mulf %logistic3A_43, %split3A_37 : vector<2000x128xf32>
    %add3A_52 = arith.addf %split3A_34, %mul3A_51 : vector<2000x128xf32>
    %tanh3A = math.tanh %add3A_52 : vector<2000x128xf32>
    %sub3A = arith.constant 1.000000e+00 : f32
    %sub3A_53 = vector.broadcast %sub3A : f32 to vector<2000x128xf32>
    %sub3A_54 = arith.subf %sub3A_53, %logistic3A_50 : vector<2000x128xf32>
    %mul3A_55 = arith.mulf %sub3A_54, %tanh3A : vector<2000x128xf32>
    %get3A_56 = arith.constant 0 : index
    %get3A_57 = arith.constant 0 : index
    %get3A_58 = vector.load %arg3[%get3A_56, %get3A_57] : memref<2000x128xf32, #tpu.memory_space<vmem>>, vector<2000x128xf32>
    %mul3A_59 = arith.mulf %logistic3A_50, %get3A_58 : vector<2000x128xf32>
    %add3A_60 = arith.addf %mul3A_55, %mul3A_59 : vector<2000x128xf32>
    %swap3A = arith.constant 0 : index
    %swap3A_61 = arith.constant 0 : index
    %swap3A_62 = vector.load %arg8[%swap3A, %swap3A_61] : memref<2000x128xf32, #tpu.memory_space<vmem>>, vector<2000x128xf32>
    tpu.vector_store %arg8[%swap3A, %swap3A_61], %add3A_60 {strides = array<i32>} : memref<2000x128xf32, #tpu.memory_space<vmem>>, vector<2000x128xf32>,
    return
  }
  func.func @transform_0(%arg0: i32) -> (i32, i32, i32) {
    %c0_i32 = arith.constant 0 : i32
    %c0_i32_0 = arith.constant 0 : i32
    %c0_i32_1 = arith.constant 0 : i32
    return %c0_i32, %arg0, %c0_i32_0 : i32, i32, i32
  }
  func.func @transform_1(%arg0: i32) -> (i32, i32) {
    %c0_i32 = arith.constant 0 : i32
    %c0_i32_0 = arith.constant 0 : i32
    return %arg0, %c0_i32 : i32, i32
  }
  func.func @transform_2(%arg0: i32) -> (i32, i32) {
    %c0_i32 = arith.constant 0 : i32
    %c0_i32_0 = arith.constant 0 : i32
    return %arg0, %c0_i32 : i32, i32
  }
  func.func @transform_3(%arg0: i32) -> (i32, i32) {
    %c0_i32 = arith.constant 0 : i32
    %c0_i32_0 = arith.constant 0 : i32
    %c0_i32_1 = arith.constant 0 : i32
    return %c0_i32, %c0_i32_0 : i32, i32
  }
  func.func @transform_4(%arg0: i32) -> (i32, i32) {
    %c0_i32 = arith.constant 0 : i32
    %c0_i32_0 = arith.constant 0 : i32
    %c0_i32_1 = arith.constant 0 : i32
    return %c0_i32, %c0_i32_0 : i32, i32
  }
  func.func @transform_5(%arg0: i32) -> (i32, i32) {
    %c0_i32 = arith.constant 0 : i32
    %c0_i32_0 = arith.constant 0 : i32
    %c0_i32_1 = arith.constant 0 : i32
    return %c0_i32, %c0_i32_0 : i32, i32
  }
  func.func @transform_6(%arg0: i32) -> (i32, i32) {
    %c0_i32 = arith.constant 0 : i32
    %c0_i32_0 = arith.constant 0 : i32
    %c0_i32_1 = arith.constant 0 : i32
    return %c0_i32, %c0_i32_0 : i32, i32
  }
  func.func @transform_7(%arg0: i32) -> (i32, i32) {
    %c0_i32 = arith.constant 0 : i32
    %c0_i32_0 = arith.constant 0 : i32
    return %arg0, %c0_i32 : i32, i32
  }
}

</mosaic_0001>

<sc_bundles>
// kernel: kernel.6.cloned.1.call-start
scs
__scs_entry_jumppad:
0x0: {  	(pc) =	sbr.rel $0x88, $3  }
0x1: {  	(tag) =	ssettag $0x0;
	lr =	simm.s32 $0x1  }
0x2: {  	[smem:$0x3F9A] =	sst lr;
	_ =	strace $0xD0000000  }
0x3: {  	_ = 	snop  }
0x4: {  	_ = 	snop  }
0x5: {  	_ = 	snop  }
0x6: {  	_ = 	snop  }
0x7: {  	_ = 	snop  }
__scs_overlays_trampoline_lowered:
0x8: {  	[smem:$0x3FA9] =	sst s0  }
0x9: {  	[smem:$0x3FAA] =	sst s1  }
0xa: {  	[smem:$0x3FAB] =	sst s2  }
0xb: {  	[smem:$0x3FAC] =	sst s3  }
0xc: {  	[smem:$0x3FAD] =	sst s4  }
0xd: {  	[smem:$0x3FAE] =	sst s5  }
0xe: {  	[smem:$0x3FAF] =	sst s6  }
0xf: {  	[smem:$0x3FB0] =	sst s7  }
0x10: {  	[smem:$0x3FB1] =	sst s8  }
0x11: {  	[smem:$0x3FB2] =	sst s9;
	s0 =	simm.s32 @!p0 $0x0  }
0x12: {  	s1 =	sld [smem:$0x3F98];
	s0 =	simm.s32 @p0 $0x1  }
0x13: {  	[smem:$0x3FB3] =	sst s0;
	s0 =	simm.s32 @!p1 $0x0  }
0x14: {  	s2 =	sld [smem:$0x3F97];
	s0 =	simm.s32 @p1 $0x1  }
0x15: {  	[smem:$0x3FB4] =	sst s0;
	s0 =	simm.s32 @!p2 $0x0  }
0x16: {  	s3 =	sld [smem:$0x3FDB];
	s0 =	simm.s32 @p2 $0x1  }
0x17: {  	s4 =	simm.s32 $0x1BF5;
	[smem:$0x3FB6] =	sst s0  }
0x18: {  	s0 =	sld [smem:$0x3F99];
	_ =	swait.ge [sflag:s4], $0x0  }
0x19: {  	s7 =	sld [smem:$0x3F9A]  }
0x1a: {  	s8 =	sadd.s32 $0xFFFFE003, lr  }
0x1b: {  	s9 =	sadd.s32 $0xFFFFFEF7, lr;
	s5 =	simm.s32 $0xFFFFFFFF;
	p2 =	slt.u32 s8, $0xFFFFF086  }
0x1c: {  	p1 =	slt.u32 s9, $0xF7A;
	s5 =	simm.s32 @!p2 $0x0  }
0x1d: {  	s5 =	simm.s32 @p1 $0x1;
	p0 =	seq.s32 s7, s2  }
0x1e: {  	s7 =	smul.u32 @!p0 $0xF7A, s2;
	p2 =	seq.s32 @!p0 s5, $0x0  }
0x1f: {  	s9 =	smul.u32 $0xF7A, s1;
	s8 =	simm.s32 @!p0 $0x1BF5;
	p2 =	por !p2, p0  }
0x20: {  	[sflag:s8] =	ssyncset.s32 @!p0 $0xFFFFF086;
	s6 =	sadd.s32 @!p0 s3, s7;
	s7 =	simm.s32 @!p0 $0x108  }
0x21: {  	s3 =	sadd.s32 s3, s9;
	s6 =	sadd.s32 @!p0 $0x88, s6;
	s7 =	simm.s32 @p2 $0x1082  }
0x22: {  	[simem:s7], [sflag:s8] =	dma.local @!p0 [hbm:s6], $0xF7A  }
0x23: {  	s9 =	sor.u32 $0xD0000000, s2;
	s6 =	simm.s32 $0x108;
	_ =	swait.ge @!p0 [sflag:s8], $0x0  }
0x24: {  	s3 =	sadd.s32 $0x88, s3;
	s6 =	simm.s32 @!p1 $0x1082;
	[sflag:s4] =	ssyncset.s32 $0xFFFFF086  }
0x25: {  	[simem:s6], [sflag:s4] =	dma.local [hbm:s3], $0xF7A  }
0x26: {  	[smem:$0x3F9A] =	sst s1;
	(tag) =	ssettag s2;
	_ =	strace s9  }
0x27: {  	s1 =	sld [smem:$0x3FAA]  }
0x28: {  	s2 =	sld [smem:$0x3FAB]  }
0x29: {  	s4 =	sld [smem:$0x3FAD]  }
0x2a: {  	p0 =	seq.s32 s5, $0x0;
	s5 =	sld [smem:$0x3FAE]  }
0x2b: {  	s6 =	sld [smem:$0x3FAF]  }
0x2c: {  	s7 =	sld [smem:$0x3FB0]  }
0x2d: {  	s3 =	simm.s32 $0x108;
	s8 =	sld [smem:$0x3FB1]  }
0x2e: {  	s3 =	simm.s32 @!p0 $0x1082;
	s9 =	sld [smem:$0x3FB2]  }
0x2f: {  	lr =	sadd.s32 s0, s3;
	s0 =	sld [smem:$0x3FA9]  }
0x30: {  	s3 =	sld [smem:$0x3FAC]  }
0x31: {  	[smem:$0x3FB5] =	sst s10  }
0x32: {  	s10 =	sld [smem:$0x3FB3];
	_ =	sdelay $0x3  }
0x33: {  	p0 =	seq.s32 s10, $0x1;
	s10 =	sld [smem:$0x3FB5];
	_ =	sdelay $0x3  }
0x34: {  	[smem:$0x3FB5] =	sst s10  }
0x35: {  	s10 =	sld [smem:$0x3FB4];
	_ =	sdelay $0x3  }
0x36: {  	p1 =	seq.s32 s10, $0x1;
	s10 =	sld [smem:$0x3FB5];
	_ =	sdelay $0x3  }
0x37: {  	[smem:$0x3FB5] =	sst s10  }
0x38: {  	s10 =	sld [smem:$0x3FB6]  }
0x39: {  	_ = 	snop;
	(pc) =	sbr.ind lr, $3  }
0x3a: {  	_ = 	snop  }
0x3b: {  	_ = 	snop  }
0x3c: {  	p2 =	seq.s32 s10, $0x1;
	s10 =	sld [smem:$0x3FB5]  }
0x3d: {  	_ =	shalt  }
0x3e: {  	_ =	shalt  }
0x3f: {  	_ =	shalt  }
0x40: {  	_ =	shalt  }
0x41: {  	_ =	shalt  }
0x42: {  	_ =	shalt  }
0x43: {  	_ =	shalt  }
0x44: {  	_ =	shalt  }
0x45: {  	_ =	shalt  }
0x46: {  	_ =	shalt  }
0x47: {  	_ =	shalt  }
0x48: {  	_ =	shalt  }
0x49: {  	_ =	shalt  }
0x4a: {  	_ =	shalt  }
0x4b: {  	_ =	shalt  }
0x4c: {  	_ =	shalt  }
0x4d: {  	_ =	shalt  }
0x4e: {  	_ =	shalt  }
0x4f: {  	_ =	shalt  }
0x50: {  	_ =	shalt  }
0x51: {  	_ =	shalt  }
0x52: {  	_ =	shalt  }
0x53: {  	_ =	shalt  }
0x54: {  	_ =	shalt  }
0x55: {  	_ =	shalt  }
0x56: {  	_ =	shalt  }
0x57: {  	_ =	shalt  }
0x58: {  	_ =	shalt  }
0x59: {  	_ =	shalt  }
0x5a: {  	_ =	shalt  }
0x5b: {  	_ =	shalt  }
0x5c: {  	_ =	shalt  }
0x5d: {  	_ =	shalt  }
0x5e: {  	_ =	shalt  }
0x5f: {  	_ =	shalt  }
0x60: {  	_ =	shalt  }
0x61: {  	_ =	shalt  }
0x62: {  	_ =	shalt  }
0x63: {  	_ =	shalt  }
0x64: {  	_ =	shalt  }
0x65: {  	_ =	shalt  }
0x66: {  	_ =	shalt  }
0x67: {  	_ =	shalt  }
0x68: {  	_ =	shalt  }
0x69: {  	_ =	shalt  }
0x6a: {  	_ =	shalt  }
0x6b: {  	_ =	shalt  }
0x6c: {  	_ =	shalt  }
0x6d: {  	_ =	shalt  }
0x6e: {  	_ =	shalt  }
0x6f: {  	_ =	shalt  }
0x70: {  	_ =	shalt  }
0x71: {  	_ =	shalt  }
0x72: {  	_ =	shalt  }
0x73: {  	_ =	shalt  }
0x74: {  	_ =	shalt  }
0x75: {  	_ =	shalt  }
0x76: {  	_ =	shalt  }
0x77: {  	_ =	shalt  }
0x78: {  	_ =	shalt  }
0x79: {  	_ =	shalt  }
0x7a: {  	_ =	shalt  }
0x7b: {  	_ =	shalt  }
0x7c: {  	_ =	shalt  }
0x7d: {  	_ =	shalt  }
0x7e: {  	_ =	shalt  }
0x7f: {  	_ =	shalt  }
0x80: {  	_ =	shalt  }
0x81: {  	_ =	shalt  }
0x82: {  	_ =	shalt  }
0x83: {  	_ =	shalt  }
0x84: {  	_ =	shalt  }
0x85: {  	_ =	shalt  }
0x86: {  	_ =	shalt  }
0x87: {  	_ =	shalt  }
.Lfunc_end0:
.L_simem_size_0:
called_computation_lowered:
.L_overlay_start_0:
0x88: {  	s2 =	sld [smem:$0x3FD9]  }
0x89: {  	s3 =	sld [smem:$0x3FFE];
	_ =	sdelay $0x1  }
0x8a: {  	s1 =	srdreg.scid  }
0x8b: {  	s0 =	sand.u32 $0x1, s1  }
0x8c: {  	s17 =	sshll.u32 s0, $0xA;
	s2 =	sadd.s32 s3, s2  }
0x8d: {  	s2 =	sadd.s32 s2, s17  }
0x8e: {  	[smem:$0x3FC1] =	sst s2  }
0x8f: {  	_ = 	snop  }
0x90: {  	s2 =	sld [smem:$0x3FD0];
	(tm) =	ssettm $0x1  }
0x91: {  	s18 =	sld [smem:$0x3FFB];
	_ =	sdelay $0x3  }
0x92: {  	_ =	strace s18  }
0x93: {  	s3 =	sld [smem:$0x3FFC];
	_ =	sdelay $0x3  }
0x94: {  	_ =	strace s3  }
0x95: {  	s3 =	sld [smem:$0x3FFD];
	_ =	sdelay $0x3  }
0x96: {  	_ =	strace s3  }
0x97: {  	_ =	strace $0x8FFFFFFF  }
0x98: {  	s19 =	sld [smem:$0x3FDB];
	_ =	sdelay $0x1  }
0x99: {  	s4 =	simm.s32 $_scs_section_size  }
0x9a: {  	s5 =	simm.s32 $_size__tile_overlayer_lowered;
	s6 =	simm.s32 $_tile_overlayer_lowered  }
0x9b: {  	s22 =	simm.s32 $0x1BFF;
	s21 =	sshll.u32 s6, $0x1;
	s3 =	sadd.s32 s4, s19  }
0x9c: {  	s7 =	simm.s32 $0x0;
	s20 =	sshll.u32 s5, $0x1;
	s5 =	sadd.s32 s21, s3  }
0x9d: {  	[timem:s7], [sflag:s22] =	dma.local [hbm:s5], s20  }
0x9e: {  	_ =	swait.ge [sflag:s22], s20  }
0x9f: {  	s4 =	ssub.s32 $0x0, s20;
	[sflag:s22] =	ssyncset.done $0x0  }
0xa0: {  	[sflag:s22] =	ssyncadd.s32 s4;
	_ =	sdelay $0x1  }
0xa1: {  	s23 =	simm.s32 $0x1B8B  }
0xa2: {  	_ =	swait.ge [sflag:s23], $0x1  }
0xa3: {  	[sflag:s23] =	ssyncset.done $0x0  }
0xa4: {  	s25 =	simm.s32 $0x1B8E;
	s24 =	sld [smem:$0x3FFE];
	[sflag:s23] =	ssyncadd.s32 $0xFFFFFFFF  }
0xa5: {  	s26 =	simm.s32 $execute0_lowered;
	[smem:$0x3FD2] =	sst s25  }
0xa6: {  	s5 =	sshll.u32 s26, $0x1;
	_ =	strace $0x80000046;
	[dreg:$0x1] =	wrdreg $0xFFFFFFFF  }
0xa7: {  	s28 =	simm.s32 $_size_execute0_lowered;
	s3 =	sadd.s32 s3, s5;
	[dreg:$0x0] =	wrdreg $0x0  }
0xa8: {  	s5 =	sshll.u32 s28, $0x1;
	[dreg:$0x2] =	wrdreg s3  }
0xa9: {  	[dreg:$0x3] =	wrdreg s5  }
0xaa: {  	[dreg:$0x4] =	wrdreg $0xC0  }
0xab: {  	_ =	task [dreg:s7], $0x5FFFF  }
0xac: {  	[dreg:$0x1] =	wrdreg $0xFFFFFFFF  }
0xad: {  	[dreg:$0x0] =	wrdreg $0x60  }
0xae: {  	[dreg:$0x2] =	wrdreg s24  }
0xaf: {  	[dreg:$0x3] =	wrdreg s2  }
0xb0: {  	[dreg:$0x4] =	wrdreg $0x9  }
0xb1: {  	_ =	task.clear_ibuf [dreg:s7], $0x5FFFF;
	_ =	strace $0x90000046  }
0xb2: {  	s29 =	simm.s32 $0x9;
	_ =	strace $0x80000048  }
0xb3: {  	_ =	swait.ge [sflag:s29], $0x1  }
0xb4: {  	[sflag:s29] =	ssyncadd.s32 $0xFFFFFFFF  }
0xb5: {  	_ =	strace $0x90000048  }
0xb6: {  	_ =	sfence  }
0xb7: {  	s30 =	sld [smem:$0x0];
	_ =	sdelay $0x2  }
0xb8: {  	s31 =	sshll.u32 s1, $0xD;
	s1 =	sshrl.u32 s1, $0x2  }
0xb9: {  	s3 =	sand.u32 $0x4000, s31;
	s1 =	sadd.s32 s1, s30  }
0xba: {  	s0 =	sor.u32 s3, s0;
	s1 =	sshll.u32 s1, $0x11  }
0xbb: {  	s0 =	sor.u32 s1, s0  }
0xbc: {  	s0 =	sadd.s32 $0x8F2B, s0  }
0xbd: {  	[sflag:s0] =	ssyncadd.remote.s32 $0x1  }
0xbe: {  	_ =	sfence.sel $0xFFFF  }
0xbf: {  	[dreg:$0x0] =	wrdreg $0xFFFFFFFF;
	(pc) =	sbr.abs _section_cstart, $3  }
0xc0: {  	[dreg:$0x1] =	wrdreg $0xFFFFFFFF  }
0xc1: {  	_ =	task.clear_ibuf [dreg:s7], $0x2FFFF;
	_ =	strace $0x9FFFFFFF  }
0xc2: {  	(tm) =	ssettm $0x7FFFFFFF  }
0xc3: {  	_ =	shalt  }
tec
execute0_lowered:
.L_overlay_start_1:
0x0: {  	(tag) =	ssettag $0x1  }
0x1: {  	s3 =	rddreg [dreg:$0x0];
	s1 =	srdreg.scid  }
0x2: {  	s0 =	stileid.u32;
	s4 =	rddreg [dreg:$0x1];
	s9 =	simm.s32 $0x400  }
0x3: {  	s10 =	simm.s32 $0x1;
	s11 =	simm.s32 $0x2800;
	s12 =	simm.s32 $0x5000  }
0x4: {  	s13 =	simm.s32 $0x7800;
	s5 =	sand.u32 $0x1, s1;
	s2 =	sshll.u32 s0, $0x1  }
0x5: {  	s14 =	simm.s32 $0x100;
	s7 =	sshrl.u32 s0, $0x2;
	s6 =	sor.u32 s5, s2  }
0x6: {  	s15 =	simm.s32 $0x0;
	s7 =	smul.u32 $0x14000, s7;
	s8 =	sshll.u32 s6, $0x7  }
0x7: {  	s1 =	rddreg [dreg:$0x2];
	s2 =	simm.s32 $0x0;
	s8 =	sand.u32 $0x380, s8  }
0x8: {  	s5 =	ssub.s32 $0x2, s5;
	[smem:$0x7FF] =	sst s2;
	s7 =	sor.u32 s7, s8  }
0x9: {  	s6 =	smul.u32 $0xA00, s6;
	s31 =	sshrl.u32 s5, $0x1;
	s7 =	sshrl.u32 s7, $0x3  }
0xa: {  	_ =	strace $0x80000047;
	s8 =	ssub.s32 s5, s31;
	s7 =	sadd.s32 s7, s3  }
0xb: {  	s3 =	sadd.s32 s4, s6;
	s4 =	sadd.s32 $0xBC00, s7;
	s5 =	sadd.s32 $0x1FC00, s7  }
0xc: {  	v0 =	vimm.f32 $0.0e+00;
	v1 =	vimm.f32 $1.000000000e+00;
	s6 =	sadd.s32 $0x10, s3;
	s7 =	smax.u32 s8, $0x1;
	s8 =	simm.s32 $0x80  }
.LBB2_1:
0xd: {  	[tilespmem:s2], [sflag:$0x1] =	stream.strided.gather [hbm4b:s4+s8], $0x2800, s9, s8, $0x38;
	[tilespmem:$0xA000] =	vst v63  }
0xe: {  	_ =	swait.ge [sflag:s10], $0x2800  }
0xf: {  	[sflag:s10] =	ssyncset.done $0x0  }
0x10: {  	[sflag:s10] =	ssyncadd.s32 $0xFFFFD800  }
0x11: {  	[tilespmem:s11], [sflag:$0x1] =	stream.strided.gather [hbm4b:s5+s8], $0x2800, s9, s8, $0x38;
	[tilespmem:$0xA000] =	vst v63  }
0x12: {  	_ =	swait.ge [sflag:s10], $0x2800  }
0x13: {  	[sflag:s10] =	ssyncset.done $0x0  }
0x14: {  	s16 =	simm.s32 $0x0;
	[sflag:s10] =	ssyncadd.s32 $0xFFFFD800  }
.LBB2_2:
0x15: {  	p0 =	sne.s32 s16, $0x9FC0  }
.Ltmp0:
0x16: {  	_ = 	snop;
	(pc) =	sbr.rel @p0 .LBB2_2-.Ltmp0, $4  }
0x17: {  	_ = 	snop  }
0x18: {  	s17 =	sshra.s32 s16, $0x2  }
0x19: {  	[tilespmem:s17+$0x5000] =	vst v0  }
0x1a: {  	s16 =	sadd.s32 $0x40, s16;
	[tilespmem:s17+$0x7800] =	vst v0  }
0x1b: {  	s17 =	simm.s32 $0x0  }
0x1c: {  	s16 =	simm.s32 $0x40;
	v2 =	vld [tilespmem:s17+$0x0]  }
.LBB2_4:
0x1d: {  	p0 =	sne.s32 s16, $0x9FC0;
	v3 =	vld [tilespmem:s17+$0x2800];
	_ =	sdelay $0x4  }
.Ltmp1:
0x1e: {  	(pc) =	sbr.rel @p0 .LBB2_4-.Ltmp1, $4  }
0x1f: {  	_ = 	snop  }
0x20: {  	[tilespmem:v2+s12+$0x0] =	vst.idx.add.f32.msk $0xffff, v1  }
0x21: {  	s17 =	sshra.s32 s16, $0x2;
	[tilespmem:v3+s13+$0x0] =	vst.idx.add.f32.msk $0xffff, v1  }
0x22: {  	s16 =	sadd.s32 $0x40, s16;
	v2 =	vld [tilespmem:s17+$0x0]  }
0x23: {  	_ = 	snop  }
0x24: {  	v3 =	vld [tilespmem:s17+$0x2800];
	_ =	sdelay $0x6  }
0x25: {  	[tilespmem:v2+s12+$0x0] =	vst.idx.add.f32.msk $0xffff, v1  }
0x26: {  	[tilespmem:v3+s13+$0x0] =	vst.idx.add.f32.msk $0xffff, v1  }
0x27: {  	[hbm4b:s3+s8] =	stream.strided.scatter [tilespmem:s12], [sflag:$0x1], $0x2800, s14, s8, $0x38;
	[tilespmem:$0xA000] =	vst v63  }
0x28: {  	s15 =	sadd.s32 $0x1, s15;
	_ =	swait.ge [sflag:s10], $0x2800  }
0x29: {  	p0 =	sne.s32 s15, s7;
	[sflag:s10] =	ssyncset.done $0x0  }
.Ltmp2:
0x2a: {  	[sflag:s10] =	ssyncadd.s32 $0xFFFFD800;
	(pc) =	sbr.rel @p0 .LBB2_1-.Ltmp2, $4  }
0x2b: {  	[hbm4b:s6+s8] =	stream.strided.scatter [tilespmem:s13], [sflag:$0x1], $0x2800, s14, s8, $0x38;
	[tilespmem:$0xA000] =	vst v63  }
0x2c: {  	_ =	swait.ge [sflag:s10], $0x2800  }
0x2d: {  	[sflag:s10] =	ssyncset.done $0x0  }
0x2e: {  	[sflag:s10] =	ssyncadd.s32 $0xFFFFD800  }
0x2f: {  	_ =	sfence.sel $0x180000  }
0x30: {  	[bflag:$0x0] =	sbarrier.arrive $0xFFFF  }
0x31: {  	p0 =	sne.s32 s0, $0x0;
	_ =	strace $0x90000047  }
0x32: {  	s0 =	sadd.s32 @!p0 $0x100000, s1;
	[bflag:$0x2] =	sbarrier.arrive $0xFFFF  }
0x33: {  	[sflag:s0] =	ssyncadd.tile.s32 @!p0 $0x1;
	_ =	shalt  }
.Lfunc_end2:
_tile_overlayer_lowered:
.L_overlay_start_2:
0x34: {  	(tag) =	ssettag $0x2  }
0x35: {  	s0 =	rddreg [dreg:$0x0];
	s2 =	stileid.u32  }
0x36: {  	s1 =	rddreg [dreg:$0x1];
	p0 =	sne.s32 s2, $0x0  }
0x37: {  	s3 =	rddreg [dreg:$0x2];
	[bflag:$0x3] =	sbarrier.arrive $0xFFFF;
	s2 =	simm.s32 @!p0 $0x1C01  }
0x38: {  	[timem:s3], [sflag:s2] =	dma.local @!p0 [hbm:s0], s1  }
0x39: {  	s0 =	simm.s32 @!p0 $0x1  }
0x3a: {  	_ =	swait.ge @!p0 [sflag:s0], s1  }
0x3b: {  	s1 =	ssub.s32 @!p0 $0x0, s1;
	[sflag:s0] =	ssyncset.done @!p0 $0x0  }
0x3c: {  	[sflag:s0] =	ssyncadd.s32 @!p0 s1  }
0x3d: {  	[bflag:$0x3] =	sbarrier.arrive $0xFFFF  }
0x3e: {  	_ =	shalt  }

// kernel: kernel.9.cloned.1.call-start
scs
__scs_entry_jumppad:
0x0: {  	(pc) =	sbr.rel $0x88, $3  }
0x1: {  	(tag) =	ssettag $0x0;
	lr =	simm.s32 $0x1  }
0x2: {  	[smem:$0x3F9A] =	sst lr;
	_ =	strace $0xD0000000  }
0x3: {  	_ = 	snop  }
0x4: {  	_ = 	snop  }
0x5: {  	_ = 	snop  }
0x6: {  	_ = 	snop  }
0x7: {  	_ = 	snop  }
__scs_overlays_trampoline_lowered:
0x8: {  	[smem:$0x3FA9] =	sst s0  }
0x9: {  	[smem:$0x3FAA] =	sst s1  }
0xa: {  	[smem:$0x3FAB] =	sst s2  }
0xb: {  	[smem:$0x3FAC] =	sst s3  }
0xc: {  	[smem:$0x3FAD] =	sst s4  }
0xd: {  	[smem:$0x3FAE] =	sst s5  }
0xe: {  	[smem:$0x3FAF] =	sst s6  }
0xf: {  	[smem:$0x3FB0] =	sst s7  }
0x10: {  	[smem:$0x3FB1] =	sst s8  }
0x11: {  	[smem:$0x3FB2] =	sst s9;
	s0 =	simm.s32 @!p0 $0x0  }
0x12: {  	s1 =	sld [smem:$0x3F98];
	s0 =	simm.s32 @p0 $0x1  }
0x13: {  	[smem:$0x3FB3] =	sst s0;
	s0 =	simm.s32 @!p1 $0x0  }
0x14: {  	s2 =	sld [smem:$0x3F97];
	s0 =	simm.s32 @p1 $0x1  }
0x15: {  	[smem:$0x3FB4] =	sst s0;
	s0 =	simm.s32 @!p2 $0x0  }
0x16: {  	s3 =	sld [smem:$0x3FDB];
	s0 =	simm.s32 @p2 $0x1  }
0x17: {  	s4 =	simm.s32 $0x1BF5;
	[smem:$0x3FB6] =	sst s0  }
0x18: {  	s0 =	sld [smem:$0x3F99];
	_ =	swait.ge [sflag:s4], $0x0  }
0x19: {  	s7 =	sld [smem:$0x3F9A]  }
0x1a: {  	s8 =	sadd.s32 $0xFFFFE003, lr  }
0x1b: {  	s9 =	sadd.s32 $0xFFFFFEF7, lr;
	s5 =	simm.s32 $0xFFFFFFFF;
	p2 =	slt.u32 s8, $0xFFFFF086  }
0x1c: {  	p1 =	slt.u32 s9, $0xF7A;
	s5 =	simm.s32 @!p2 $0x0  }
0x1d: {  	s5 =	simm.s32 @p1 $0x1;
	p0 =	seq.s32 s7, s2  }
0x1e: {  	s7 =	smul.u32 @!p0 $0xF7A, s2;
	p2 =	seq.s32 @!p0 s5, $0x0  }
0x1f: {  	s9 =	smul.u32 $0xF7A, s1;
	s8 =	simm.s32 @!p0 $0x1BF5;
	p2 =	por !p2, p0  }
0x20: {  	[sflag:s8] =	ssyncset.s32 @!p0 $0xFFFFF086;
	s6 =	sadd.s32 @!p0 s3, s7;
	s7 =	simm.s32 @!p0 $0x108  }
0x21: {  	s3 =	sadd.s32 s3, s9;
	s6 =	sadd.s32 @!p0 $0x88, s6;
	s7 =	simm.s32 @p2 $0x1082  }
0x22: {  	[simem:s7], [sflag:s8] =	dma.local @!p0 [hbm:s6], $0xF7A  }
0x23: {  	s9 =	sor.u32 $0xD0000000, s2;
	s6 =	simm.s32 $0x108;
	_ =	swait.ge @!p0 [sflag:s8], $0x0  }
0x24: {  	s3 =	sadd.s32 $0x88, s3;
	s6 =	simm.s32 @!p1 $0x1082;
	[sflag:s4] =	ssyncset.s32 $0xFFFFF086  }
0x25: {  	[simem:s6], [sflag:s4] =	dma.local [hbm:s3], $0xF7A  }
0x26: {  	[smem:$0x3F9A] =	sst s1;
	(tag) =	ssettag s2;
	_ =	strace s9  }
0x27: {  	s1 =	sld [smem:$0x3FAA]  }
0x28: {  	s2 =	sld [smem:$0x3FAB]  }
0x29: {  	s4 =	sld [smem:$0x3FAD]  }
0x2a: {  	p0 =	seq.s32 s5, $0x0;
	s5 =	sld [smem:$0x3FAE]  }
0x2b: {  	s6 =	sld [smem:$0x3FAF]  }
0x2c: {  	s7 =	sld [smem:$0x3FB0]  }
0x2d: {  	s3 =	simm.s32 $0x108;
	s8 =	sld [smem:$0x3FB1]  }
0x2e: {  	s3 =	simm.s32 @!p0 $0x1082;
	s9 =	sld [smem:$0x3FB2]  }
0x2f: {  	lr =	sadd.s32 s0, s3;
	s0 =	sld [smem:$0x3FA9]  }
0x30: {  	s3 =	sld [smem:$0x3FAC]  }
0x31: {  	[smem:$0x3FB5] =	sst s10  }
0x32: {  	s10 =	sld [smem:$0x3FB3];
	_ =	sdelay $0x3  }
0x33: {  	p0 =	seq.s32 s10, $0x1;
	s10 =	sld [smem:$0x3FB5];
	_ =	sdelay $0x3  }
0x34: {  	[smem:$0x3FB5] =	sst s10  }
0x35: {  	s10 =	sld [smem:$0x3FB4];
	_ =	sdelay $0x3  }
0x36: {  	p1 =	seq.s32 s10, $0x1;
	s10 =	sld [smem:$0x3FB5];
	_ =	sdelay $0x3  }
0x37: {  	[smem:$0x3FB5] =	sst s10  }
0x38: {  	s10 =	sld [smem:$0x3FB6]  }
0x39: {  	_ = 	snop;
	(pc) =	sbr.ind lr, $3  }
0x3a: {  	_ = 	snop  }
0x3b: {  	_ = 	snop  }
0x3c: {  	p2 =	seq.s32 s10, $0x1;
	s10 =	sld [smem:$0x3FB5]  }
0x3d: {  	_ =	shalt  }
0x3e: {  	_ =	shalt  }
0x3f: {  	_ =	shalt  }
0x40: {  	_ =	shalt  }
0x41: {  	_ =	shalt  }
0x42: {  	_ =	shalt  }
0x43: {  	_ =	shalt  }
0x44: {  	_ =	shalt  }
0x45: {  	_ =	shalt  }
0x46: {  	_ =	shalt  }
0x47: {  	_ =	shalt  }
0x48: {  	_ =	shalt  }
0x49: {  	_ =	shalt  }
0x4a: {  	_ =	shalt  }
0x4b: {  	_ =	shalt  }
0x4c: {  	_ =	shalt  }
0x4d: {  	_ =	shalt  }
0x4e: {  	_ =	shalt  }
0x4f: {  	_ =	shalt  }
0x50: {  	_ =	shalt  }
0x51: {  	_ =	shalt  }
0x52: {  	_ =	shalt  }
0x53: {  	_ =	shalt  }
0x54: {  	_ =	shalt  }
0x55: {  	_ =	shalt  }
0x56: {  	_ =	shalt  }
0x57: {  	_ =	shalt  }
0x58: {  	_ =	shalt  }
0x59: {  	_ =	shalt  }
0x5a: {  	_ =	shalt  }
0x5b: {  	_ =	shalt  }
0x5c: {  	_ =	shalt  }
0x5d: {  	_ =	shalt  }
0x5e: {  	_ =	shalt  }
0x5f: {  	_ =	shalt  }
0x60: {  	_ =	shalt  }
0x61: {  	_ =	shalt  }
0x62: {  	_ =	shalt  }
0x63: {  	_ =	shalt  }
0x64: {  	_ =	shalt  }
0x65: {  	_ =	shalt  }
0x66: {  	_ =	shalt  }
0x67: {  	_ =	shalt  }
0x68: {  	_ =	shalt  }
0x69: {  	_ =	shalt  }
0x6a: {  	_ =	shalt  }
0x6b: {  	_ =	shalt  }
0x6c: {  	_ =	shalt  }
0x6d: {  	_ =	shalt  }
0x6e: {  	_ =	shalt  }
0x6f: {  	_ =	shalt  }
0x70: {  	_ =	shalt  }
0x71: {  	_ =	shalt  }
0x72: {  	_ =	shalt  }
0x73: {  	_ =	shalt  }
0x74: {  	_ =	shalt  }
0x75: {  	_ =	shalt  }
0x76: {  	_ =	shalt  }
0x77: {  	_ =	shalt  }
0x78: {  	_ =	shalt  }
0x79: {  	_ =	shalt  }
0x7a: {  	_ =	shalt  }
0x7b: {  	_ =	shalt  }
0x7c: {  	_ =	shalt  }
0x7d: {  	_ =	shalt  }
0x7e: {  	_ =	shalt  }
0x7f: {  	_ =	shalt  }
0x80: {  	_ =	shalt  }
0x81: {  	_ =	shalt  }
0x82: {  	_ =	shalt  }
0x83: {  	_ =	shalt  }
0x84: {  	_ =	shalt  }
0x85: {  	_ =	shalt  }
0x86: {  	_ =	shalt  }
0x87: {  	_ =	shalt  }
.Lfunc_end0:
.L_simem_size_0:
called_computation.1_lowered:
.L_overlay_start_0:
0x88: {  	s2 =	sld [smem:$0x3FD9]  }
0x89: {  	s3 =	sld [smem:$0x3FFE];
	_ =	sdelay $0x1  }
0x8a: {  	s1 =	srdreg.scid  }
0x8b: {  	s0 =	sand.u32 $0x1, s1  }
0x8c: {  	s17 =	sshll.u32 s0, $0xA;
	s2 =	sadd.s32 s3, s2  }
0x8d: {  	s2 =	sadd.s32 s2, s17  }
0x8e: {  	[smem:$0x3FC1] =	sst s2  }
0x8f: {  	_ = 	snop  }
0x90: {  	s2 =	sld [smem:$0x3FD0];
	(tm) =	ssettm $0x1  }
0x91: {  	s18 =	sld [smem:$0x3FFB];
	_ =	sdelay $0x3  }
0x92: {  	_ =	strace s18  }
0x93: {  	s3 =	sld [smem:$0x3FFC];
	_ =	sdelay $0x3  }
0x94: {  	_ =	strace s3  }
0x95: {  	s3 =	sld [smem:$0x3FFD];
	_ =	sdelay $0x3  }
0x96: {  	_ =	strace s3  }
0x97: {  	_ =	strace $0x8FFFFFFF  }
0x98: {  	s19 =	sld [smem:$0x3FDB];
	_ =	sdelay $0x1  }
0x99: {  	s4 =	simm.s32 $_scs_section_size  }
0x9a: {  	s5 =	simm.s32 $_size__tile_overlayer_lowered;
	s6 =	simm.s32 $_tile_overlayer_lowered  }
0x9b: {  	s22 =	simm.s32 $0x1BFF;
	s21 =	sshll.u32 s6, $0x1;
	s3 =	sadd.s32 s4, s19  }
0x9c: {  	s7 =	simm.s32 $0x0;
	s20 =	sshll.u32 s5, $0x1;
	s5 =	sadd.s32 s21, s3  }
0x9d: {  	[timem:s7], [sflag:s22] =	dma.local [hbm:s5], s20  }
0x9e: {  	_ =	swait.ge [sflag:s22], s20  }
0x9f: {  	s4 =	ssub.s32 $0x0, s20;
	[sflag:s22] =	ssyncset.done $0x0  }
0xa0: {  	[sflag:s22] =	ssyncadd.s32 s4;
	_ =	sdelay $0x1  }
0xa1: {  	s23 =	simm.s32 $0x1B8B  }
0xa2: {  	_ =	swait.ge [sflag:s23], $0x1  }
0xa3: {  	[sflag:s23] =	ssyncset.done $0x0  }
0xa4: {  	s25 =	simm.s32 $0x1B8E;
	s24 =	sld [smem:$0x3FFE];
	[sflag:s23] =	ssyncadd.s32 $0xFFFFFFFF  }
0xa5: {  	s26 =	simm.s32 $execute0_lowered;
	[smem:$0x3FD2] =	sst s25  }
0xa6: {  	s5 =	sshll.u32 s26, $0x1;
	_ =	strace $0x80000049;
	[dreg:$0x1] =	wrdreg $0xFFFFFFFF  }
0xa7: {  	s28 =	simm.s32 $_size_execute0_lowered;
	s3 =	sadd.s32 s3, s5;
	[dreg:$0x0] =	wrdreg $0x0  }
0xa8: {  	s5 =	sshll.u32 s28, $0x1;
	[dreg:$0x2] =	wrdreg s3  }
0xa9: {  	[dreg:$0x3] =	wrdreg s5  }
0xaa: {  	[dreg:$0x4] =	wrdreg $0xC0  }
0xab: {  	_ =	task [dreg:s7], $0x5FFFF  }
0xac: {  	[dreg:$0x1] =	wrdreg $0xFFFFFFFF  }
0xad: {  	[dreg:$0x0] =	wrdreg $0x60  }
0xae: {  	[dreg:$0x2] =	wrdreg s24  }
0xaf: {  	[dreg:$0x3] =	wrdreg s2  }
0xb0: {  	[dreg:$0x4] =	wrdreg $0x0  }
0xb1: {  	[dreg:$0x5] =	wrdreg $0x9  }
0xb2: {  	_ =	task.clear_ibuf [dreg:s7], $0x6FFFF;
	_ =	strace $0x90000049  }
0xb3: {  	s29 =	simm.s32 $0x9;
	_ =	strace $0x8000004B  }
0xb4: {  	_ =	swait.ge [sflag:s29], $0x1  }
0xb5: {  	[sflag:s29] =	ssyncadd.s32 $0xFFFFFFFF  }
0xb6: {  	_ =	strace $0x9000004B  }
0xb7: {  	_ =	sfence  }
0xb8: {  	s30 =	sld [smem:$0x0];
	_ =	sdelay $0x2  }
0xb9: {  	s31 =	sshll.u32 s1, $0xD;
	s1 =	sshrl.u32 s1, $0x2  }
0xba: {  	s3 =	sand.u32 $0x4000, s31;
	s1 =	sadd.s32 s1, s30  }
0xbb: {  	s0 =	sor.u32 s3, s0;
	s1 =	sshll.u32 s1, $0x11  }
0xbc: {  	s0 =	sor.u32 s1, s0  }
0xbd: {  	s0 =	sadd.s32 $0x8F2B, s0  }
0xbe: {  	[sflag:s0] =	ssyncadd.remote.s32 $0x1  }
0xbf: {  	_ =	sfence.sel $0xFFFF  }
0xc0: {  	[dreg:$0x0] =	wrdreg $0xFFFFFFFF;
	(pc) =	sbr.abs _section_cstart, $3  }
0xc1: {  	[dreg:$0x1] =	wrdreg $0xFFFFFFFF  }
0xc2: {  	_ =	task.clear_ibuf [dreg:s7], $0x2FFFF;
	_ =	strace $0x9FFFFFFF  }
0xc3: {  	(tm) =	ssettm $0x7FFFFFFF  }
tec
execute0_lowered:
.L_overlay_start_1:
0x0: {  	(tag) =	ssettag $0x1  }
0x1: {  	s0 =	rddreg [dreg:$0x0]  }
0x2: {  	s1 =	rddreg [dreg:$0x1];
	s3 =	srdreg.scid  }
0x3: {  	s2 =	rddreg [dreg:$0x2];
	s10 =	stileid.u32  }
0x4: {  	s26 =	simm.s32 $0x14080;
	s12 =	simm.s32 $0x14880;
	s13 =	simm.s32 $0x14180  }
0x5: {  	s14 =	simm.s32 $0x14900;
	s15 =	simm.s32 $0x14200;
	s17 =	simm.s32 $0x14980  }
0x6: {  	s18 =	simm.s32 $0x14280;
	s4 =	sand.u32 $0x1, s3;
	s3 =	simm.s32 $0x0  }
0x7: {  	s19 =	simm.s32 $0x14A00;
	s20 =	simm.s32 $0x14300;
	[smem:$0x7FF] =	sst s3  }
0x8: {  	s21 =	simm.s32 $0x14A80;
	_ =	strace $0x8000004A;
	[dreg:$0x6] =	wrdreg s26  }
0x9: {  	s22 =	simm.s32 $0x14380;
	s28 =	simm.s32 $0x14680;
	[dreg:$0x8] =	wrdreg s12  }
0xa: {  	s29 =	simm.s32 $0x14E00;
	s6 =	smul.u32 $0x14000, s10;
	[dreg:$0x9] =	wrdreg s13  }
0xb: {  	s30 =	simm.s32 $0x14700;
	s8 =	smul.u32 $0xA00, s10;
	[dreg:$0xa] =	wrdreg s14  }
0xc: {  	s31 =	simm.s32 $0x14E80;
	s9 =	smul.u32 $0x50000, s10;
	[dreg:$0xb] =	wrdreg s15  }
0xd: {  	s11 =	sshll.u32 s10, $0x6;
	s5 =	smul.u32 $0x28000, s4;
	[dreg:$0xc] =	wrdreg s17  }
0xe: {  	s10 =	simm.s32 $0x5;
	s7 =	smul.u32 $0x140000, s4;
	[dreg:$0xd] =	wrdreg s18  }
0xf: {  	s4 =	ssub.s32 $0x2, s4;
	s8 =	sadd.s32 s8, s0;
	[dreg:$0xe] =	wrdreg s19  }
0x10: {  	s23 =	sshrl.u32 s4, $0x1;
	s24 =	sshrl.u32 s9, $0x2;
	[dreg:$0xf] =	wrdreg s20  }
0x11: {  	s9 =	simm.s32 $0x14100;
	s12 =	simm.s32 $0x14800;
	[dreg:$0x10] =	wrdreg s21  }
0x12: {  	s13 =	simm.s32 $0x80;
	s14 =	simm.s32 $0x15000;
	[dreg:$0x11] =	wrdreg s22  }
0x13: {  	s15 =	simm.s32 $0x19000;
	s17 =	simm.s32 $0x3;
	s26 =	simm.s32 $0x14480  }
0x14: {  	s18 =	simm.s32 $0x2;
	s19 =	simm.s32 $0x4;
	s20 =	simm.s32 $0x14C00  }
0x15: {  	s21 =	simm.s32 $0x14500;
	s22 =	simm.s32 $0x14C80;
	s5 =	sadd.s32 s5, s0  }
0x16: {  	s7 =	sadd.s32 s6, s7;
	s4 =	ssub.s32 s4, s23;
	s25 =	sadd.s32 $0x15C00, s8  }
0x17: {  	s8 =	sadd.s32 $0x1C00, s8;
	s6 =	sshrl.u32 s6, $0x3;
	[dreg:$0x7] =	wrdreg s9  }
0x18: {  	s23 =	simm.s32 $0x14B00;
	[dreg:$0x15] =	wrdreg s26;
	s26 =	simm.s32 $0x14D80  }
0x19: {  	s9 =	simm.s32 $0x0;
	s7 =	sshrl.u32 s7, $0x3;
	[dreg:$0x4] =	wrdreg s25  }
0x1a: {  	[dreg:$0x5] =	wrdreg s8;
	s1 =	sadd.s32 s1, s6;
	s8 =	sor.u32 $0x1C05, s11  }
0x1b: {  	s6 =	sadd.s32 $0x1FC00, s5;
	s16 =	smax.u32 s4, $0x1;
	[dreg:$0x12] =	wrdreg s23  }
0x1c: {  	s11 =	simm.s32 $0x14000;
	s25 =	simm.s32 $0x14B80;
	[dreg:$0x16] =	wrdreg s1  }
0x1d: {  	s23 =	simm.s32 $0x14580;
	s4 =	simm.s32 $0x14F80;
	[dreg:$0x19] =	wrdreg s16  }
0x1e: {  	s0 =	sadd.s32 s7, s0;
	s7 =	sadd.s32 s24, s2;
	[dreg:$0x14] =	wrdreg s25  }
0x1f: {  	s24 =	simm.s32 $0x14400;
	s16 =	simm.s32 $0x1;
	[dreg:$0x17] =	wrdreg s8  }
0x20: {  	s25 =	simm.s32 $0x14600;
	s0 =	sadd.s32 $0x6FC00, s0;
	[dreg:$0x13] =	wrdreg s24  }
0x21: {  	s1 =	simm.s32 $0x14F00;
	s7 =	sshrl.u32 s7, $0x3;
	[dreg:$0x18] =	wrdreg s0  }
0x22: {  	s24 =	simm.s32 $0x14D00;
	s0 =	simm.s32 $0x14780;
	[dreg:$0x1a] =	wrdreg s7  }
.LBB2_1:
0x23: {  	[dreg:$0x1b] =	wrdreg s9  }
0x24: {  	s5 =	rddreg [dreg:$0x16]  }
0x25: {  	[spmem:s7], [sflag:s8] =	dma.local [hbm:s5], $0x2800  }
0x26: {  	_ =	swait.ge [sflag:s10], $0x2800  }
0x27: {  	[sflag:s10] =	ssyncset.done $0x0  }
0x28: {  	[sflag:s10] =	ssyncadd.s32 $0xFFFFD800  }
0x29: {  	[bflag:$0x0] =	sbarrier.arrive $0xFFFF  }
0x2a: {  	s7 =	rddreg [dreg:$0x5]  }
0x2b: {  	s5 =	sadd.s32 $0x0, s7  }
0x2c: {  	[tilespmem:s11], [sflag:$0x5] =	stream.linear.gather [hbm4b:s5+s3], $0x800, $0x38;
	[tilespmem:$0x1D000] =	vst v63  }
0x2d: {  	_ =	swait.ge [sflag:s10], $0x800  }
0x2e: {  	s8 =	rddreg [dreg:$0x4];
	[sflag:s10] =	ssyncset.done $0x0  }
0x2f: {  	[sflag:s10] =	ssyncadd.s32 $0xFFFFF800;
	s5 =	sadd.s32 $0x0, s8  }
0x30: {  	[tilespmem:s12], [sflag:$0x5] =	stream.linear.gather [hbm4b:s5+s3], $0x800, $0x38;
	[tilespmem:$0x1D000] =	vst v63  }
0x31: {  	_ =	swait.ge [sflag:s10], $0x800  }
0x32: {  	[sflag:s10] =	ssyncset.done $0x0  }
0x33: {  	[sflag:s10] =	ssyncadd.s32 $0xFFFFF800  }
0x34: {  	[tilespmem:s14], [sflag:$0x1] =	stream.indirect.gather [hbm4b:s6+s13], $0x80, s11, s13, $0xb8;
	[tilespmem:$0x1D000] =	vst v63  }
0x35: {  	s9 =	rddreg [dreg:$0x6]  }
0x36: {  	[tilespmem:s15], [sflag:$0x2] =	stream.indirect.gather [hbm4b:s6+s13], $0x80, s9, s13, $0xb8;
	[tilespmem:$0x1D000] =	vst v63  }
0x37: {  	_ =	swait.ge [sflag:s16], $0x4000  }
0x38: {  	[sflag:s16] =	ssyncset.done $0x0  }
0x39: {  	[sflag:s16] =	ssyncadd.s32 $0xFFFFC000  }
0x3a: {  	[spmem:s2] =	stream.indirect.scatter.add.f32 [tilespmem:s14], [sflag:$0x3], $0x80, s12, s13, $0xb8;
	[tilespmem:$0x1D000] =	vst v63  }
0x3b: {  	_ =	swait.ge [sflag:s17], $0x4000  }
0x3c: {  	[sflag:s17] =	ssyncset.done $0x0  }
0x3d: {  	s7 =	rddreg [dreg:$0x7];
	[sflag:s17] =	ssyncadd.s32 $0xFFFFC000  }
0x3e: {  	[tilespmem:s14], [sflag:$0x1] =	stream.indirect.gather [hbm4b:s6+s13], $0x80, s7, s13, $0xb8;
	[tilespmem:$0x1D000] =	vst v63  }
0x3f: {  	_ =	swait.ge [sflag:s18], $0x4000  }
0x40: {  	[sflag:s18] =	ssyncset.done $0x0  }
0x41: {  	s8 =	rddreg [dreg:$0x8];
	[sflag:s18] =	ssyncadd.s32 $0xFFFFC000  }
0x42: {  	[spmem:s2] =	stream.indirect.scatter.add.f32 [tilespmem:s15], [sflag:$0x4], $0x80, s8, s13, $0xb8;
	[tilespmem:$0x1D000] =	vst v63  }
0x43: {  	_ =	swait.ge [sflag:s19], $0x4000  }
0x44: {  	[sflag:s19] =	ssyncset.done $0x0  }
0x45: {  	s9 =	rddreg [dreg:$0x9];
	[sflag:s19] =	ssyncadd.s32 $0xFFFFC000  }
0x46: {  	[tilespmem:s15], [sflag:$0x2] =	stream.indirect.gather [hbm4b:s6+s13], $0x80, s9, s13, $0xb8;
	[tilespmem:$0x1D000] =	vst v63  }
0x47: {  	_ =	swait.ge [sflag:s16], $0x4000  }
0x48: {  	[sflag:s16] =	ssyncset.done $0x0  }
0x49: {  	s7 =	rddreg [dreg:$0xa];
	[sflag:s16] =	ssyncadd.s32 $0xFFFFC000  }
0x4a: {  	[spmem:s2] =	stream.indirect.scatter.add.f32 [tilespmem:s14], [sflag:$0x3], $0x80, s7, s13, $0xb8;
	[tilespmem:$0x1D000] =	vst v63  }
0x4b: {  	_ =	swait.ge [sflag:s17], $0x4000  }
0x4c: {  	[sflag:s17] =	ssyncset.done $0x0  }
0x4d: {  	s8 =	rddreg [dreg:$0xb];
	[sflag:s17] =	ssyncadd.s32 $0xFFFFC000  }
0x4e: {  	[tilespmem:s14], [sflag:$0x1] =	stream.indirect.gather [hbm4b:s6+s13], $0x80, s8, s13, $0xb8;
	[tilespmem:$0x1D000] =	vst v63  }
0x4f: {  	_ =	swait.ge [sflag:s18], $0x4000  }
0x50: {  	[sflag:s18] =	ssyncset.done $0x0  }
0x51: {  	s9 =	rddreg [dreg:$0xc];
	[sflag:s18] =	ssyncadd.s32 $0xFFFFC000  }
0x52: {  	[spmem:s2] =	stream.indirect.scatter.add.f32 [tilespmem:s15], [sflag:$0x4], $0x80, s9, s13, $0xb8;
	[tilespmem:$0x1D000] =	vst v63  }
0x53: {  	_ =	swait.ge [sflag:s19], $0x4000  }
0x54: {  	[sflag:s19] =	ssyncset.done $0x0  }
0x55: {  	s7 =	rddreg [dreg:$0xd];
	[sflag:s19] =	ssyncadd.s32 $0xFFFFC000  }
0x56: {  	[tilespmem:s15], [sflag:$0x2] =	stream.indirect.gather [hbm4b:s6+s13], $0x80, s7, s13, $0xb8;
	[tilespmem:$0x1D000] =	vst v63  }
0x57: {  	_ =	swait.ge [sflag:s16], $0x4000  }
0x58: {  	[sflag:s16] =	ssyncset.done $0x0  }
0x59: {  	s8 =	rddreg [dreg:$0xe];
	[sflag:s16] =	ssyncadd.s32 $0xFFFFC000  }
0x5a: {  	[spmem:s2] =	stream.indirect.scatter.add.f32 [tilespmem:s14], [sflag:$0x3], $0x80, s8, s13, $0xb8;
	[tilespmem:$0x1D000] =	vst v63  }
0x5b: {  	_ =	swait.ge [sflag:s17], $0x4000  }
0x5c: {  	[sflag:s17] =	ssyncset.done $0x0  }
0x5d: {  	s9 =	rddreg [dreg:$0xf];
	[sflag:s17] =	ssyncadd.s32 $0xFFFFC000  }
0x5e: {  	[tilespmem:s14], [sflag:$0x1] =	stream.indirect.gather [hbm4b:s6+s13], $0x80, s9, s13, $0xb8;
	[tilespmem:$0x1D000] =	vst v63  }
0x5f: {  	_ =	swait.ge [sflag:s18], $0x4000  }
0x60: {  	[sflag:s18] =	ssyncset.done $0x0  }
0x61: {  	s7 =	rddreg [dreg:$0x10];
	[sflag:s18] =	ssyncadd.s32 $0xFFFFC000  }
0x62: {  	[spmem:s2] =	stream.indirect.scatter.add.f32 [tilespmem:s15], [sflag:$0x4], $0x80, s7, s13, $0xb8;
	[tilespmem:$0x1D000] =	vst v63  }
0x63: {  	_ =	swait.ge [sflag:s19], $0x4000  }
0x64: {  	[sflag:s19] =	ssyncset.done $0x0  }
0x65: {  	s8 =	rddreg [dreg:$0x11];
	[sflag:s19] =	ssyncadd.s32 $0xFFFFC000  }
0x66: {  	[tilespmem:s15], [sflag:$0x2] =	stream.indirect.gather [hbm4b:s6+s13], $0x80, s8, s13, $0xb8;
	[tilespmem:$0x1D000] =	vst v63  }
0x67: {  	_ =	swait.ge [sflag:s16], $0x4000  }
0x68: {  	[sflag:s16] =	ssyncset.done $0x0  }
0x69: {  	s9 =	rddreg [dreg:$0x12];
	[sflag:s16] =	ssyncadd.s32 $0xFFFFC000  }
0x6a: {  	[spmem:s2] =	stream.indirect.scatter.add.f32 [tilespmem:s14], [sflag:$0x3], $0x80, s9, s13, $0xb8;
	[tilespmem:$0x1D000] =	vst v63  }
0x6b: {  	_ =	swait.ge [sflag:s17], $0x4000  }
0x6c: {  	[sflag:s17] =	ssyncset.done $0x0  }
0x6d: {  	s7 =	rddreg [dreg:$0x13];
	[sflag:s17] =	ssyncadd.s32 $0xFFFFC000  }
0x6e: {  	[tilespmem:s14], [sflag:$0x1] =	stream.indirect.gather [hbm4b:s6+s13], $0x80, s7, s13, $0xb8;
	[tilespmem:$0x1D000] =	vst v63  }
0x6f: {  	_ =	swait.ge [sflag:s18], $0x4000  }
0x70: {  	[sflag:s18] =	ssyncset.done $0x0  }
0x71: {  	s8 =	rddreg [dreg:$0x14];
	[sflag:s18] =	ssyncadd.s32 $0xFFFFC000  }
0x72: {  	[spmem:s2] =	stream.indirect.scatter.add.f32 [tilespmem:s15], [sflag:$0x4], $0x80, s8, s13, $0xb8;
	[tilespmem:$0x1D000] =	vst v63  }
0x73: {  	_ =	swait.ge [sflag:s19], $0x4000  }
0x74: {  	[sflag:s19] =	ssyncset.done $0x0  }
0x75: {  	s9 =	rddreg [dreg:$0x15];
	[sflag:s19] =	ssyncadd.s32 $0xFFFFC000  }
0x76: {  	[tilespmem:s15], [sflag:$0x2] =	stream.indirect.gather [hbm4b:s6+s13], $0x80, s9, s13, $0xb8;
	[tilespmem:$0x1D000] =	vst v63  }
0x77: {  	_ =	swait.ge [sflag:s16], $0x4000  }
0x78: {  	[sflag:s16] =	ssyncset.done $0x0  }
0x79: {  	[sflag:s16] =	ssyncadd.s32 $0xFFFFC000  }
0x7a: {  	[spmem:s2] =	stream.indirect.scatter.add.f32 [tilespmem:s14], [sflag:$0x3], $0x80, s20, s13, $0xb8;
	[tilespmem:$0x1D000] =	vst v63  }
0x7b: {  	_ =	swait.ge [sflag:s17], $0x4000  }
0x7c: {  	[sflag:s17] =	ssyncset.done $0x0  }
0x7d: {  	[sflag:s17] =	ssyncadd.s32 $0xFFFFC000  }
0x7e: {  	[tilespmem:s14], [sflag:$0x1] =	stream.indirect.gather [hbm4b:s6+s13], $0x80, s21, s13, $0xb8;
	[tilespmem:$0x1D000] =	vst v63  }
0x7f: {  	_ =	swait.ge [sflag:s18], $0x4000  }
0x80: {  	[sflag:s18] =	ssyncset.done $0x0  }
0x81: {  	[sflag:s18] =	ssyncadd.s32 $0xFFFFC000  }
0x82: {  	[spmem:s2] =	stream.indirect.scatter.add.f32 [tilespmem:s15], [sflag:$0x4], $0x80, s22, s13, $0xb8;
	[tilespmem:$0x1D000] =	vst v63  }
0x83: {  	_ =	swait.ge [sflag:s19], $0x4000  }
0x84: {  	[sflag:s19] =	ssyncset.done $0x0  }
0x85: {  	[sflag:s19] =	ssyncadd.s32 $0xFFFFC000  }
0x86: {  	[tilespmem:s15], [sflag:$0x2] =	stream.indirect.gather [hbm4b:s6+s13], $0x80, s23, s13, $0xb8;
	[tilespmem:$0x1D000] =	vst v63  }
0x87: {  	_ =	swait.ge [sflag:s16], $0x4000  }
0x88: {  	[sflag:s16] =	ssyncset.done $0x0  }
0x89: {  	[sflag:s16] =	ssyncadd.s32 $0xFFFFC000  }
0x8a: {  	[spmem:s2] =	stream.indirect.scatter.add.f32 [tilespmem:s14], [sflag:$0x3], $0x80, s24, s13, $0xb8;
	[tilespmem:$0x1D000] =	vst v63  }
0x8b: {  	_ =	swait.ge [sflag:s17], $0x4000  }
0x8c: {  	[sflag:s17] =	ssyncset.done $0x0  }
0x8d: {  	[sflag:s17] =	ssyncadd.s32 $0xFFFFC000  }
0x8e: {  	[tilespmem:s14], [sflag:$0x1] =	stream.indirect.gather [hbm4b:s6+s13], $0x80, s25, s13, $0xb8;
	[tilespmem:$0x1D000] =	vst v63  }
0x8f: {  	_ =	swait.ge [sflag:s18], $0x4000  }
0x90: {  	[sflag:s18] =	ssyncset.done $0x0  }
0x91: {  	[sflag:s18] =	ssyncadd.s32 $0xFFFFC000  }
0x92: {  	[spmem:s2] =	stream.indirect.scatter.add.f32 [tilespmem:s15], [sflag:$0x4], $0x80, s26, s13, $0xb8;
	[tilespmem:$0x1D000] =	vst v63  }
0x93: {  	_ =	swait.ge [sflag:s19], $0x4000  }
0x94: {  	[sflag:s19] =	ssyncset.done $0x0  }
0x95: {  	[sflag:s19] =	ssyncadd.s32 $0xFFFFC000  }
0x96: {  	[tilespmem:s15], [sflag:$0x2] =	stream.indirect.gather [hbm4b:s6+s13], $0x80, s28, s13, $0xb8;
	[tilespmem:$0x1D000] =	vst v63  }
0x97: {  	_ =	swait.ge [sflag:s16], $0x4000  }
0x98: {  	[sflag:s16] =	ssyncset.done $0x0  }
0x99: {  	[sflag:s16] =	ssyncadd.s32 $0xFFFFC000  }
0x9a: {  	[spmem:s2] =	stream.indirect.scatter.add.f32 [tilespmem:s14], [sflag:$0x3], $0x80, s29, s13, $0xb8;
	[tilespmem:$0x1D000] =	vst v63  }
0x9b: {  	_ =	swait.ge [sflag:s17], $0x4000  }
0x9c: {  	[sflag:s17] =	ssyncset.done $0x0  }
0x9d: {  	[sflag:s17] =	ssyncadd.s32 $0xFFFFC000  }
0x9e: {  	[tilespmem:s14], [sflag:$0x1] =	stream.indirect.gather [hbm4b:s6+s13], $0x80, s30, s13, $0xb8;
	[tilespmem:$0x1D000] =	vst v63  }
0x9f: {  	_ =	swait.ge [sflag:s18], $0x4000  }
0xa0: {  	[sflag:s18] =	ssyncset.done $0x0  }
0xa1: {  	[sflag:s18] =	ssyncadd.s32 $0xFFFFC000  }
0xa2: {  	[spmem:s2] =	stream.indirect.scatter.add.f32 [tilespmem:s15], [sflag:$0x4], $0x80, s31, s13, $0xb8;
	[tilespmem:$0x1D000] =	vst v63  }
0xa3: {  	_ =	swait.ge [sflag:s19], $0x4000  }
0xa4: {  	[sflag:s19] =	ssyncset.done $0x0  }
0xa5: {  	[sflag:s19] =	ssyncadd.s32 $0xFFFFC000  }
0xa6: {  	[tilespmem:s15], [sflag:$0x2] =	stream.indirect.gather [hbm4b:s6+s13], $0x80, s0, s13, $0xb8;
	[tilespmem:$0x1D000] =	vst v63  }
0xa7: {  	_ =	swait.ge [sflag:s16], $0x4000  }
0xa8: {  	[sflag:s16] =	ssyncset.done $0x0  }
0xa9: {  	[sflag:s16] =	ssyncadd.s32 $0xFFFFC000  }
0xaa: {  	[spmem:s2] =	stream.indirect.scatter.add.f32 [tilespmem:s14], [sflag:$0x3], $0x80, s1, s13, $0xb8;
	[tilespmem:$0x1D000] =	vst v63  }
0xab: {  	_ =	swait.ge [sflag:s18], $0x4000  }
0xac: {  	[sflag:s18] =	ssyncset.done $0x0  }
0xad: {  	[sflag:s18] =	ssyncadd.s32 $0xFFFFC000  }
0xae: {  	[spmem:s2] =	stream.indirect.scatter.add.f32 [tilespmem:s15], [sflag:$0x4], $0x80, s4, s13, $0xb8;
	[tilespmem:$0x1D000] =	vst v63  }
0xaf: {  	_ =	swait.ge [sflag:s17], $0x4000  }
0xb0: {  	[sflag:s17] =	ssyncset.done $0x0  }
0xb1: {  	[sflag:s17] =	ssyncadd.s32 $0xFFFFC000  }
0xb2: {  	s5 =	simm.s32 $0x200;
	_ =	swait.ge [sflag:s19], $0x4000  }
0xb3: {  	s8 =	simm.s32 $0x100;
	s9 =	rddreg [dreg:$0x5];
	[sflag:s19] =	ssyncset.done $0x0  }
.LBB2_2:
0xb4: {  	[sflag:s19] =	ssyncadd.s32 $0xFFFFC000;
	s9 =	sadd.s32 s8, s9  }
0xb5: {  	[tilespmem:s11], [sflag:$0x5] =	stream.linear.gather [hbm4b:s9+s3], $0x800, $0x38;
	[tilespmem:$0x1D000] =	vst v63  }
0xb6: {  	_ =	swait.ge [sflag:s10], $0x800  }
0xb7: {  	s9 =	rddreg [dreg:$0x4];
	[sflag:s10] =	ssyncset.done $0x0  }
0xb8: {  	[sflag:s10] =	ssyncadd.s32 $0xFFFFF800;
	s9 =	sadd.s32 s8, s9  }
0xb9: {  	[tilespmem:s12], [sflag:$0x5] =	stream.linear.gather [hbm4b:s9+s3], $0x800, $0x38;
	[tilespmem:$0x1D000] =	vst v63  }
0xba: {  	_ =	swait.ge [sflag:s10], $0x800  }
0xbb: {  	[sflag:s10] =	ssyncset.done $0x0  }
0xbc: {  	[sflag:s10] =	ssyncadd.s32 $0xFFFFF800  }
0xbd: {  	[tilespmem:s14], [sflag:$0x1] =	stream.indirect.gather [hbm4b:s6+s13], $0x80, s11, s13, $0xb8;
	[tilespmem:$0x1D000] =	vst v63  }
0xbe: {  	s9 =	rddreg [dreg:$0x6]  }
0xbf: {  	[tilespmem:s15], [sflag:$0x2] =	stream.indirect.gather [hbm4b:s6+s13], $0x80, s9, s13, $0xb8;
	[tilespmem:$0x1D000] =	vst v63  }
0xc0: {  	_ =	swait.ge [sflag:s16], $0x4000  }
0xc1: {  	[sflag:s16] =	ssyncset.done $0x0  }
0xc2: {  	[sflag:s16] =	ssyncadd.s32 $0xFFFFC000  }
0xc3: {  	[spmem:s2] =	stream.indirect.scatter.add.f32 [tilespmem:s14], [sflag:$0x3], $0x80, s12, s13, $0xb8;
	[tilespmem:$0x1D000] =	vst v63  }
0xc4: {  	_ =	swait.ge [sflag:s17], $0x4000  }
0xc5: {  	[sflag:s17] =	ssyncset.done $0x0  }
0xc6: {  	s9 =	rddreg [dreg:$0x7];
	[sflag:s17] =	ssyncadd.s32 $0xFFFFC000  }
0xc7: {  	[tilespmem:s14], [sflag:$0x1] =	stream.indirect.gather [hbm4b:s6+s13], $0x80, s9, s13, $0xb8;
	[tilespmem:$0x1D000] =	vst v63  }
0xc8: {  	_ =	swait.ge [sflag:s18], $0x4000  }
0xc9: {  	[sflag:s18] =	ssyncset.done $0x0  }
0xca: {  	s9 =	rddreg [dreg:$0x8];
	[sflag:s18] =	ssyncadd.s32 $0xFFFFC000  }
0xcb: {  	[spmem:s2] =	stream.indirect.scatter.add.f32 [tilespmem:s15], [sflag:$0x4], $0x80, s9, s13, $0xb8;
	[tilespmem:$0x1D000] =	vst v63  }
0xcc: {  	_ =	swait.ge [sflag:s19], $0x4000  }
0xcd: {  	[sflag:s19] =	ssyncset.done $0x0  }
0xce: {  	s9 =	rddreg [dreg:$0x9];
	[sflag:s19] =	ssyncadd.s32 $0xFFFFC000  }
0xcf: {  	[tilespmem:s15], [sflag:$0x2] =	stream.indirect.gather [hbm4b:s6+s13], $0x80, s9, s13, $0xb8;
	[tilespmem:$0x1D000] =	vst v63  }
0xd0: {  	_ =	swait.ge [sflag:s16], $0x4000  }
0xd1: {  	[sflag:s16] =	ssyncset.done $0x0  }
0xd2: {  	s9 =	rddreg [dreg:$0xa];
	[sflag:s16] =	ssyncadd.s32 $0xFFFFC000  }
0xd3: {  	[spmem:s2] =	stream.indirect.scatter.add.f32 [tilespmem:s14], [sflag:$0x3], $0x80, s9, s13, $0xb8;
	[tilespmem:$0x1D000] =	vst v63  }
0xd4: {  	_ =	swait.ge [sflag:s17], $0x4000  }
0xd5: {  	[sflag:s17] =	ssyncset.done $0x0  }
0xd6: {  	s9 =	rddreg [dreg:$0xb];
	[sflag:s17] =	ssyncadd.s32 $0xFFFFC000  }
0xd7: {  	[tilespmem:s14], [sflag:$0x1] =	stream.indirect.gather [hbm4b:s6+s13], $0x80, s9, s13, $0xb8;
	[tilespmem:$0x1D000] =	vst v63  }
0xd8: {  	_ =	swait.ge [sflag:s18], $0x4000  }
0xd9: {  	[sflag:s18] =	ssyncset.done $0x0  }
0xda: {  	s9 =	rddreg [dreg:$0xc];
	[sflag:s18] =	ssyncadd.s32 $0xFFFFC000  }
0xdb: {  	[spmem:s2] =	stream.indirect.scatter.add.f32 [tilespmem:s15], [sflag:$0x4], $0x80, s9, s13, $0xb8;
	[tilespmem:$0x1D000] =	vst v63  }
0xdc: {  	_ =	swait.ge [sflag:s19], $0x4000  }
0xdd: {  	[sflag:s19] =	ssyncset.done $0x0  }
0xde: {  	s9 =	rddreg [dreg:$0xd];
	[sflag:s19] =	ssyncadd.s32 $0xFFFFC000  }
0xdf: {  	[tilespmem:s15], [sflag:$0x2] =	stream.indirect.gather [hbm4b:s6+s13], $0x80, s9, s13, $0xb8;
	[tilespmem:$0x1D000] =	vst v63  }
0xe0: {  	_ =	swait.ge [sflag:s16], $0x4000  }
0xe1: {  	[sflag:s16] =	ssyncset.done $0x0  }
0xe2: {  	s9 =	rddreg [dreg:$0xe];
	[sflag:s16] =	ssyncadd.s32 $0xFFFFC000  }
0xe3: {  	[spmem:s2] =	stream.indirect.scatter.add.f32 [tilespmem:s14], [sflag:$0x3], $0x80, s9, s13, $0xb8;
	[tilespmem:$0x1D000] =	vst v63  }
0xe4: {  	_ =	swait.ge [sflag:s17], $0x4000  }
0xe5: {  	[sflag:s17] =	ssyncset.done $0x0  }
0xe6: {  	s9 =	rddreg [dreg:$0xf];
	[sflag:s17] =	ssyncadd.s32 $0xFFFFC000  }
0xe7: {  	[tilespmem:s14], [sflag:$0x1] =	stream.indirect.gather [hbm4b:s6+s13], $0x80, s9, s13, $0xb8;
	[tilespmem:$0x1D000] =	vst v63  }
0xe8: {  	_ =	swait.ge [sflag:s18], $0x4000  }
0xe9: {  	[sflag:s18] =	ssyncset.done $0x0  }
0xea: {  	s9 =	rddreg [dreg:$0x10];
	[sflag:s18] =	ssyncadd.s32 $0xFFFFC000  }
0xeb: {  	[spmem:s2] =	stream.indirect.scatter.add.f32 [tilespmem:s15], [sflag:$0x4], $0x80, s9, s13, $0xb8;
	[tilespmem:$0x1D000] =	vst v63  }
0xec: {  	_ =	swait.ge [sflag:s19], $0x4000  }
0xed: {  	[sflag:s19] =	ssyncset.done $0x0  }
0xee: {  	s9 =	rddreg [dreg:$0x11];
	[sflag:s19] =	ssyncadd.s32 $0xFFFFC000  }
0xef: {  	[tilespmem:s15], [sflag:$0x2] =	stream.indirect.gather [hbm4b:s6+s13], $0x80, s9, s13, $0xb8;
	[tilespmem:$0x1D000] =	vst v63  }
0xf0: {  	_ =	swait.ge [sflag:s16], $0x4000  }
0xf1: {  	[sflag:s16] =	ssyncset.done $0x0  }
0xf2: {  	s9 =	rddreg [dreg:$0x12];
	[sflag:s16] =	ssyncadd.s32 $0xFFFFC000  }
0xf3: {  	[spmem:s2] =	stream.indirect.scatter.add.f32 [tilespmem:s14], [sflag:$0x3], $0x80, s9, s13, $0xb8;
	[tilespmem:$0x1D000] =	vst v63  }
0xf4: {  	_ =	swait.ge [sflag:s17], $0x4000  }
0xf5: {  	[sflag:s17] =	ssyncset.done $0x0  }
0xf6: {  	s9 =	rddreg [dreg:$0x13];
	[sflag:s17] =	ssyncadd.s32 $0xFFFFC000  }
0xf7: {  	[tilespmem:s14], [sflag:$0x1] =	stream.indirect.gather [hbm4b:s6+s13], $0x80, s9, s13, $0xb8;
	[tilespmem:$0x1D000] =	vst v63  }
0xf8: {  	_ =	swait.ge [sflag:s18], $0x4000  }
0xf9: {  	[sflag:s18] =	ssyncset.done $0x0  }
0xfa: {  	s9 =	rddreg [dreg:$0x14];
	[sflag:s18] =	ssyncadd.s32 $0xFFFFC000  }
0xfb: {  	[spmem:s2] =	stream.indirect.scatter.add.f32 [tilespmem:s15], [sflag:$0x4], $0x80, s9, s13, $0xb8;
	[tilespmem:$0x1D000] =	vst v63  }
0xfc: {  	_ =	swait.ge [sflag:s19], $0x4000  }
0xfd: {  	[sflag:s19] =	ssyncset.done $0x0  }
0xfe: {  	s9 =	rddreg [dreg:$0x15];
	[sflag:s19] =	ssyncadd.s32 $0xFFFFC000  }
0xff: {  	[tilespmem:s15], [sflag:$0x2] =	stream.indirect.gather [hbm4b:s6+s13], $0x80, s9, s13, $0xb8;
	[tilespmem:$0x1D000] =	vst v63  }
0x100: {  	_ =	swait.ge [sflag:s16], $0x4000  }
0x101: {  	[sflag:s16] =	ssyncset.done $0x0  }
0x102: {  	[sflag:s16] =	ssyncadd.s32 $0xFFFFC000  }
0x103: {  	[spmem:s2] =	stream.indirect.scatter.add.f32 [tilespmem:s14], [sflag:$0x3], $0x80, s20, s13, $0xb8;
	[tilespmem:$0x1D000] =	vst v63  }
0x104: {  	_ =	swait.ge [sflag:s17], $0x4000  }
0x105: {  	[sflag:s17] =	ssyncset.done $0x0  }
0x106: {  	[sflag:s17] =	ssyncadd.s32 $0xFFFFC000  }
0x107: {  	[tilespmem:s14], [sflag:$0x1] =	stream.indirect.gather [hbm4b:s6+s13], $0x80, s21, s13, $0xb8;
	[tilespmem:$0x1D000] =	vst v63  }
0x108: {  	_ =	swait.ge [sflag:s18], $0x4000  }
0x109: {  	[sflag:s18] =	ssyncset.done $0x0  }
0x10a: {  	[sflag:s18] =	ssyncadd.s32 $0xFFFFC000  }
0x10b: {  	[spmem:s2] =	stream.indirect.scatter.add.f32 [tilespmem:s15], [sflag:$0x4], $0x80, s22, s13, $0xb8;
	[tilespmem:$0x1D000] =	vst v63  }
0x10c: {  	_ =	swait.ge [sflag:s19], $0x4000  }
0x10d: {  	[sflag:s19] =	ssyncset.done $0x0  }
0x10e: {  	[sflag:s19] =	ssyncadd.s32 $0xFFFFC000  }
0x10f: {  	[tilespmem:s15], [sflag:$0x2] =	stream.indirect.gather [hbm4b:s6+s13], $0x80, s23, s13, $0xb8;
	[tilespmem:$0x1D000] =	vst v63  }
0x110: {  	_ =	swait.ge [sflag:s16], $0x4000  }
0x111: {  	[sflag:s16] =	ssyncset.done $0x0  }
0x112: {  	[sflag:s16] =	ssyncadd.s32 $0xFFFFC000  }
0x113: {  	[spmem:s2] =	stream.indirect.scatter.add.f32 [tilespmem:s14], [sflag:$0x3], $0x80, s24, s13, $0xb8;
	[tilespmem:$0x1D000] =	vst v63  }
0x114: {  	_ =	swait.ge [sflag:s17], $0x4000  }
0x115: {  	[sflag:s17] =	ssyncset.done $0x0  }
0x116: {  	[sflag:s17] =	ssyncadd.s32 $0xFFFFC000  }
0x117: {  	[tilespmem:s14], [sflag:$0x1] =	stream.indirect.gather [hbm4b:s6+s13], $0x80, s25, s13, $0xb8;
	[tilespmem:$0x1D000] =	vst v63  }
0x118: {  	_ =	swait.ge [sflag:s18], $0x4000  }
0x119: {  	[sflag:s18] =	ssyncset.done $0x0  }
0x11a: {  	[sflag:s18] =	ssyncadd.s32 $0xFFFFC000  }
0x11b: {  	[spmem:s2] =	stream.indirect.scatter.add.f32 [tilespmem:s15], [sflag:$0x4], $0x80, s26, s13, $0xb8;
	[tilespmem:$0x1D000] =	vst v63  }
0x11c: {  	_ =	swait.ge [sflag:s19], $0x4000  }
0x11d: {  	[sflag:s19] =	ssyncset.done $0x0  }
0x11e: {  	[sflag:s19] =	ssyncadd.s32 $0xFFFFC000  }
0x11f: {  	[tilespmem:s15], [sflag:$0x2] =	stream.indirect.gather [hbm4b:s6+s13], $0x80, s28, s13, $0xb8;
	[tilespmem:$0x1D000] =	vst v63  }
0x120: {  	_ =	swait.ge [sflag:s16], $0x4000  }
0x121: {  	[sflag:s16] =	ssyncset.done $0x0  }
0x122: {  	[sflag:s16] =	ssyncadd.s32 $0xFFFFC000  }
0x123: {  	[spmem:s2] =	stream.indirect.scatter.add.f32 [tilespmem:s14], [sflag:$0x3], $0x80, s29, s13, $0xb8;
	[tilespmem:$0x1D000] =	vst v63  }
0x124: {  	_ =	swait.ge [sflag:s17], $0x4000  }
0x125: {  	[sflag:s17] =	ssyncset.done $0x0  }
0x126: {  	[sflag:s17] =	ssyncadd.s32 $0xFFFFC000  }
0x127: {  	[tilespmem:s14], [sflag:$0x1] =	stream.indirect.gather [hbm4b:s6+s13], $0x80, s30, s13, $0xb8;
	[tilespmem:$0x1D000] =	vst v63  }
0x128: {  	_ =	swait.ge [sflag:s18], $0x4000  }
0x129: {  	[sflag:s18] =	ssyncset.done $0x0  }
0x12a: {  	[sflag:s18] =	ssyncadd.s32 $0xFFFFC000  }
0x12b: {  	[spmem:s2] =	stream.indirect.scatter.add.f32 [tilespmem:s15], [sflag:$0x4], $0x80, s31, s13, $0xb8;
	[tilespmem:$0x1D000] =	vst v63  }
0x12c: {  	_ =	swait.ge [sflag:s19], $0x4000  }
0x12d: {  	[sflag:s19] =	ssyncset.done $0x0  }
0x12e: {  	[sflag:s19] =	ssyncadd.s32 $0xFFFFC000  }
0x12f: {  	[tilespmem:s15], [sflag:$0x2] =	stream.indirect.gather [hbm4b:s6+s13], $0x80, s0, s13, $0xb8;
	[tilespmem:$0x1D000] =	vst v63  }
0x130: {  	_ =	swait.ge [sflag:s16], $0x4000  }
0x131: {  	[sflag:s16] =	ssyncset.done $0x0  }
0x132: {  	[sflag:s16] =	ssyncadd.s32 $0xFFFFC000  }
0x133: {  	[spmem:s2] =	stream.indirect.scatter.add.f32 [tilespmem:s14], [sflag:$0x3], $0x80, s1, s13, $0xb8;
	[tilespmem:$0x1D000] =	vst v63  }
0x134: {  	_ =	swait.ge [sflag:s18], $0x4000  }
0x135: {  	[sflag:s18] =	ssyncset.done $0x0  }
0x136: {  	p0 =	sne.s32 s5, $0x900;
	[sflag:s18] =	ssyncadd.s32 $0xFFFFC000  }
0x137: {  	[spmem:s2] =	stream.indirect.scatter.add.f32 [tilespmem:s15], [sflag:$0x4], $0x80, s4, s13, $0xb8;
	[tilespmem:$0x1D000] =	vst v63  }
.Ltmp0:
0x138: {  	_ =	swait.ge [sflag:s17], $0x4000;
	(pc) =	sbr.rel @p0 .LBB2_2-.Ltmp0, $4  }
0x139: {  	[sflag:s17] =	ssyncset.done $0x0  }
0x13a: {  	[sflag:s17] =	ssyncadd.s32 $0xFFFFC000  }
0x13b: {  	s7 =	smov.u32 s5;
	s5 =	sadd.s32 $0x100, s5;
	_ =	swait.ge [sflag:s19], $0x4000  }
0x13c: {  	s8 =	smov.u32 s7;
	s9 =	rddreg [dreg:$0x5];
	[sflag:s19] =	ssyncset.done $0x0  }
0x13d: {  	[sflag:s19] =	ssyncadd.s32 $0xFFFFC000;
	s5 =	sadd.s32 s8, s9  }
0x13e: {  	[tilespmem:s11], [sflag:$0x5] =	stream.linear.gather [hbm4b:s5+s3], $0x800, $0x38;
	[tilespmem:$0x1D000] =	vst v63  }
0x13f: {  	_ =	swait.ge [sflag:s10], $0x800  }
0x140: {  	s7 =	rddreg [dreg:$0x4];
	[sflag:s10] =	ssyncset.done $0x0  }
0x141: {  	s5 =	sadd.s32 s8, s7;
	[sflag:s10] =	ssyncadd.s32 $0xFFFFF800  }
0x142: {  	[tilespmem:s12], [sflag:$0x5] =	stream.linear.gather [hbm4b:s5+s3], $0x800, $0x38;
	[tilespmem:$0x1D000] =	vst v63  }
0x143: {  	_ =	swait.ge [sflag:s10], $0x800  }
0x144: {  	[sflag:s10] =	ssyncset.done $0x0  }
0x145: {  	[sflag:s10] =	ssyncadd.s32 $0xFFFFF800  }
0x146: {  	[tilespmem:s14], [sflag:$0x1] =	stream.indirect.gather [hbm4b:s6+s13], $0x80, s11, s13, $0xb8;
	[tilespmem:$0x1D000] =	vst v63  }
0x147: {  	s8 =	rddreg [dreg:$0x6]  }
0x148: {  	[tilespmem:s15], [sflag:$0x2] =	stream.indirect.gather [hbm4b:s6+s13], $0x80, s8, s13, $0xb8;
	[tilespmem:$0x1D000] =	vst v63  }
0x149: {  	_ =	swait.ge [sflag:s16], $0x4000  }
0x14a: {  	[sflag:s16] =	ssyncset.done $0x0  }
0x14b: {  	[sflag:s16] =	ssyncadd.s32 $0xFFFFC000  }
0x14c: {  	[spmem:s2] =	stream.indirect.scatter.add.f32 [tilespmem:s14], [sflag:$0x3], $0x80, s12, s13, $0xb8;
	[tilespmem:$0x1D000] =	vst v63  }
0x14d: {  	_ =	swait.ge [sflag:s17], $0x4000  }
0x14e: {  	[sflag:s17] =	ssyncset.done $0x0  }
0x14f: {  	s9 =	rddreg [dreg:$0x7];
	[sflag:s17] =	ssyncadd.s32 $0xFFFFC000  }
0x150: {  	[tilespmem:s14], [sflag:$0x1] =	stream.indirect.gather [hbm4b:s6+s13], $0x80, s9, s13, $0xb8;
	[tilespmem:$0x1D000] =	vst v63  }
0x151: {  	_ =	swait.ge [sflag:s18], $0x4000  }
0x152: {  	[sflag:s18] =	ssyncset.done $0x0  }
0x153: {  	s7 =	rddreg [dreg:$0x8];
	[sflag:s18] =	ssyncadd.s32 $0xFFFFC000  }
0x154: {  	[spmem:s2] =	stream.indirect.scatter.add.f32 [tilespmem:s15], [sflag:$0x4], $0x80, s7, s13, $0xb8;
	[tilespmem:$0x1D000] =	vst v63  }
0x155: {  	_ =	swait.ge [sflag:s19], $0x4000  }
0x156: {  	[sflag:s19] =	ssyncset.done $0x0  }
0x157: {  	s8 =	rddreg [dreg:$0x9];
	[sflag:s19] =	ssyncadd.s32 $0xFFFFC000  }
0x158: {  	[tilespmem:s15], [sflag:$0x2] =	stream.indirect.gather [hbm4b:s6+s13], $0x80, s8, s13, $0xb8;
	[tilespmem:$0x1D000] =	vst v63  }
0x159: {  	_ =	swait.ge [sflag:s16], $0x4000  }
0x15a: {  	[sflag:s16] =	ssyncset.done $0x0  }
0x15b: {  	s9 =	rddreg [dreg:$0xa];
	[sflag:s16] =	ssyncadd.s32 $0xFFFFC000  }
0x15c: {  	[spmem:s2] =	stream.indirect.scatter.add.f32 [tilespmem:s14], [sflag:$0x3], $0x80, s9, s13, $0xb8;
	[tilespmem:$0x1D000] =	vst v63  }
0x15d: {  	_ =	swait.ge [sflag:s17], $0x4000  }
0x15e: {  	[sflag:s17] =	ssyncset.done $0x0  }
0x15f: {  	s7 =	rddreg [dreg:$0xb];
	[sflag:s17] =	ssyncadd.s32 $0xFFFFC000  }
0x160: {  	[tilespmem:s14], [sflag:$0x1] =	stream.indirect.gather [hbm4b:s6+s13], $0x80, s7, s13, $0xb8;
	[tilespmem:$0x1D000] =	vst v63  }
0x161: {  	_ =	swait.ge [sflag:s18], $0x4000  }
0x162: {  	[sflag:s18] =	ssyncset.done $0x0  }
0x163: {  	s8 =	rddreg [dreg:$0xc];
	[sflag:s18] =	ssyncadd.s32 $0xFFFFC000  }
0x164: {  	[spmem:s2] =	stream.indirect.scatter.add.f32 [tilespmem:s15], [sflag:$0x4], $0x80, s8, s13, $0xb8;
	[tilespmem:$0x1D000] =	vst v63  }
0x165: {  	_ =	swait.ge [sflag:s19], $0x4000  }
0x166: {  	[sflag:s19] =	ssyncset.done $0x0  }
0x167: {  	s9 =	rddreg [dreg:$0xd];
	[sflag:s19] =	ssyncadd.s32 $0xFFFFC000  }
0x168: {  	[tilespmem:s15], [sflag:$0x2] =	stream.indirect.gather [hbm4b:s6+s13], $0x80, s9, s13, $0xb8;
	[tilespmem:$0x1D000] =	vst v63  }
0x169: {  	_ =	swait.ge [sflag:s16], $0x4000  }
0x16a: {  	[sflag:s16] =	ssyncset.done $0x0  }
0x16b: {  	s7 =	rddreg [dreg:$0xe];
	[sflag:s16] =	ssyncadd.s32 $0xFFFFC000  }
0x16c: {  	[spmem:s2] =	stream.indirect.scatter.add.f32 [tilespmem:s14], [sflag:$0x3], $0x80, s7, s13, $0xb8;
	[tilespmem:$0x1D000] =	vst v63  }
0x16d: {  	_ =	swait.ge [sflag:s17], $0x4000  }
0x16e: {  	[sflag:s17] =	ssyncset.done $0x0  }
0x16f: {  	s8 =	rddreg [dreg:$0xf];
	[sflag:s17] =	ssyncadd.s32 $0xFFFFC000  }
0x170: {  	[tilespmem:s14], [sflag:$0x1] =	stream.indirect.gather [hbm4b:s6+s13], $0x80, s8, s13, $0xb8;
	[tilespmem:$0x1D000] =	vst v63  }
0x171: {  	_ =	swait.ge [sflag:s18], $0x4000  }
0x172: {  	[sflag:s18] =	ssyncset.done $0x0  }
0x173: {  	s9 =	rddreg [dreg:$0x10];
	[sflag:s18] =	ssyncadd.s32 $0xFFFFC000  }
0x174: {  	[spmem:s2] =	stream.indirect.scatter.add.f32 [tilespmem:s15], [sflag:$0x4], $0x80, s9, s13, $0xb8;
	[tilespmem:$0x1D000] =	vst v63  }
0x175: {  	_ =	swait.ge [sflag:s19], $0x4000  }
0x176: {  	[sflag:s19] =	ssyncset.done $0x0  }
0x177: {  	s7 =	rddreg [dreg:$0x11];
	[sflag:s19] =	ssyncadd.s32 $0xFFFFC000  }
0x178: {  	[tilespmem:s15], [sflag:$0x2] =	stream.indirect.gather [hbm4b:s6+s13], $0x80, s7, s13, $0xb8;
	[tilespmem:$0x1D000] =	vst v63  }
0x179: {  	_ =	swait.ge [sflag:s16], $0x4000  }
0x17a: {  	[sflag:s16] =	ssyncset.done $0x0  }
0x17b: {  	s8 =	rddreg [dreg:$0x12];
	[sflag:s16] =	ssyncadd.s32 $0xFFFFC000  }
0x17c: {  	[spmem:s2] =	stream.indirect.scatter.add.f32 [tilespmem:s14], [sflag:$0x3], $0x80, s8, s13, $0xb8;
	[tilespmem:$0x1D000] =	vst v63  }
0x17d: {  	_ =	swait.ge [sflag:s17], $0x4000  }
0x17e: {  	[sflag:s17] =	ssyncset.done $0x0  }
0x17f: {  	s9 =	rddreg [dreg:$0x13];
	[sflag:s17] =	ssyncadd.s32 $0xFFFFC000  }
0x180: {  	[tilespmem:s14], [sflag:$0x1] =	stream.indirect.gather [hbm4b:s6+s13], $0x80, s9, s13, $0xb8;
	[tilespmem:$0x1D000] =	vst v63  }
0x181: {  	_ =	swait.ge [sflag:s18], $0x4000  }
0x182: {  	[sflag:s18] =	ssyncset.done $0x0  }
0x183: {  	s7 =	rddreg [dreg:$0x14];
	[sflag:s18] =	ssyncadd.s32 $0xFFFFC000  }
0x184: {  	[spmem:s2] =	stream.indirect.scatter.add.f32 [tilespmem:s15], [sflag:$0x4], $0x80, s7, s13, $0xb8;
	[tilespmem:$0x1D000] =	vst v63  }
0x185: {  	_ =	swait.ge [sflag:s19], $0x4000  }
0x186: {  	[sflag:s19] =	ssyncset.done $0x0  }
0x187: {  	s8 =	rddreg [dreg:$0x15];
	[sflag:s19] =	ssyncadd.s32 $0xFFFFC000  }
0x188: {  	[tilespmem:s15], [sflag:$0x2] =	stream.indirect.gather [hbm4b:s6+s13], $0x80, s8, s13, $0xb8;
	[tilespmem:$0x1D000] =	vst v63  }
0x189: {  	_ =	swait.ge [sflag:s16], $0x4000  }
0x18a: {  	[sflag:s16] =	ssyncset.done $0x0  }
0x18b: {  	[sflag:s16] =	ssyncadd.s32 $0xFFFFC000  }
0x18c: {  	[spmem:s2] =	stream.indirect.scatter.add.f32 [tilespmem:s14], [sflag:$0x3], $0x80, s20, s13, $0xb8;
	[tilespmem:$0x1D000] =	vst v63  }
0x18d: {  	_ =	swait.ge [sflag:s17], $0x4000  }
0x18e: {  	[sflag:s17] =	ssyncset.done $0x0  }
0x18f: {  	[sflag:s17] =	ssyncadd.s32 $0xFFFFC000  }
0x190: {  	[tilespmem:s14], [sflag:$0x1] =	stream.indirect.gather [hbm4b:s6+s13], $0x80, s21, s13, $0xb8;
	[tilespmem:$0x1D000] =	vst v63  }
0x191: {  	_ =	swait.ge [sflag:s18], $0x4000  }
0x192: {  	[sflag:s18] =	ssyncset.done $0x0  }
0x193: {  	[sflag:s18] =	ssyncadd.s32 $0xFFFFC000  }
0x194: {  	[spmem:s2] =	stream.indirect.scatter.add.f32 [tilespmem:s15], [sflag:$0x4], $0x80, s22, s13, $0xb8;
	[tilespmem:$0x1D000] =	vst v63  }
0x195: {  	_ =	swait.ge [sflag:s19], $0x4000  }
0x196: {  	[sflag:s19] =	ssyncset.done $0x0  }
0x197: {  	[sflag:s19] =	ssyncadd.s32 $0xFFFFC000  }
0x198: {  	[tilespmem:s15], [sflag:$0x2] =	stream.indirect.gather [hbm4b:s6+s13], $0x80, s23, s13, $0xb8;
	[tilespmem:$0x1D000] =	vst v63  }
0x199: {  	_ =	swait.ge [sflag:s16], $0x4000  }
0x19a: {  	[sflag:s16] =	ssyncset.done $0x0  }
0x19b: {  	[sflag:s16] =	ssyncadd.s32 $0xFFFFC000  }
0x19c: {  	[spmem:s2] =	stream.indirect.scatter.add.f32 [tilespmem:s14], [sflag:$0x3], $0x80, s24, s13, $0xb8;
	[tilespmem:$0x1D000] =	vst v63  }
0x19d: {  	_ =	swait.ge [sflag:s17], $0x4000  }
0x19e: {  	[sflag:s17] =	ssyncset.done $0x0  }
0x19f: {  	[sflag:s17] =	ssyncadd.s32 $0xFFFFC000  }
0x1a0: {  	[tilespmem:s14], [sflag:$0x1] =	stream.indirect.gather [hbm4b:s6+s13], $0x80, s25, s13, $0xb8;
	[tilespmem:$0x1D000] =	vst v63  }
0x1a1: {  	_ =	swait.ge [sflag:s18], $0x4000  }
0x1a2: {  	[sflag:s18] =	ssyncset.done $0x0  }
0x1a3: {  	[sflag:s18] =	ssyncadd.s32 $0xFFFFC000  }
0x1a4: {  	[spmem:s2] =	stream.indirect.scatter.add.f32 [tilespmem:s15], [sflag:$0x4], $0x80, s26, s13, $0xb8;
	[tilespmem:$0x1D000] =	vst v63  }
0x1a5: {  	_ =	swait.ge [sflag:s19], $0x4000  }
0x1a6: {  	[sflag:s19] =	ssyncset.done $0x0  }
0x1a7: {  	[sflag:s19] =	ssyncadd.s32 $0xFFFFC000  }
0x1a8: {  	[tilespmem:s15], [sflag:$0x2] =	stream.indirect.gather [hbm4b:s6+s13], $0x80, s28, s13, $0xb8;
	[tilespmem:$0x1D000] =	vst v63  }
0x1a9: {  	_ =	swait.ge [sflag:s16], $0x4000  }
0x1aa: {  	[sflag:s16] =	ssyncset.done $0x0  }
0x1ab: {  	[sflag:s16] =	ssyncadd.s32 $0xFFFFC000  }
0x1ac: {  	[spmem:s2] =	stream.indirect.scatter.add.f32 [tilespmem:s14], [sflag:$0x3], $0x80, s29, s13, $0xb8;
	[tilespmem:$0x1D000] =	vst v63  }
0x1ad: {  	_ =	swait.ge [sflag:s17], $0x4000  }
0x1ae: {  	[sflag:s17] =	ssyncset.done $0x0  }
0x1af: {  	[sflag:s17] =	ssyncadd.s32 $0xFFFFC000  }
0x1b0: {  	[tilespmem:s14], [sflag:$0x1] =	stream.indirect.gather [hbm4b:s6+s13], $0x80, s30, s13, $0xb8;
	[tilespmem:$0x1D000] =	vst v63  }
0x1b1: {  	_ =	swait.ge [sflag:s18], $0x4000  }
0x1b2: {  	[sflag:s18] =	ssyncset.done $0x0  }
0x1b3: {  	[sflag:s18] =	ssyncadd.s32 $0xFFFFC000  }
0x1b4: {  	[spmem:s2] =	stream.indirect.scatter.add.f32 [tilespmem:s15], [sflag:$0x4], $0x80, s31, s13, $0xb8;
	[tilespmem:$0x1D000] =	vst v63  }
0x1b5: {  	_ =	swait.ge [sflag:s19], $0x4000  }
0x1b6: {  	[sflag:s19] =	ssyncset.done $0x0  }
0x1b7: {  	[sflag:s19] =	ssyncadd.s32 $0xFFFFC000  }
0x1b8: {  	[tilespmem:s15], [sflag:$0x2] =	stream.indirect.gather [hbm4b:s6+s13], $0x80, s0, s13, $0xb8;
	[tilespmem:$0x1D000] =	vst v63  }
0x1b9: {  	_ =	swait.ge [sflag:s16], $0x4000  }
0x1ba: {  	[sflag:s16] =	ssyncset.done $0x0  }
0x1bb: {  	[sflag:s16] =	ssyncadd.s32 $0xFFFFC000  }
0x1bc: {  	[spmem:s2] =	stream.indirect.scatter.add.f32 [tilespmem:s14], [sflag:$0x3], $0x80, s1, s13, $0xb8;
	[tilespmem:$0x1D000] =	vst v63  }
0x1bd: {  	_ =	swait.ge [sflag:s18], $0x4000  }
0x1be: {  	[sflag:s18] =	ssyncset.done $0x0  }
0x1bf: {  	[sflag:s18] =	ssyncadd.s32 $0xFFFFC000  }
0x1c0: {  	[spmem:s2] =	stream.indirect.scatter.add.f32 [tilespmem:s15], [sflag:$0x4], $0x80, s4, s13, $0xb8;
	[tilespmem:$0x1D000] =	vst v63  }
0x1c1: {  	_ =	swait.ge [sflag:s17], $0x4000  }
0x1c2: {  	[sflag:s17] =	ssyncset.done $0x0  }
0x1c3: {  	[sflag:s17] =	ssyncadd.s32 $0xFFFFC000  }
0x1c4: {  	_ =	swait.ge [sflag:s19], $0x4000  }
0x1c5: {  	[sflag:s19] =	ssyncset.done $0x0  }
0x1c6: {  	[sflag:s19] =	ssyncadd.s32 $0xFFFFC000  }
0x1c7: {  	[bflag:$0x0] =	sbarrier.arrive $0xFFFF  }
0x1c8: {  	s8 =	rddreg [dreg:$0x17]  }
0x1c9: {  	s9 =	rddreg [dreg:$0x18]  }
0x1ca: {  	s7 =	rddreg [dreg:$0x1a]  }
0x1cb: {  	[hbm:s9], [sflag:s8] =	dma.local [spmem:s7], $0x2800  }
0x1cc: {  	_ =	swait.ge [sflag:s10], $0x2800  }
0x1cd: {  	s5 =	rddreg [dreg:$0x1b]  }
0x1ce: {  	s9 =	sadd.s32 $0x1, s5;
	s5 =	rddreg [dreg:$0x19]  }
0x1cf: {  	p0 =	sne.s32 s9, s5  }
.Ltmp1:
0x1d0: {  	_ = 	snop;
	(pc) =	sbr.rel @p0 .LBB2_1-.Ltmp1, $3  }
0x1d1: {  	_ =	sdelay $0x1  }
0x1d2: {  	[sflag:s10] =	ssyncset.done $0x0  }
0x1d3: {  	[sflag:s10] =	ssyncadd.s32 $0xFFFFD800  }
0x1d4: {  	_ =	sfence.sel $0x180000  }
0x1d5: {  	[bflag:$0x0] =	sbarrier.arrive $0xFFFF  }
0x1d6: {  	_ =	strace $0x9000004A  }
0x1d7: {  	s0 =	stileid.u32;
	[bflag:$0x2] =	sbarrier.arrive $0xFFFF  }
0x1d8: {  	p0 =	sne.s32 s0, $0x0;
	s0 =	rddreg [dreg:$0x3]  }
0x1d9: {  	s0 =	sadd.s32 @!p0 $0x100000, s0  }
0x1da: {  	[sflag:s0] =	ssyncadd.tile.s32 @!p0 $0x1;
	_ =	shalt  }
.Lfunc_end2:
_tile_overlayer_lowered:
.L_overlay_start_2:
0x1db: {  	(tag) =	ssettag $0x2  }
0x1dc: {  	s0 =	rddreg [dreg:$0x0];
	s2 =	stileid.u32  }
0x1dd: {  	s1 =	rddreg [dreg:$0x1];
	p0 =	sne.s32 s2, $0x0  }
0x1de: {  	s3 =	rddreg [dreg:$0x2];
	[bflag:$0x3] =	sbarrier.arrive $0xFFFF;
	s2 =	simm.s32 @!p0 $0x1C05  }
0x1df: {  	[timem:s3], [sflag:s2] =	dma.local @!p0 [hbm:s0], s1  }
0x1e0: {  	s0 =	simm.s32 @!p0 $0x5  }
0x1e1: {  	_ =	swait.ge @!p0 [sflag:s0], s1  }
0x1e2: {  	s1 =	ssub.s32 @!p0 $0x0, s1;
	[sflag:s0] =	ssyncset.done @!p0 $0x0  }
0x1e3: {  	[sflag:s0] =	ssyncadd.s32 @!p0 s1  }
0x1e4: {  	[bflag:$0x3] =	sbarrier.arrive $0xFFFF  }
0x1e5: {  	_ =	shalt  }

</sc_bundles>
